<compile_context>
chip_gen: v7x
topology: tpu7x:2x2x1
jax: 0.10.2.dev20260603
libtpu: 0.0.44.dev20260713+nightly
codegen_flags: <defaults>
</compile_context>

<pallas_src>
import functools

import jax
import jax.numpy as jnp
from jax import lax
from jax.experimental import pallas as pl
from jax.experimental.pallas import tpu as pltpu
from jax.experimental.pallas import tpu_sc as plsc

PAD = 1
SEQ = 4096
BATCH = 4
DIM = 1024
TOTAL = BATCH * SEQ
NUM_TILES = 32
TOK_PER_TILE = TOTAL // NUM_TILES
CHUNKS_PER_ROW = SEQ // TOK_PER_TILE
CH = 16
NCH = TOK_PER_TILE // CH
L = 16
NBUF = 5


def _sc_body(inp_hbm, table_hbm, out_hbm, tokens_v, idx_v, *rest):
  bufs = rest[:NBUF]
  gsems = rest[NBUF:2 * NBUF]
  osems = rest[2 * NBUF:3 * NBUF]
  nc = 2
  wid = lax.axis_index("s") * nc + lax.axis_index("c")
  row = wid // CHUNKS_PER_ROW
  chunk = wid % CHUNKS_PER_ROW
  rbase = row * SEQ

  pltpu.sync_copy(inp_hbm.at[pl.ds(rbase, SEQ)], tokens_v)

  nvecs = chunk * (TOK_PER_TILE // L)

  def obody(i, acc):
    for u in range(4):
      v = tokens_v[pl.ds(i * (4 * L) + u * L, L)]
      acc = acc + jnp.where(v != PAD, jnp.int32(1), jnp.int32(0))
    return acc

  accv = lax.fori_loop(0, nvecs // 4, obody, jnp.zeros((L,), jnp.int32))
  offset = jnp.sum(accv)

  base = chunk * TOK_PER_TILE
  out_base = rbase + base
  carry = [offset]

  def make_idx(g):
    v = tokens_v[pl.ds(base + g * L, L)]
    m = jnp.where(v != PAD, jnp.int32(1), jnp.int32(0))
    cs = jnp.cumsum(m) + carry[0]
    pos = jnp.where(v != PAD, cs, jnp.int32(0)) + PAD
    idx_v[pl.ds(g * L, L)] = pos
    carry[0] = cs[L - 1]

  gh = [None] * NBUF
  oh = [None] * NBUF

  def fire_gather(g):
    b = g % NBUF
    make_idx(g)
    gh[b] = pltpu.async_copy(
        table_hbm.at[idx_v.at[pl.ds(g * CH, CH)]], bufs[b], gsems[b])

  for g in range(min(NBUF - 1, NCH)):
    fire_gather(g)
  for g in range(NCH):
    b = g % NBUF
    gh[b].wait()
    oh[b] = pltpu.async_copy(
        bufs[b], out_hbm.at[pl.ds(out_base + g * CH, CH)], osems[b])
    nxt = g + NBUF - 1
    if nxt < NCH:
      nb = nxt % NBUF
      if oh[nb] is not None:
        oh[nb].wait()
      fire_gather(nxt)
  for g in range(max(0, NCH - (NBUF - 1)), NCH):
    oh[g % NBUF].wait()


@jax.jit
def _lookup(inp_flat, table):
  mesh = plsc.VectorSubcoreMesh(core_axis_name="c", subcore_axis_name="s")
  k = functools.partial(
      pl.kernel,
      mesh=mesh,
      compiler_params=pltpu.CompilerParams(needs_layout_passes=False),
      out_type=jax.ShapeDtypeStruct((TOTAL, DIM), jnp.float32),
      scratch_types=(
          [pltpu.VMEM((SEQ,), jnp.int32), pltpu.VMEM((TOK_PER_TILE,), jnp.int32)]
          + [pltpu.VMEM((CH, DIM), jnp.float32)] * NBUF
          + [pltpu.SemaphoreType.DMA] * (2 * NBUF)
      ),
  )(_sc_body)
  return k(inp_flat, table)


def kernel(input, table):
  out = _lookup(input.reshape(-1), table)
  return out.reshape(BATCH, SEQ, DIM)

# --- scband reference (transcript-rebuilt; emitter-appended) ---
"""Pipeline reference for scband-learned-positional-embedding-1769526526284 (READ-ONLY COPY).

The authoritative reference and input builder live on the scoring server;
editing this copy changes nothing except your own understanding.
"""

import jax, jax.numpy as jnp
import numpy as np

NUM_EMBEDDINGS = 4100
EMBED_DIM = 1024
PAD_INDEX = 1
BATCH = 4
SEQ_LEN = 4096


def setup_inputs(seed: int = 0) -> dict:
    key = jax.random.key(seed)
    k1, k2 = jax.random.split(key)
    # token ids; values in [0, 32000) -- occurrences equal to PAD_INDEX are treated as padding
    inp = jax.random.randint(k1, (BATCH, SEQ_LEN), 0, 32000, dtype=jnp.int32)
    # learned positional embedding table (nn.Embedding with padding_idx => pad row zeroed)
    table = jax.random.normal(k2, (NUM_EMBEDDINGS, EMBED_DIM), dtype=jnp.float32) * 0.02
    table = table.at[PAD_INDEX].set(0.0)
    return {"input": inp, "table": table}


def reference(input, table):
    # _make_positions: positions = cumsum(tensor != pad, dim=1) * mask + pad_index
    masked = (input != PAD_INDEX).astype(jnp.int32)
    positions = jnp.cumsum(masked, axis=1) * masked + PAD_INDEX
    # embedding lookup (gather rows)
    return jnp.take(table, positions, axis=0)

if __name__ == "__main__":
    import jax
    _d = setup_inputs()
    print(jax.jit(kernel)(*tuple(_d.values())))

</pallas_src>

<mosaic_0001>
#map = affine_map<(d0, d1) -> (0)>
#map1 = affine_map<(d0, d1) -> (0, 0)>
module attributes {stable_mosaic.version = 14 : i64} {
  func.func @_sc_body(%arg0: i32, %arg1: i32, %arg2: memref<16384xi32, #tpu.memory_space<hbm>>, %arg3: memref<4100x1024xf32, #tpu.memory_space<hbm>>, %arg4: memref<16384x1024xf32, #tpu.memory_space<hbm>>, %arg5: memref<4096xi32, #tpu.memory_space<vmem>>, %arg6: memref<512xi32, #tpu.memory_space<vmem>>, %arg7: memref<16x1024xf32, #tpu.memory_space<vmem>>, %arg8: memref<16x1024xf32, #tpu.memory_space<vmem>>, %arg9: memref<16x1024xf32, #tpu.memory_space<vmem>>, %arg10: memref<16x1024xf32, #tpu.memory_space<vmem>>, %arg11: memref<16x1024xf32, #tpu.memory_space<vmem>>, %arg12: memref<!tpu.dma_semaphore, #tpu.memory_space<semaphore_mem>>, %arg13: memref<!tpu.dma_semaphore, #tpu.memory_space<semaphore_mem>>, %arg14: memref<!tpu.dma_semaphore, #tpu.memory_space<semaphore_mem>>, %arg15: memref<!tpu.dma_semaphore, #tpu.memory_space<semaphore_mem>>, %arg16: memref<!tpu.dma_semaphore, #tpu.memory_space<semaphore_mem>>, %arg17: memref<!tpu.dma_semaphore, #tpu.memory_space<semaphore_mem>>, %arg18: memref<!tpu.dma_semaphore, #tpu.memory_space<semaphore_mem>>, %arg19: memref<!tpu.dma_semaphore, #tpu.memory_space<semaphore_mem>>, %arg20: memref<!tpu.dma_semaphore, #tpu.memory_space<semaphore_mem>>, %arg21: memref<!tpu.dma_semaphore, #tpu.memory_space<semaphore_mem>>) attributes {dimension_semantics = [#tpu.dimension_semantics<core_parallel>, #tpu.dimension_semantics<subcore_parallel>], iteration_bounds = array<i64: 2, 16>, scalar_prefetch = 0 : i64, scratch_operands = 17 : i64, tpu.core_type = #tpu.core_type<sc_vector_subcore>, window_params = [{transform_indices = #map}, {transform_indices = #map1}, {transform_indices = #map1}]} {
    %mul3A = arith.constant 2 : i32
    %mul3A_0 = arith.muli %arg1, %mul3A : i32
    %add3A = arith.addi %mul3A_0, %arg0 : i32
    %jit3A = arith.constant 8 : i32
    %div3A = arith.divsi %add3A, %jit3A : i32
    %sign3A = arith.constant 0 : i32
    %sign3A_1 = arith.cmpi sgt, %add3A, %sign3A : i32
    %sign3A_2 = arith.extui %sign3A_1 : i1 to i32
    %sign3A_3 = arith.constant 0 : i32
    %sign3A_4 = arith.cmpi slt, %add3A, %sign3A_3 : i32
    %sign3A_5 = arith.extui %sign3A_4 : i1 to i32
    %sign3A_6 = arith.subi %sign3A_2, %sign3A_5 : i32
    %sign3A_7 = arith.constant 0 : i32
    %sign3A_8 = arith.cmpi sgt, %jit3A, %sign3A_7 : i32
    %sign3A_9 = arith.extui %sign3A_8 : i1 to i32
    %sign3A_10 = arith.constant 0 : i32
    %sign3A_11 = arith.cmpi slt, %jit3A, %sign3A_10 : i32
    %sign3A_12 = arith.extui %sign3A_11 : i1 to i32
    %sign3A_13 = arith.subi %sign3A_9, %sign3A_12 : i32
    %ne3A = arith.cmpi ne, %sign3A_6, %sign3A_13 : i32
    %rem3A = arith.remsi %add3A, %jit3A : i32
    %ne3A_14 = arith.constant 0 : i32
    %ne3A_15 = arith.cmpi ne, %rem3A, %ne3A_14 : i32
    %and3A = arith.andi %ne3A, %ne3A_15 : i1
    %sub3A = arith.constant 1 : i32
    %sub3A_16 = arith.subi %div3A, %sub3A : i32
    %select_n3A = arith.select %and3A, %sub3A_16, %div3A : i32
    %jit3A_17 = arith.constant 8 : i32
    %eq3A = arith.constant 0 : i32
    %eq3A_18 = arith.cmpi eq, %jit3A_17, %eq3A : i32
    %jit3A_19 = arith.constant 1 : i32
    %select_n3A_20 = arith.select %eq3A_18, %jit3A_19, %jit3A_17 : i32
    %rem3A_21 = arith.remsi %add3A, %select_n3A_20 : i32
    %ne3A_22 = arith.constant 0 : i32
    %ne3A_23 = arith.cmpi ne, %rem3A_21, %ne3A_22 : i32
    %lt3A = arith.constant 0 : i32
    %lt3A_24 = arith.cmpi slt, %rem3A_21, %lt3A : i32
    %lt3A_25 = arith.constant 0 : i32
    %lt3A_26 = arith.cmpi slt, %select_n3A_20, %lt3A_25 : i32
    %ne3A_27 = arith.xori %lt3A_24, %lt3A_26 : i1
    %and3A_28 = arith.andi %ne3A_27, %ne3A_23 : i1
    %add3A_29 = arith.addi %rem3A_21, %select_n3A_20 : i32
    %select_n3A_30 = arith.select %and3A_28, %add3A_29, %rem3A_21 : i32
    %mul3A_31 = arith.constant 4096 : i32
    %mul3A_32 = arith.muli %select_n3A, %mul3A_31 : i32
    "tpu.region"() ({
      %run_scoped3A = tpu.sem_alloc : memref<!tpu.dma_semaphore, #tpu.memory_space<semaphore_mem>>
      %dma_start3A_1665 = tpu.memref_slice %arg2[%mul3A_32] : memref<16384xi32, #tpu.memory_space<hbm>> -> memref<4096xi32, #tpu.memory_space<hbm>>
      %dma_start3A_1666 = tpu.memref_slice %arg2[%mul3A_32] : memref<16384xi32, #tpu.memory_space<hbm>> -> memref<4096xi32, #tpu.memory_space<hbm>>
      tpu.enqueue_dma source(%dma_start3A_1666 : memref<4096xi32, #tpu.memory_space<hbm>>) target(%arg5 : memref<4096xi32, #tpu.memory_space<vmem>>) target_semaphore(%run_scoped3A : memref<!tpu.dma_semaphore, #tpu.memory_space<semaphore_mem>>)
      %dma_wait3A_1667 = tpu.memref_slice %arg2[%mul3A_32] : memref<16384xi32, #tpu.memory_space<hbm>> -> memref<4096xi32, #tpu.memory_space<hbm>>
      %dma_wait3A_1668 = tpu.memref_slice %arg2[%mul3A_32] : memref<16384xi32, #tpu.memory_space<hbm>> -> memref<4096xi32, #tpu.memory_space<hbm>>
      tpu.wait_dma2 semaphore(%run_scoped3A : memref<!tpu.dma_semaphore, #tpu.memory_space<semaphore_mem>>) src(%dma_wait3A_1668 : memref<4096xi32, #tpu.memory_space<hbm>>) dst(%arg5 : memref<4096xi32, #tpu.memory_space<vmem>>)
      tpu.yield
    }) : () -> ()
    %mul3A_33 = arith.constant 32 : i32
    %mul3A_34 = arith.muli %select_n3A_30, %mul3A_33 : i32
    %jit3A_35 = arith.constant 4 : i32
    %div3A_36 = arith.divsi %mul3A_34, %jit3A_35 : i32
    %sign3A_37 = arith.constant 0 : i32
    %sign3A_38 = arith.cmpi sgt, %mul3A_34, %sign3A_37 : i32
    %sign3A_39 = arith.extui %sign3A_38 : i1 to i32
    %sign3A_40 = arith.constant 0 : i32
    %sign3A_41 = arith.cmpi slt, %mul3A_34, %sign3A_40 : i32
    %sign3A_42 = arith.extui %sign3A_41 : i1 to i32
    %sign3A_43 = arith.subi %sign3A_39, %sign3A_42 : i32
    %sign3A_44 = arith.constant 0 : i32
    %sign3A_45 = arith.cmpi sgt, %jit3A_35, %sign3A_44 : i32
    %sign3A_46 = arith.extui %sign3A_45 : i1 to i32
    %sign3A_47 = arith.constant 0 : i32
    %sign3A_48 = arith.cmpi slt, %jit3A_35, %sign3A_47 : i32
    %sign3A_49 = arith.extui %sign3A_48 : i1 to i32
    %sign3A_50 = arith.subi %sign3A_46, %sign3A_49 : i32
    %ne3A_51 = arith.cmpi ne, %sign3A_43, %sign3A_50 : i32
    %rem3A_52 = arith.remsi %mul3A_34, %jit3A_35 : i32
    %ne3A_53 = arith.constant 0 : i32
    %ne3A_54 = arith.cmpi ne, %rem3A_52, %ne3A_53 : i32
    %and3A_55 = arith.andi %ne3A_51, %ne3A_54 : i1
    %sub3A_56 = arith.constant 1 : i32
    %sub3A_57 = arith.subi %div3A_36, %sub3A_56 : i32
    %select_n3A_58 = arith.select %and3A_55, %sub3A_57, %div3A_36 : i32
    %broadcast_in_dim3A = arith.constant 0 : i32
    %broadcast_in_dim3A_59 = vector.broadcast %broadcast_in_dim3A : i32 to vector<16xi32>
    %while3A = arith.constant 0 : i32
    %while3A_60 = arith.subi %select_n3A_58, %while3A : i32
    %while3A_61 = arith.addi %while3A, %while3A_60 : i32
    %while3A_62 = arith.constant 1 : i32
    %while3A_63 = arith.divsi %while3A_60, %while3A_62 : i32
    %while3A_64 = arith.muli %while3A_63, %while3A_62 : i32
    %while3A_65 = arith.addi %while3A, %while3A_64 : i32
    %while3A_66 = arith.constant 1 : i32
    %while3A_67 = scf.for %while3A_1665 = %while3A to %while3A_65 step %while3A_66 iter_args(%while3A_1666 = %broadcast_in_dim3A_59) -> (vector<16xi32>)  : i32 {
      %mul3A_1667 = arith.constant 64 : i32
      %mul3A_1668 = arith.muli %while3A_1665, %mul3A_1667 : i32
      %add3A_1669 = arith.constant 0 : i32
      %add3A_1670 = arith.addi %mul3A_1668, %add3A_1669 : i32
      %get3A_1671 = arith.index_cast %add3A_1670 : i32 to index
      %get3A_1672 = tpu.vector_load %arg5[%get3A_1671] {strides = array<i32>} : memref<4096xi32, #tpu.memory_space<vmem>>, vector<16xi32>,
      %ne3A_1673 = arith.constant 1 : i32
      %ne3A_1674 = vector.broadcast %ne3A_1673 : i32 to vector<16xi32>
      %ne3A_1675 = arith.cmpi ne, %get3A_1672, %ne3A_1674 : vector<16xi32>
      %jit3A_1676 = arith.constant 1 : i32
      %jit3A_1677 = arith.constant 0 : i32
      %broadcast_in_dim3A_1678 = vector.broadcast %jit3A_1676 : i32 to vector<16xi32>
      %broadcast_in_dim3A_1679 = vector.broadcast %jit3A_1677 : i32 to vector<16xi32>
      %select_n3A_1680 = arith.select %ne3A_1675, %broadcast_in_dim3A_1678, %broadcast_in_dim3A_1679 : vector<16xi1>, vector<16xi32>
      %add3A_1681 = arith.addi %while3A_1666, %select_n3A_1680 : vector<16xi32>
      %mul3A_1682 = arith.constant 64 : i32
      %mul3A_1683 = arith.muli %while3A_1665, %mul3A_1682 : i32
      %add3A_1684 = arith.constant 16 : i32
      %add3A_1685 = arith.addi %mul3A_1683, %add3A_1684 : i32
      %get3A_1686 = arith.index_cast %add3A_1685 : i32 to index
      %get3A_1687 = tpu.vector_load %arg5[%get3A_1686] {strides = array<i32>} : memref<4096xi32, #tpu.memory_space<vmem>>, vector<16xi32>,
      %ne3A_1688 = arith.constant 1 : i32
      %ne3A_1689 = vector.broadcast %ne3A_1688 : i32 to vector<16xi32>
      %ne3A_1690 = arith.cmpi ne, %get3A_1687, %ne3A_1689 : vector<16xi32>
      %jit3A_1691 = arith.constant 1 : i32
      %jit3A_1692 = arith.constant 0 : i32
      %broadcast_in_dim3A_1693 = vector.broadcast %jit3A_1691 : i32 to vector<16xi32>
      %broadcast_in_dim3A_1694 = vector.broadcast %jit3A_1692 : i32 to vector<16xi32>
      %select_n3A_1695 = arith.select %ne3A_1690, %broadcast_in_dim3A_1693, %broadcast_in_dim3A_1694 : vector<16xi1>, vector<16xi32>
      %add3A_1696 = arith.addi %add3A_1681, %select_n3A_1695 : vector<16xi32>
      %mul3A_1697 = arith.constant 64 : i32
      %mul3A_1698 = arith.muli %while3A_1665, %mul3A_1697 : i32
      %add3A_1699 = arith.constant 32 : i32
      %add3A_1700 = arith.addi %mul3A_1698, %add3A_1699 : i32
      %get3A_1701 = arith.index_cast %add3A_1700 : i32 to index
      %get3A_1702 = tpu.vector_load %arg5[%get3A_1701] {strides = array<i32>} : memref<4096xi32, #tpu.memory_space<vmem>>, vector<16xi32>,
      %ne3A_1703 = arith.constant 1 : i32
      %ne3A_1704 = vector.broadcast %ne3A_1703 : i32 to vector<16xi32>
      %ne3A_1705 = arith.cmpi ne, %get3A_1702, %ne3A_1704 : vector<16xi32>
      %jit3A_1706 = arith.constant 1 : i32
      %jit3A_1707 = arith.constant 0 : i32
      %broadcast_in_dim3A_1708 = vector.broadcast %jit3A_1706 : i32 to vector<16xi32>
      %broadcast_in_dim3A_1709 = vector.broadcast %jit3A_1707 : i32 to vector<16xi32>
      %select_n3A_1710 = arith.select %ne3A_1705, %broadcast_in_dim3A_1708, %broadcast_in_dim3A_1709 : vector<16xi1>, vector<16xi32>
      %add3A_1711 = arith.addi %add3A_1696, %select_n3A_1710 : vector<16xi32>
      %mul3A_1712 = arith.constant 64 : i32
      %mul3A_1713 = arith.muli %while3A_1665, %mul3A_1712 : i32
      %add3A_1714 = arith.constant 48 : i32
      %add3A_1715 = arith.addi %mul3A_1713, %add3A_1714 : i32
      %get3A_1716 = arith.index_cast %add3A_1715 : i32 to index
      %get3A_1717 = tpu.vector_load %arg5[%get3A_1716] {strides = array<i32>} : memref<4096xi32, #tpu.memory_space<vmem>>, vector<16xi32>,
      %ne3A_1718 = arith.constant 1 : i32
      %ne3A_1719 = vector.broadcast %ne3A_1718 : i32 to vector<16xi32>
      %ne3A_1720 = arith.cmpi ne, %get3A_1717, %ne3A_1719 : vector<16xi32>
      %jit3A_1721 = arith.constant 1 : i32
      %jit3A_1722 = arith.constant 0 : i32
      %broadcast_in_dim3A_1723 = vector.broadcast %jit3A_1721 : i32 to vector<16xi32>
      %broadcast_in_dim3A_1724 = vector.broadcast %jit3A_1722 : i32 to vector<16xi32>
      %select_n3A_1725 = arith.select %ne3A_1720, %broadcast_in_dim3A_1723, %broadcast_in_dim3A_1724 : vector<16xi1>, vector<16xi32>
      %add3A_1726 = arith.addi %add3A_1711, %select_n3A_1725 : vector<16xi32>
      scf.yield %add3A_1726 : vector<16xi32>
    }
    %while3A_68 = arith.constant 1 : i32
    %while3A_69 = scf.for %while3A_1665 = %while3A_65 to %while3A_61 step %while3A_68 iter_args(%while3A_1666 = %while3A_67) -> (vector<16xi32>)  : i32 {
      %mul3A_1667 = arith.constant 64 : i32
      %mul3A_1668 = arith.muli %while3A_1665, %mul3A_1667 : i32
      %add3A_1669 = arith.constant 0 : i32
      %add3A_1670 = arith.addi %mul3A_1668, %add3A_1669 : i32
      %get3A_1671 = arith.index_cast %add3A_1670 : i32 to index
      %get3A_1672 = tpu.vector_load %arg5[%get3A_1671] {strides = array<i32>} : memref<4096xi32, #tpu.memory_space<vmem>>, vector<16xi32>,
      %ne3A_1673 = arith.constant 1 : i32
      %ne3A_1674 = vector.broadcast %ne3A_1673 : i32 to vector<16xi32>
      %ne3A_1675 = arith.cmpi ne, %get3A_1672, %ne3A_1674 : vector<16xi32>
      %jit3A_1676 = arith.constant 1 : i32
      %jit3A_1677 = arith.constant 0 : i32
      %broadcast_in_dim3A_1678 = vector.broadcast %jit3A_1676 : i32 to vector<16xi32>
      %broadcast_in_dim3A_1679 = vector.broadcast %jit3A_1677 : i32 to vector<16xi32>
      %select_n3A_1680 = arith.select %ne3A_1675, %broadcast_in_dim3A_1678, %broadcast_in_dim3A_1679 : vector<16xi1>, vector<16xi32>
      %add3A_1681 = arith.addi %while3A_1666, %select_n3A_1680 : vector<16xi32>
      %mul3A_1682 = arith.constant 64 : i32
      %mul3A_1683 = arith.muli %while3A_1665, %mul3A_1682 : i32
      %add3A_1684 = arith.constant 16 : i32
      %add3A_1685 = arith.addi %mul3A_1683, %add3A_1684 : i32
      %get3A_1686 = arith.index_cast %add3A_1685 : i32 to index
      %get3A_1687 = tpu.vector_load %arg5[%get3A_1686] {strides = array<i32>} : memref<4096xi32, #tpu.memory_space<vmem>>, vector<16xi32>,
      %ne3A_1688 = arith.constant 1 : i32
      %ne3A_1689 = vector.broadcast %ne3A_1688 : i32 to vector<16xi32>
      %ne3A_1690 = arith.cmpi ne, %get3A_1687, %ne3A_1689 : vector<16xi32>
      %jit3A_1691 = arith.constant 1 : i32
      %jit3A_1692 = arith.constant 0 : i32
      %broadcast_in_dim3A_1693 = vector.broadcast %jit3A_1691 : i32 to vector<16xi32>
      %broadcast_in_dim3A_1694 = vector.broadcast %jit3A_1692 : i32 to vector<16xi32>
      %select_n3A_1695 = arith.select %ne3A_1690, %broadcast_in_dim3A_1693, %broadcast_in_dim3A_1694 : vector<16xi1>, vector<16xi32>
      %add3A_1696 = arith.addi %add3A_1681, %select_n3A_1695 : vector<16xi32>
      %mul3A_1697 = arith.constant 64 : i32
      %mul3A_1698 = arith.muli %while3A_1665, %mul3A_1697 : i32
      %add3A_1699 = arith.constant 32 : i32
      %add3A_1700 = arith.addi %mul3A_1698, %add3A_1699 : i32
      %get3A_1701 = arith.index_cast %add3A_1700 : i32 to index
      %get3A_1702 = tpu.vector_load %arg5[%get3A_1701] {strides = array<i32>} : memref<4096xi32, #tpu.memory_space<vmem>>, vector<16xi32>,
      %ne3A_1703 = arith.constant 1 : i32
      %ne3A_1704 = vector.broadcast %ne3A_1703 : i32 to vector<16xi32>
      %ne3A_1705 = arith.cmpi ne, %get3A_1702, %ne3A_1704 : vector<16xi32>
      %jit3A_1706 = arith.constant 1 : i32
      %jit3A_1707 = arith.constant 0 : i32
      %broadcast_in_dim3A_1708 = vector.broadcast %jit3A_1706 : i32 to vector<16xi32>
      %broadcast_in_dim3A_1709 = vector.broadcast %jit3A_1707 : i32 to vector<16xi32>
      %select_n3A_1710 = arith.select %ne3A_1705, %broadcast_in_dim3A_1708, %broadcast_in_dim3A_1709 : vector<16xi1>, vector<16xi32>
      %add3A_1711 = arith.addi %add3A_1696, %select_n3A_1710 : vector<16xi32>
      %mul3A_1712 = arith.constant 64 : i32
      %mul3A_1713 = arith.muli %while3A_1665, %mul3A_1712 : i32
      %add3A_1714 = arith.constant 48 : i32
      %add3A_1715 = arith.addi %mul3A_1713, %add3A_1714 : i32
      %get3A_1716 = arith.index_cast %add3A_1715 : i32 to index
      %get3A_1717 = tpu.vector_load %arg5[%get3A_1716] {strides = array<i32>} : memref<4096xi32, #tpu.memory_space<vmem>>, vector<16xi32>,
      %ne3A_1718 = arith.constant 1 : i32
      %ne3A_1719 = vector.broadcast %ne3A_1718 : i32 to vector<16xi32>
      %ne3A_1720 = arith.cmpi ne, %get3A_1717, %ne3A_1719 : vector<16xi32>
      %jit3A_1721 = arith.constant 1 : i32
      %jit3A_1722 = arith.constant 0 : i32
      %broadcast_in_dim3A_1723 = vector.broadcast %jit3A_1721 : i32 to vector<16xi32>
      %broadcast_in_dim3A_1724 = vector.broadcast %jit3A_1722 : i32 to vector<16xi32>
      %select_n3A_1725 = arith.select %ne3A_1720, %broadcast_in_dim3A_1723, %broadcast_in_dim3A_1724 : vector<16xi1>, vector<16xi32>
      %add3A_1726 = arith.addi %add3A_1711, %select_n3A_1725 : vector<16xi32>
      scf.yield %add3A_1726 : vector<16xi32>
    }
    %reduce_sum3A = arith.constant true
    %reduce_sum3A_70 = vector.broadcast %reduce_sum3A : i1 to vector<16xi1>
    %reduce_sum3A_71 = tpu.scan <sum>, %while3A_69 masked %reduce_sum3A_70 : vector<16xi32>, vector<16xi1> -> vector<16xi32>
    %reduce_sum3A_72 = vector.extract %reduce_sum3A_71[15] : i32 from vector<16xi32>
    %mul3A_73 = arith.constant 512 : i32
    %mul3A_74 = arith.muli %select_n3A_30, %mul3A_73 : i32
    %add3A_75 = arith.addi %mul3A_32, %mul3A_74 : i32
    %add3A_76 = arith.constant 0 : i32
    %add3A_77 = arith.addi %mul3A_74, %add3A_76 : i32
    %get3A = arith.index_cast %add3A_77 : i32 to index
    %get3A_78 = tpu.vector_load %arg5[%get3A] {strides = array<i32>} : memref<4096xi32, #tpu.memory_space<vmem>>, vector<16xi32>,
    %ne3A_79 = arith.constant 1 : i32
    %ne3A_80 = vector.broadcast %ne3A_79 : i32 to vector<16xi32>
    %ne3A_81 = arith.cmpi ne, %get3A_78, %ne3A_80 : vector<16xi32>
    %jit3A_82 = arith.constant 1 : i32
    %jit3A_83 = arith.constant 0 : i32
    %broadcast_in_dim3A_84 = vector.broadcast %jit3A_82 : i32 to vector<16xi32>
    %broadcast_in_dim3A_85 = vector.broadcast %jit3A_83 : i32 to vector<16xi32>
    %select_n3A_86 = arith.select %ne3A_81, %broadcast_in_dim3A_84, %broadcast_in_dim3A_85 : vector<16xi1>, vector<16xi32>
    %cumsum3A = arith.constant true
    %cumsum3A_87 = vector.broadcast %cumsum3A : i1 to vector<16xi1>
    %cumsum3A_88 = tpu.scan <sum>, %select_n3A_86 masked %cumsum3A_87 : vector<16xi32>, vector<16xi1> -> vector<16xi32>
    %add3A_89 = vector.broadcast %reduce_sum3A_72 : i32 to vector<16xi32>
    %add3A_90 = arith.addi %cumsum3A_88, %add3A_89 : vector<16xi32>
    %ne3A_91 = arith.constant 1 : i32
    %ne3A_92 = vector.broadcast %ne3A_91 : i32 to vector<16xi32>
    %ne3A_93 = arith.cmpi ne, %get3A_78, %ne3A_92 : vector<16xi32>
    %jit3A_94 = arith.constant 0 : i32
    %broadcast_in_dim3A_95 = vector.broadcast %jit3A_94 : i32 to vector<16xi32>
    %select_n3A_96 = arith.select %ne3A_93, %add3A_90, %broadcast_in_dim3A_95 : vector<16xi1>, vector<16xi32>
    %add3A_97 = arith.constant 1 : i32
    %add3A_98 = vector.broadcast %add3A_97 : i32 to vector<16xi32>
    %add3A_99 = arith.addi %select_n3A_96, %add3A_98 : vector<16xi32>
    %swap3A = arith.constant 0 : index
    %swap3A_100 = tpu.vector_load %arg6[%swap3A] {strides = array<i32>} : memref<512xi32, #tpu.memory_space<vmem>>, vector<16xi32>,
    tpu.vector_store %arg6[%swap3A], %add3A_99 {strides = array<i32>} : memref<512xi32, #tpu.memory_space<vmem>>, vector<16xi32>,
    %slice3A = vector.extract_strided_slice %add3A_90 {offsets = [15], sizes = [1], strides = [1]} : vector<16xi32> to vector<1xi32>
    %squeeze3A = vector.extract %slice3A[0] : i32 from vector<1xi32>
    %dma_start3A = arith.constant 0 : i32
    %dma_start3A_101 = tpu.memref_slice %arg6[%dma_start3A] : memref<512xi32, #tpu.memory_space<vmem>> -> memref<16xi32, #tpu.memory_space<vmem>>
    %dma_start3A_102 = arith.constant 0 : i32
    %dma_start3A_103 = arith.constant 0 : i32
    %dma_start3A_104 = tpu.memref_slice %arg3[%dma_start3A_102, %dma_start3A_103] : memref<4100x1024xf32, #tpu.memory_space<hbm>> -> memref<4100x1024xf32, #tpu.memory_space<hbm>>
    tpu.enqueue_indirect_dma source(%dma_start3A_104 : memref<4100x1024xf32, #tpu.memory_space<hbm>>) target(%arg7 : memref<16x1024xf32, #tpu.memory_space<vmem>>) offsets(%dma_start3A_101 : memref<16xi32, #tpu.memory_space<vmem>>) semaphore(%arg12 : memref<!tpu.dma_semaphore, #tpu.memory_space<semaphore_mem>>)
    %add3A_105 = arith.constant 16 : i32
    %add3A_106 = arith.addi %mul3A_74, %add3A_105 : i32
    %get3A_107 = arith.index_cast %add3A_106 : i32 to index
    %get3A_108 = tpu.vector_load %arg5[%get3A_107] {strides = array<i32>} : memref<4096xi32, #tpu.memory_space<vmem>>, vector<16xi32>,
    %ne3A_109 = arith.constant 1 : i32
    %ne3A_110 = vector.broadcast %ne3A_109 : i32 to vector<16xi32>
    %ne3A_111 = arith.cmpi ne, %get3A_108, %ne3A_110 : vector<16xi32>
    %jit3A_112 = arith.constant 1 : i32
    %jit3A_113 = arith.constant 0 : i32
    %broadcast_in_dim3A_114 = vector.broadcast %jit3A_112 : i32 to vector<16xi32>
    %broadcast_in_dim3A_115 = vector.broadcast %jit3A_113 : i32 to vector<16xi32>
    %select_n3A_116 = arith.select %ne3A_111, %broadcast_in_dim3A_114, %broadcast_in_dim3A_115 : vector<16xi1>, vector<16xi32>
    %cumsum3A_117 = arith.constant true
    %cumsum3A_118 = vector.broadcast %cumsum3A_117 : i1 to vector<16xi1>
    %cumsum3A_119 = tpu.scan <sum>, %select_n3A_116 masked %cumsum3A_118 : vector<16xi32>, vector<16xi1> -> vector<16xi32>
    %add3A_120 = vector.broadcast %squeeze3A : i32 to vector<16xi32>
    %add3A_121 = arith.addi %cumsum3A_119, %add3A_120 : vector<16xi32>
    %ne3A_122 = arith.constant 1 : i32
    %ne3A_123 = vector.broadcast %ne3A_122 : i32 to vector<16xi32>
    %ne3A_124 = arith.cmpi ne, %get3A_108, %ne3A_123 : vector<16xi32>
    %jit3A_125 = arith.constant 0 : i32
    %broadcast_in_dim3A_126 = vector.broadcast %jit3A_125 : i32 to vector<16xi32>
    %select_n3A_127 = arith.select %ne3A_124, %add3A_121, %broadcast_in_dim3A_126 : vector<16xi1>, vector<16xi32>
    %add3A_128 = arith.constant 1 : i32
    %add3A_129 = vector.broadcast %add3A_128 : i32 to vector<16xi32>
    %add3A_130 = arith.addi %select_n3A_127, %add3A_129 : vector<16xi32>
    %swap3A_131 = arith.constant 16 : index
    %swap3A_132 = tpu.vector_load %arg6[%swap3A_131] {strides = array<i32>} : memref<512xi32, #tpu.memory_space<vmem>>, vector<16xi32>,
    tpu.vector_store %arg6[%swap3A_131], %add3A_130 {strides = array<i32>} : memref<512xi32, #tpu.memory_space<vmem>>, vector<16xi32>,
    %slice3A_133 = vector.extract_strided_slice %add3A_121 {offsets = [15], sizes = [1], strides = [1]} : vector<16xi32> to vector<1xi32>
    %squeeze3A_134 = vector.extract %slice3A_133[0] : i32 from vector<1xi32>
    %dma_start3A_135 = arith.constant 16 : i32
    %dma_start3A_136 = tpu.memref_slice %arg6[%dma_start3A_135] : memref<512xi32, #tpu.memory_space<vmem>> -> memref<16xi32, #tpu.memory_space<vmem>>
    %dma_start3A_137 = arith.constant 0 : i32
    %dma_start3A_138 = arith.constant 0 : i32
    %dma_start3A_139 = tpu.memref_slice %arg3[%dma_start3A_137, %dma_start3A_138] : memref<4100x1024xf32, #tpu.memory_space<hbm>> -> memref<4100x1024xf32, #tpu.memory_space<hbm>>
    tpu.enqueue_indirect_dma source(%dma_start3A_139 : memref<4100x1024xf32, #tpu.memory_space<hbm>>) target(%arg8 : memref<16x1024xf32, #tpu.memory_space<vmem>>) offsets(%dma_start3A_136 : memref<16xi32, #tpu.memory_space<vmem>>) semaphore(%arg13 : memref<!tpu.dma_semaphore, #tpu.memory_space<semaphore_mem>>)
    %add3A_140 = arith.constant 32 : i32
    %add3A_141 = arith.addi %mul3A_74, %add3A_140 : i32
    %get3A_142 = arith.index_cast %add3A_141 : i32 to index
    %get3A_143 = tpu.vector_load %arg5[%get3A_142] {strides = array<i32>} : memref<4096xi32, #tpu.memory_space<vmem>>, vector<16xi32>,
    %ne3A_144 = arith.constant 1 : i32
    %ne3A_145 = vector.broadcast %ne3A_144 : i32 to vector<16xi32>
    %ne3A_146 = arith.cmpi ne, %get3A_143, %ne3A_145 : vector<16xi32>
    %jit3A_147 = arith.constant 1 : i32
    %jit3A_148 = arith.constant 0 : i32
    %broadcast_in_dim3A_149 = vector.broadcast %jit3A_147 : i32 to vector<16xi32>
    %broadcast_in_dim3A_150 = vector.broadcast %jit3A_148 : i32 to vector<16xi32>
    %select_n3A_151 = arith.select %ne3A_146, %broadcast_in_dim3A_149, %broadcast_in_dim3A_150 : vector<16xi1>, vector<16xi32>
    %cumsum3A_152 = arith.constant true
    %cumsum3A_153 = vector.broadcast %cumsum3A_152 : i1 to vector<16xi1>
    %cumsum3A_154 = tpu.scan <sum>, %select_n3A_151 masked %cumsum3A_153 : vector<16xi32>, vector<16xi1> -> vector<16xi32>
    %add3A_155 = vector.broadcast %squeeze3A_134 : i32 to vector<16xi32>
    %add3A_156 = arith.addi %cumsum3A_154, %add3A_155 : vector<16xi32>
    %ne3A_157 = arith.constant 1 : i32
    %ne3A_158 = vector.broadcast %ne3A_157 : i32 to vector<16xi32>
    %ne3A_159 = arith.cmpi ne, %get3A_143, %ne3A_158 : vector<16xi32>
    %jit3A_160 = arith.constant 0 : i32
    %broadcast_in_dim3A_161 = vector.broadcast %jit3A_160 : i32 to vector<16xi32>
    %select_n3A_162 = arith.select %ne3A_159, %add3A_156, %broadcast_in_dim3A_161 : vector<16xi1>, vector<16xi32>
    %add3A_163 = arith.constant 1 : i32
    %add3A_164 = vector.broadcast %add3A_163 : i32 to vector<16xi32>
    %add3A_165 = arith.addi %select_n3A_162, %add3A_164 : vector<16xi32>
    %swap3A_166 = arith.constant 32 : index
    %swap3A_167 = tpu.vector_load %arg6[%swap3A_166] {strides = array<i32>} : memref<512xi32, #tpu.memory_space<vmem>>, vector<16xi32>,
    tpu.vector_store %arg6[%swap3A_166], %add3A_165 {strides = array<i32>} : memref<512xi32, #tpu.memory_space<vmem>>, vector<16xi32>,
    %slice3A_168 = vector.extract_strided_slice %add3A_156 {offsets = [15], sizes = [1], strides = [1]} : vector<16xi32> to vector<1xi32>
    %squeeze3A_169 = vector.extract %slice3A_168[0] : i32 from vector<1xi32>
    %dma_start3A_170 = arith.constant 32 : i32
    %dma_start3A_171 = tpu.memref_slice %arg6[%dma_start3A_170] : memref<512xi32, #tpu.memory_space<vmem>> -> memref<16xi32, #tpu.memory_space<vmem>>
    %dma_start3A_172 = arith.constant 0 : i32
    %dma_start3A_173 = arith.constant 0 : i32
    %dma_start3A_174 = tpu.memref_slice %arg3[%dma_start3A_172, %dma_start3A_173] : memref<4100x1024xf32, #tpu.memory_space<hbm>> -> memref<4100x1024xf32, #tpu.memory_space<hbm>>
    tpu.enqueue_indirect_dma source(%dma_start3A_174 : memref<4100x1024xf32, #tpu.memory_space<hbm>>) target(%arg9 : memref<16x1024xf32, #tpu.memory_space<vmem>>) offsets(%dma_start3A_171 : memref<16xi32, #tpu.memory_space<vmem>>) semaphore(%arg14 : memref<!tpu.dma_semaphore, #tpu.memory_space<semaphore_mem>>)
    %add3A_175 = arith.constant 48 : i32
    %add3A_176 = arith.addi %mul3A_74, %add3A_175 : i32
    %get3A_177 = arith.index_cast %add3A_176 : i32 to index
    %get3A_178 = tpu.vector_load %arg5[%get3A_177] {strides = array<i32>} : memref<4096xi32, #tpu.memory_space<vmem>>, vector<16xi32>,
    %ne3A_179 = arith.constant 1 : i32
    %ne3A_180 = vector.broadcast %ne3A_179 : i32 to vector<16xi32>
    %ne3A_181 = arith.cmpi ne, %get3A_178, %ne3A_180 : vector<16xi32>
    %jit3A_182 = arith.constant 1 : i32
    %jit3A_183 = arith.constant 0 : i32
    %broadcast_in_dim3A_184 = vector.broadcast %jit3A_182 : i32 to vector<16xi32>
    %broadcast_in_dim3A_185 = vector.broadcast %jit3A_183 : i32 to vector<16xi32>
    %select_n3A_186 = arith.select %ne3A_181, %broadcast_in_dim3A_184, %broadcast_in_dim3A_185 : vector<16xi1>, vector<16xi32>
    %cumsum3A_187 = arith.constant true
    %cumsum3A_188 = vector.broadcast %cumsum3A_187 : i1 to vector<16xi1>
    %cumsum3A_189 = tpu.scan <sum>, %select_n3A_186 masked %cumsum3A_188 : vector<16xi32>, vector<16xi1> -> vector<16xi32>
    %add3A_190 = vector.broadcast %squeeze3A_169 : i32 to vector<16xi32>
    %add3A_191 = arith.addi %cumsum3A_189, %add3A_190 : vector<16xi32>
    %ne3A_192 = arith.constant 1 : i32
    %ne3A_193 = vector.broadcast %ne3A_192 : i32 to vector<16xi32>
    %ne3A_194 = arith.cmpi ne, %get3A_178, %ne3A_193 : vector<16xi32>
    %jit3A_195 = arith.constant 0 : i32
    %broadcast_in_dim3A_196 = vector.broadcast %jit3A_195 : i32 to vector<16xi32>
    %select_n3A_197 = arith.select %ne3A_194, %add3A_191, %broadcast_in_dim3A_196 : vector<16xi1>, vector<16xi32>
    %add3A_198 = arith.constant 1 : i32
    %add3A_199 = vector.broadcast %add3A_198 : i32 to vector<16xi32>
    %add3A_200 = arith.addi %select_n3A_197, %add3A_199 : vector<16xi32>
    %swap3A_201 = arith.constant 48 : index
    %swap3A_202 = tpu.vector_load %arg6[%swap3A_201] {strides = array<i32>} : memref<512xi32, #tpu.memory_space<vmem>>, vector<16xi32>,
    tpu.vector_store %arg6[%swap3A_201], %add3A_200 {strides = array<i32>} : memref<512xi32, #tpu.memory_space<vmem>>, vector<16xi32>,
    %slice3A_203 = vector.extract_strided_slice %add3A_191 {offsets = [15], sizes = [1], strides = [1]} : vector<16xi32> to vector<1xi32>
    %squeeze3A_204 = vector.extract %slice3A_203[0] : i32 from vector<1xi32>
    %dma_start3A_205 = arith.constant 48 : i32
    %dma_start3A_206 = tpu.memref_slice %arg6[%dma_start3A_205] : memref<512xi32, #tpu.memory_space<vmem>> -> memref<16xi32, #tpu.memory_space<vmem>>
    %dma_start3A_207 = arith.constant 0 : i32
    %dma_start3A_208 = arith.constant 0 : i32
    %dma_start3A_209 = tpu.memref_slice %arg3[%dma_start3A_207, %dma_start3A_208] : memref<4100x1024xf32, #tpu.memory_space<hbm>> -> memref<4100x1024xf32, #tpu.memory_space<hbm>>
    tpu.enqueue_indirect_dma source(%dma_start3A_209 : memref<4100x1024xf32, #tpu.memory_space<hbm>>) target(%arg10 : memref<16x1024xf32, #tpu.memory_space<vmem>>) offsets(%dma_start3A_206 : memref<16xi32, #tpu.memory_space<vmem>>) semaphore(%arg15 : memref<!tpu.dma_semaphore, #tpu.memory_space<semaphore_mem>>)
    %dma_wait3A = arith.constant 0 : i32
    %dma_wait3A_210 = tpu.memref_slice %arg6[%dma_wait3A] : memref<512xi32, #tpu.memory_space<vmem>> -> memref<16xi32, #tpu.memory_space<vmem>>
    %dma_wait3A_211 = arith.constant 0 : i32
    %dma_wait3A_212 = arith.constant 0 : i32
    %dma_wait3A_213 = tpu.memref_slice %arg3[%dma_wait3A_211, %dma_wait3A_212] : memref<4100x1024xf32, #tpu.memory_space<hbm>> -> memref<4100x1024xf32, #tpu.memory_space<hbm>>
    tpu.wait_indirect_dma semaphore(%arg12 : memref<!tpu.dma_semaphore, #tpu.memory_space<semaphore_mem>>) src(%dma_wait3A_213 : memref<4100x1024xf32, #tpu.memory_space<hbm>>) dst(%arg7 : memref<16x1024xf32, #tpu.memory_space<vmem>>)
    %add3A_214 = arith.constant 0 : i32
    %add3A_215 = arith.addi %add3A_75, %add3A_214 : i32
    %dma_start3A_216 = arith.constant 0 : i32
    %dma_start3A_217 = tpu.memref_slice %arg4[%add3A_215, %dma_start3A_216] : memref<16384x1024xf32, #tpu.memory_space<hbm>> -> memref<16x1024xf32, #tpu.memory_space<hbm>>
    %dma_start3A_218 = arith.constant 0 : i32
    %dma_start3A_219 = tpu.memref_slice %arg4[%add3A_215, %dma_start3A_218] : memref<16384x1024xf32, #tpu.memory_space<hbm>> -> memref<16x1024xf32, #tpu.memory_space<hbm>>
    tpu.enqueue_dma source(%arg7 : memref<16x1024xf32, #tpu.memory_space<vmem>>) target(%dma_start3A_219 : memref<16x1024xf32, #tpu.memory_space<hbm>>) target_semaphore(%arg17 : memref<!tpu.dma_semaphore, #tpu.memory_space<semaphore_mem>>)
    %add3A_220 = arith.constant 64 : i32
    %add3A_221 = arith.addi %mul3A_74, %add3A_220 : i32
    %get3A_222 = arith.index_cast %add3A_221 : i32 to index
    %get3A_223 = tpu.vector_load %arg5[%get3A_222] {strides = array<i32>} : memref<4096xi32, #tpu.memory_space<vmem>>, vector<16xi32>,
    %ne3A_224 = arith.constant 1 : i32
    %ne3A_225 = vector.broadcast %ne3A_224 : i32 to vector<16xi32>
    %ne3A_226 = arith.cmpi ne, %get3A_223, %ne3A_225 : vector<16xi32>
    %jit3A_227 = arith.constant 1 : i32
    %jit3A_228 = arith.constant 0 : i32
    %broadcast_in_dim3A_229 = vector.broadcast %jit3A_227 : i32 to vector<16xi32>
    %broadcast_in_dim3A_230 = vector.broadcast %jit3A_228 : i32 to vector<16xi32>
    %select_n3A_231 = arith.select %ne3A_226, %broadcast_in_dim3A_229, %broadcast_in_dim3A_230 : vector<16xi1>, vector<16xi32>
    %cumsum3A_232 = arith.constant true
    %cumsum3A_233 = vector.broadcast %cumsum3A_232 : i1 to vector<16xi1>
    %cumsum3A_234 = tpu.scan <sum>, %select_n3A_231 masked %cumsum3A_233 : vector<16xi32>, vector<16xi1> -> vector<16xi32>
    %add3A_235 = vector.broadcast %squeeze3A_204 : i32 to vector<16xi32>
    %add3A_236 = arith.addi %cumsum3A_234, %add3A_235 : vector<16xi32>
    %ne3A_237 = arith.constant 1 : i32
    %ne3A_238 = vector.broadcast %ne3A_237 : i32 to vector<16xi32>
    %ne3A_239 = arith.cmpi ne, %get3A_223, %ne3A_238 : vector<16xi32>
    %jit3A_240 = arith.constant 0 : i32
    %broadcast_in_dim3A_241 = vector.broadcast %jit3A_240 : i32 to vector<16xi32>
    %select_n3A_242 = arith.select %ne3A_239, %add3A_236, %broadcast_in_dim3A_241 : vector<16xi1>, vector<16xi32>
    %add3A_243 = arith.constant 1 : i32
    %add3A_244 = vector.broadcast %add3A_243 : i32 to vector<16xi32>
    %add3A_245 = arith.addi %select_n3A_242, %add3A_244 : vector<16xi32>
    %swap3A_246 = arith.constant 64 : index
    %swap3A_247 = tpu.vector_load %arg6[%swap3A_246] {strides = array<i32>} : memref<512xi32, #tpu.memory_space<vmem>>, vector<16xi32>,
    tpu.vector_store %arg6[%swap3A_246], %add3A_245 {strides = array<i32>} : memref<512xi32, #tpu.memory_space<vmem>>, vector<16xi32>,
    %slice3A_248 = vector.extract_strided_slice %add3A_236 {offsets = [15], sizes = [1], strides = [1]} : vector<16xi32> to vector<1xi32>
    %squeeze3A_249 = vector.extract %slice3A_248[0] : i32 from vector<1xi32>
    %dma_start3A_250 = arith.constant 64 : i32
    %dma_start3A_251 = tpu.memref_slice %arg6[%dma_start3A_250] : memref<512xi32, #tpu.memory_space<vmem>> -> memref<16xi32, #tpu.memory_space<vmem>>
    %dma_start3A_252 = arith.constant 0 : i32
    %dma_start3A_253 = arith.constant 0 : i32
    %dma_start3A_254 = tpu.memref_slice %arg3[%dma_start3A_252, %dma_start3A_253] : memref<4100x1024xf32, #tpu.memory_space<hbm>> -> memref<4100x1024xf32, #tpu.memory_space<hbm>>
    tpu.enqueue_indirect_dma source(%dma_start3A_254 : memref<4100x1024xf32, #tpu.memory_space<hbm>>) target(%arg11 : memref<16x1024xf32, #tpu.memory_space<vmem>>) offsets(%dma_start3A_251 : memref<16xi32, #tpu.memory_space<vmem>>) semaphore(%arg16 : memref<!tpu.dma_semaphore, #tpu.memory_space<semaphore_mem>>)
    %dma_wait3A_255 = arith.constant 16 : i32
    %dma_wait3A_256 = tpu.memref_slice %arg6[%dma_wait3A_255] : memref<512xi32, #tpu.memory_space<vmem>> -> memref<16xi32, #tpu.memory_space<vmem>>
    %dma_wait3A_257 = arith.constant 0 : i32
    %dma_wait3A_258 = arith.constant 0 : i32
    %dma_wait3A_259 = tpu.memref_slice %arg3[%dma_wait3A_257, %dma_wait3A_258] : memref<4100x1024xf32, #tpu.memory_space<hbm>> -> memref<4100x1024xf32, #tpu.memory_space<hbm>>
    tpu.wait_indirect_dma semaphore(%arg13 : memref<!tpu.dma_semaphore, #tpu.memory_space<semaphore_mem>>) src(%dma_wait3A_259 : memref<4100x1024xf32, #tpu.memory_space<hbm>>) dst(%arg8 : memref<16x1024xf32, #tpu.memory_space<vmem>>)
    %add3A_260 = arith.constant 16 : i32
    %add3A_261 = arith.addi %add3A_75, %add3A_260 : i32
    %dma_start3A_262 = arith.constant 0 : i32
    %dma_start3A_263 = tpu.memref_slice %arg4[%add3A_261, %dma_start3A_262] : memref<16384x1024xf32, #tpu.memory_space<hbm>> -> memref<16x1024xf32, #tpu.memory_space<hbm>>
    %dma_start3A_264 = arith.constant 0 : i32
    %dma_start3A_265 = tpu.memref_slice %arg4[%add3A_261, %dma_start3A_264] : memref<16384x1024xf32, #tpu.memory_space<hbm>> -> memref<16x1024xf32, #tpu.memory_space<hbm>>
    tpu.enqueue_dma source(%arg8 : memref<16x1024xf32, #tpu.memory_space<vmem>>) target(%dma_start3A_265 : memref<16x1024xf32, #tpu.memory_space<hbm>>) target_semaphore(%arg18 : memref<!tpu.dma_semaphore, #tpu.memory_space<semaphore_mem>>)
    %dma_wait3A_266 = arith.constant 0 : i32
    %dma_wait3A_267 = tpu.memref_slice %arg4[%add3A_215, %dma_wait3A_266] : memref<16384x1024xf32, #tpu.memory_space<hbm>> -> memref<16x1024xf32, #tpu.memory_space<hbm>>
    %dma_wait3A_268 = arith.constant 0 : i32
    %dma_wait3A_269 = tpu.memref_slice %arg4[%add3A_215, %dma_wait3A_268] : memref<16384x1024xf32, #tpu.memory_space<hbm>> -> memref<16x1024xf32, #tpu.memory_space<hbm>>
    tpu.wait_dma2 semaphore(%arg17 : memref<!tpu.dma_semaphore, #tpu.memory_space<semaphore_mem>>) src(%arg7 : memref<16x1024xf32, #tpu.memory_space<vmem>>) dst(%dma_wait3A_269 : memref<16x1024xf32, #tpu.memory_space<hbm>>)
    %add3A_270 = arith.constant 80 : i32
    %add3A_271 = arith.addi %mul3A_74, %add3A_270 : i32
    %get3A_272 = arith.index_cast %add3A_271 : i32 to index
    %get3A_273 = tpu.vector_load %arg5[%get3A_272] {strides = array<i32>} : memref<4096xi32, #tpu.memory_space<vmem>>, vector<16xi32>,
    %ne3A_274 = arith.constant 1 : i32
    %ne3A_275 = vector.broadcast %ne3A_274 : i32 to vector<16xi32>
    %ne3A_276 = arith.cmpi ne, %get3A_273, %ne3A_275 : vector<16xi32>
    %jit3A_277 = arith.constant 1 : i32
    %jit3A_278 = arith.constant 0 : i32
    %broadcast_in_dim3A_279 = vector.broadcast %jit3A_277 : i32 to vector<16xi32>
    %broadcast_in_dim3A_280 = vector.broadcast %jit3A_278 : i32 to vector<16xi32>
    %select_n3A_281 = arith.select %ne3A_276, %broadcast_in_dim3A_279, %broadcast_in_dim3A_280 : vector<16xi1>, vector<16xi32>
    %cumsum3A_282 = arith.constant true
    %cumsum3A_283 = vector.broadcast %cumsum3A_282 : i1 to vector<16xi1>
    %cumsum3A_284 = tpu.scan <sum>, %select_n3A_281 masked %cumsum3A_283 : vector<16xi32>, vector<16xi1> -> vector<16xi32>
    %add3A_285 = vector.broadcast %squeeze3A_249 : i32 to vector<16xi32>
    %add3A_286 = arith.addi %cumsum3A_284, %add3A_285 : vector<16xi32>
    %ne3A_287 = arith.constant 1 : i32
    %ne3A_288 = vector.broadcast %ne3A_287 : i32 to vector<16xi32>
    %ne3A_289 = arith.cmpi ne, %get3A_273, %ne3A_288 : vector<16xi32>
    %jit3A_290 = arith.constant 0 : i32
    %broadcast_in_dim3A_291 = vector.broadcast %jit3A_290 : i32 to vector<16xi32>
    %select_n3A_292 = arith.select %ne3A_289, %add3A_286, %broadcast_in_dim3A_291 : vector<16xi1>, vector<16xi32>
    %add3A_293 = arith.constant 1 : i32
    %add3A_294 = vector.broadcast %add3A_293 : i32 to vector<16xi32>
    %add3A_295 = arith.addi %select_n3A_292, %add3A_294 : vector<16xi32>
    %swap3A_296 = arith.constant 80 : index
    %swap3A_297 = tpu.vector_load %arg6[%swap3A_296] {strides = array<i32>} : memref<512xi32, #tpu.memory_space<vmem>>, vector<16xi32>,
    tpu.vector_store %arg6[%swap3A_296], %add3A_295 {strides = array<i32>} : memref<512xi32, #tpu.memory_space<vmem>>, vector<16xi32>,
    %slice3A_298 = vector.extract_strided_slice %add3A_286 {offsets = [15], sizes = [1], strides = [1]} : vector<16xi32> to vector<1xi32>
    %squeeze3A_299 = vector.extract %slice3A_298[0] : i32 from vector<1xi32>
    %dma_start3A_300 = arith.constant 80 : i32
    %dma_start3A_301 = tpu.memref_slice %arg6[%dma_start3A_300] : memref<512xi32, #tpu.memory_space<vmem>> -> memref<16xi32, #tpu.memory_space<vmem>>
    %dma_start3A_302 = arith.constant 0 : i32
    %dma_start3A_303 = arith.constant 0 : i32
    %dma_start3A_304 = tpu.memref_slice %arg3[%dma_start3A_302, %dma_start3A_303] : memref<4100x1024xf32, #tpu.memory_space<hbm>> -> memref<4100x1024xf32, #tpu.memory_space<hbm>>
    tpu.enqueue_indirect_dma source(%dma_start3A_304 : memref<4100x1024xf32, #tpu.memory_space<hbm>>) target(%arg7 : memref<16x1024xf32, #tpu.memory_space<vmem>>) offsets(%dma_start3A_301 : memref<16xi32, #tpu.memory_space<vmem>>) semaphore(%arg12 : memref<!tpu.dma_semaphore, #tpu.memory_space<semaphore_mem>>)
    %dma_wait3A_305 = arith.constant 32 : i32
    %dma_wait3A_306 = tpu.memref_slice %arg6[%dma_wait3A_305] : memref<512xi32, #tpu.memory_space<vmem>> -> memref<16xi32, #tpu.memory_space<vmem>>
    %dma_wait3A_307 = arith.constant 0 : i32
    %dma_wait3A_308 = arith.constant 0 : i32
    %dma_wait3A_309 = tpu.memref_slice %arg3[%dma_wait3A_307, %dma_wait3A_308] : memref<4100x1024xf32, #tpu.memory_space<hbm>> -> memref<4100x1024xf32, #tpu.memory_space<hbm>>
    tpu.wait_indirect_dma semaphore(%arg14 : memref<!tpu.dma_semaphore, #tpu.memory_space<semaphore_mem>>) src(%dma_wait3A_309 : memref<4100x1024xf32, #tpu.memory_space<hbm>>) dst(%arg9 : memref<16x1024xf32, #tpu.memory_space<vmem>>)
    %add3A_310 = arith.constant 32 : i32
    %add3A_311 = arith.addi %add3A_75, %add3A_310 : i32
    %dma_start3A_312 = arith.constant 0 : i32
    %dma_start3A_313 = tpu.memref_slice %arg4[%add3A_311, %dma_start3A_312] : memref<16384x1024xf32, #tpu.memory_space<hbm>> -> memref<16x1024xf32, #tpu.memory_space<hbm>>
    %dma_start3A_314 = arith.constant 0 : i32
    %dma_start3A_315 = tpu.memref_slice %arg4[%add3A_311, %dma_start3A_314] : memref<16384x1024xf32, #tpu.memory_space<hbm>> -> memref<16x1024xf32, #tpu.memory_space<hbm>>
    tpu.enqueue_dma source(%arg9 : memref<16x1024xf32, #tpu.memory_space<vmem>>) target(%dma_start3A_315 : memref<16x1024xf32, #tpu.memory_space<hbm>>) target_semaphore(%arg19 : memref<!tpu.dma_semaphore, #tpu.memory_space<semaphore_mem>>)
    %dma_wait3A_316 = arith.constant 0 : i32
    %dma_wait3A_317 = tpu.memref_slice %arg4[%add3A_261, %dma_wait3A_316] : memref<16384x1024xf32, #tpu.memory_space<hbm>> -> memref<16x1024xf32, #tpu.memory_space<hbm>>
    %dma_wait3A_318 = arith.constant 0 : i32
    %dma_wait3A_319 = tpu.memref_slice %arg4[%add3A_261, %dma_wait3A_318] : memref<16384x1024xf32, #tpu.memory_space<hbm>> -> memref<16x1024xf32, #tpu.memory_space<hbm>>
    tpu.wait_dma2 semaphore(%arg18 : memref<!tpu.dma_semaphore, #tpu.memory_space<semaphore_mem>>) src(%arg8 : memref<16x1024xf32, #tpu.memory_space<vmem>>) dst(%dma_wait3A_319 : memref<16x1024xf32, #tpu.memory_space<hbm>>)
    %add3A_320 = arith.constant 96 : i32
    %add3A_321 = arith.addi %mul3A_74, %add3A_320 : i32
    %get3A_322 = arith.index_cast %add3A_321 : i32 to index
    %get3A_323 = tpu.vector_load %arg5[%get3A_322] {strides = array<i32>} : memref<4096xi32, #tpu.memory_space<vmem>>, vector<16xi32>,
    %ne3A_324 = arith.constant 1 : i32
    %ne3A_325 = vector.broadcast %ne3A_324 : i32 to vector<16xi32>
    %ne3A_326 = arith.cmpi ne, %get3A_323, %ne3A_325 : vector<16xi32>
    %jit3A_327 = arith.constant 1 : i32
    %jit3A_328 = arith.constant 0 : i32
    %broadcast_in_dim3A_329 = vector.broadcast %jit3A_327 : i32 to vector<16xi32>
    %broadcast_in_dim3A_330 = vector.broadcast %jit3A_328 : i32 to vector<16xi32>
    %select_n3A_331 = arith.select %ne3A_326, %broadcast_in_dim3A_329, %broadcast_in_dim3A_330 : vector<16xi1>, vector<16xi32>
    %cumsum3A_332 = arith.constant true
    %cumsum3A_333 = vector.broadcast %cumsum3A_332 : i1 to vector<16xi1>
    %cumsum3A_334 = tpu.scan <sum>, %select_n3A_331 masked %cumsum3A_333 : vector<16xi32>, vector<16xi1> -> vector<16xi32>
    %add3A_335 = vector.broadcast %squeeze3A_299 : i32 to vector<16xi32>
    %add3A_336 = arith.addi %cumsum3A_334, %add3A_335 : vector<16xi32>
    %ne3A_337 = arith.constant 1 : i32
    %ne3A_338 = vector.broadcast %ne3A_337 : i32 to vector<16xi32>
    %ne3A_339 = arith.cmpi ne, %get3A_323, %ne3A_338 : vector<16xi32>
    %jit3A_340 = arith.constant 0 : i32
    %broadcast_in_dim3A_341 = vector.broadcast %jit3A_340 : i32 to vector<16xi32>
    %select_n3A_342 = arith.select %ne3A_339, %add3A_336, %broadcast_in_dim3A_341 : vector<16xi1>, vector<16xi32>
    %add3A_343 = arith.constant 1 : i32
    %add3A_344 = vector.broadcast %add3A_343 : i32 to vector<16xi32>
    %add3A_345 = arith.addi %select_n3A_342, %add3A_344 : vector<16xi32>
    %swap3A_346 = arith.constant 96 : index
    %swap3A_347 = tpu.vector_load %arg6[%swap3A_346] {strides = array<i32>} : memref<512xi32, #tpu.memory_space<vmem>>, vector<16xi32>,
    tpu.vector_store %arg6[%swap3A_346], %add3A_345 {strides = array<i32>} : memref<512xi32, #tpu.memory_space<vmem>>, vector<16xi32>,
    %slice3A_348 = vector.extract_strided_slice %add3A_336 {offsets = [15], sizes = [1], strides = [1]} : vector<16xi32> to vector<1xi32>
    %squeeze3A_349 = vector.extract %slice3A_348[0] : i32 from vector<1xi32>
    %dma_start3A_350 = arith.constant 96 : i32
    %dma_start3A_351 = tpu.memref_slice %arg6[%dma_start3A_350] : memref<512xi32, #tpu.memory_space<vmem>> -> memref<16xi32, #tpu.memory_space<vmem>>
    %dma_start3A_352 = arith.constant 0 : i32
    %dma_start3A_353 = arith.constant 0 : i32
    %dma_start3A_354 = tpu.memref_slice %arg3[%dma_start3A_352, %dma_start3A_353] : memref<4100x1024xf32, #tpu.memory_space<hbm>> -> memref<4100x1024xf32, #tpu.memory_space<hbm>>
    tpu.enqueue_indirect_dma source(%dma_start3A_354 : memref<4100x1024xf32, #tpu.memory_space<hbm>>) target(%arg8 : memref<16x1024xf32, #tpu.memory_space<vmem>>) offsets(%dma_start3A_351 : memref<16xi32, #tpu.memory_space<vmem>>) semaphore(%arg13 : memref<!tpu.dma_semaphore, #tpu.memory_space<semaphore_mem>>)
    %dma_wait3A_355 = arith.constant 48 : i32
    %dma_wait3A_356 = tpu.memref_slice %arg6[%dma_wait3A_355] : memref<512xi32, #tpu.memory_space<vmem>> -> memref<16xi32, #tpu.memory_space<vmem>>
    %dma_wait3A_357 = arith.constant 0 : i32
    %dma_wait3A_358 = arith.constant 0 : i32
    %dma_wait3A_359 = tpu.memref_slice %arg3[%dma_wait3A_357, %dma_wait3A_358] : memref<4100x1024xf32, #tpu.memory_space<hbm>> -> memref<4100x1024xf32, #tpu.memory_space<hbm>>
    tpu.wait_indirect_dma semaphore(%arg15 : memref<!tpu.dma_semaphore, #tpu.memory_space<semaphore_mem>>) src(%dma_wait3A_359 : memref<4100x1024xf32, #tpu.memory_space<hbm>>) dst(%arg10 : memref<16x1024xf32, #tpu.memory_space<vmem>>)
    %add3A_360 = arith.constant 48 : i32
    %add3A_361 = arith.addi %add3A_75, %add3A_360 : i32
    %dma_start3A_362 = arith.constant 0 : i32
    %dma_start3A_363 = tpu.memref_slice %arg4[%add3A_361, %dma_start3A_362] : memref<16384x1024xf32, #tpu.memory_space<hbm>> -> memref<16x1024xf32, #tpu.memory_space<hbm>>
    %dma_start3A_364 = arith.constant 0 : i32
    %dma_start3A_365 = tpu.memref_slice %arg4[%add3A_361, %dma_start3A_364] : memref<16384x1024xf32, #tpu.memory_space<hbm>> -> memref<16x1024xf32, #tpu.memory_space<hbm>>
    tpu.enqueue_dma source(%arg10 : memref<16x1024xf32, #tpu.memory_space<vmem>>) target(%dma_start3A_365 : memref<16x1024xf32, #tpu.memory_space<hbm>>) target_semaphore(%arg20 : memref<!tpu.dma_semaphore, #tpu.memory_space<semaphore_mem>>)
    %dma_wait3A_366 = arith.constant 0 : i32
    %dma_wait3A_367 = tpu.memref_slice %arg4[%add3A_311, %dma_wait3A_366] : memref<16384x1024xf32, #tpu.memory_space<hbm>> -> memref<16x1024xf32, #tpu.memory_space<hbm>>
    %dma_wait3A_368 = arith.constant 0 : i32
    %dma_wait3A_369 = tpu.memref_slice %arg4[%add3A_311, %dma_wait3A_368] : memref<16384x1024xf32, #tpu.memory_space<hbm>> -> memref<16x1024xf32, #tpu.memory_space<hbm>>
    tpu.wait_dma2 semaphore(%arg19 : memref<!tpu.dma_semaphore, #tpu.memory_space<semaphore_mem>>) src(%arg9 : memref<16x1024xf32, #tpu.memory_space<vmem>>) dst(%dma_wait3A_369 : memref<16x1024xf32, #tpu.memory_space<hbm>>)
    %add3A_370 = arith.constant 112 : i32
    %add3A_371 = arith.addi %mul3A_74, %add3A_370 : i32
    %get3A_372 = arith.index_cast %add3A_371 : i32 to index
    %get3A_373 = tpu.vector_load %arg5[%get3A_372] {strides = array<i32>} : memref<4096xi32, #tpu.memory_space<vmem>>, vector<16xi32>,
    %ne3A_374 = arith.constant 1 : i32
    %ne3A_375 = vector.broadcast %ne3A_374 : i32 to vector<16xi32>
    %ne3A_376 = arith.cmpi ne, %get3A_373, %ne3A_375 : vector<16xi32>
    %jit3A_377 = arith.constant 1 : i32
    %jit3A_378 = arith.constant 0 : i32
    %broadcast_in_dim3A_379 = vector.broadcast %jit3A_377 : i32 to vector<16xi32>
    %broadcast_in_dim3A_380 = vector.broadcast %jit3A_378 : i32 to vector<16xi32>
    %select_n3A_381 = arith.select %ne3A_376, %broadcast_in_dim3A_379, %broadcast_in_dim3A_380 : vector<16xi1>, vector<16xi32>
    %cumsum3A_382 = arith.constant true
    %cumsum3A_383 = vector.broadcast %cumsum3A_382 : i1 to vector<16xi1>
    %cumsum3A_384 = tpu.scan <sum>, %select_n3A_381 masked %cumsum3A_383 : vector<16xi32>, vector<16xi1> -> vector<16xi32>
    %add3A_385 = vector.broadcast %squeeze3A_349 : i32 to vector<16xi32>
    %add3A_386 = arith.addi %cumsum3A_384, %add3A_385 : vector<16xi32>
    %ne3A_387 = arith.constant 1 : i32
    %ne3A_388 = vector.broadcast %ne3A_387 : i32 to vector<16xi32>
    %ne3A_389 = arith.cmpi ne, %get3A_373, %ne3A_388 : vector<16xi32>
    %jit3A_390 = arith.constant 0 : i32
    %broadcast_in_dim3A_391 = vector.broadcast %jit3A_390 : i32 to vector<16xi32>
    %select_n3A_392 = arith.select %ne3A_389, %add3A_386, %broadcast_in_dim3A_391 : vector<16xi1>, vector<16xi32>
    %add3A_393 = arith.constant 1 : i32
    %add3A_394 = vector.broadcast %add3A_393 : i32 to vector<16xi32>
    %add3A_395 = arith.addi %select_n3A_392, %add3A_394 : vector<16xi32>
    %swap3A_396 = arith.constant 112 : index
    %swap3A_397 = tpu.vector_load %arg6[%swap3A_396] {strides = array<i32>} : memref<512xi32, #tpu.memory_space<vmem>>, vector<16xi32>,
    tpu.vector_store %arg6[%swap3A_396], %add3A_395 {strides = array<i32>} : memref<512xi32, #tpu.memory_space<vmem>>, vector<16xi32>,
    %slice3A_398 = vector.extract_strided_slice %add3A_386 {offsets = [15], sizes = [1], strides = [1]} : vector<16xi32> to vector<1xi32>
    %squeeze3A_399 = vector.extract %slice3A_398[0] : i32 from vector<1xi32>
    %dma_start3A_400 = arith.constant 112 : i32
    %dma_start3A_401 = tpu.memref_slice %arg6[%dma_start3A_400] : memref<512xi32, #tpu.memory_space<vmem>> -> memref<16xi32, #tpu.memory_space<vmem>>
    %dma_start3A_402 = arith.constant 0 : i32
    %dma_start3A_403 = arith.constant 0 : i32
    %dma_start3A_404 = tpu.memref_slice %arg3[%dma_start3A_402, %dma_start3A_403] : memref<4100x1024xf32, #tpu.memory_space<hbm>> -> memref<4100x1024xf32, #tpu.memory_space<hbm>>
    tpu.enqueue_indirect_dma source(%dma_start3A_404 : memref<4100x1024xf32, #tpu.memory_space<hbm>>) target(%arg9 : memref<16x1024xf32, #tpu.memory_space<vmem>>) offsets(%dma_start3A_401 : memref<16xi32, #tpu.memory_space<vmem>>) semaphore(%arg14 : memref<!tpu.dma_semaphore, #tpu.memory_space<semaphore_mem>>)
    %dma_wait3A_405 = arith.constant 64 : i32
    %dma_wait3A_406 = tpu.memref_slice %arg6[%dma_wait3A_405] : memref<512xi32, #tpu.memory_space<vmem>> -> memref<16xi32, #tpu.memory_space<vmem>>
    %dma_wait3A_407 = arith.constant 0 : i32
    %dma_wait3A_408 = arith.constant 0 : i32
    %dma_wait3A_409 = tpu.memref_slice %arg3[%dma_wait3A_407, %dma_wait3A_408] : memref<4100x1024xf32, #tpu.memory_space<hbm>> -> memref<4100x1024xf32, #tpu.memory_space<hbm>>
    tpu.wait_indirect_dma semaphore(%arg16 : memref<!tpu.dma_semaphore, #tpu.memory_space<semaphore_mem>>) src(%dma_wait3A_409 : memref<4100x1024xf32, #tpu.memory_space<hbm>>) dst(%arg11 : memref<16x1024xf32, #tpu.memory_space<vmem>>)
    %add3A_410 = arith.constant 64 : i32
    %add3A_411 = arith.addi %add3A_75, %add3A_410 : i32
    %dma_start3A_412 = arith.constant 0 : i32
    %dma_start3A_413 = tpu.memref_slice %arg4[%add3A_411, %dma_start3A_412] : memref<16384x1024xf32, #tpu.memory_space<hbm>> -> memref<16x1024xf32, #tpu.memory_space<hbm>>
    %dma_start3A_414 = arith.constant 0 : i32
    %dma_start3A_415 = tpu.memref_slice %arg4[%add3A_411, %dma_start3A_414] : memref<16384x1024xf32, #tpu.memory_space<hbm>> -> memref<16x1024xf32, #tpu.memory_space<hbm>>
    tpu.enqueue_dma source(%arg11 : memref<16x1024xf32, #tpu.memory_space<vmem>>) target(%dma_start3A_415 : memref<16x1024xf32, #tpu.memory_space<hbm>>) target_semaphore(%arg21 : memref<!tpu.dma_semaphore, #tpu.memory_space<semaphore_mem>>)
    %dma_wait3A_416 = arith.constant 0 : i32
    %dma_wait3A_417 = tpu.memref_slice %arg4[%add3A_361, %dma_wait3A_416] : memref<16384x1024xf32, #tpu.memory_space<hbm>> -> memref<16x1024xf32, #tpu.memory_space<hbm>>
    %dma_wait3A_418 = arith.constant 0 : i32
    %dma_wait3A_419 = tpu.memref_slice %arg4[%add3A_361, %dma_wait3A_418] : memref<16384x1024xf32, #tpu.memory_space<hbm>> -> memref<16x1024xf32, #tpu.memory_space<hbm>>
    tpu.wait_dma2 semaphore(%arg20 : memref<!tpu.dma_semaphore, #tpu.memory_space<semaphore_mem>>) src(%arg10 : memref<16x1024xf32, #tpu.memory_space<vmem>>) dst(%dma_wait3A_419 : memref<16x1024xf32, #tpu.memory_space<hbm>>)
    %add3A_420 = arith.constant 128 : i32
    %add3A_421 = arith.addi %mul3A_74, %add3A_420 : i32
    %get3A_422 = arith.index_cast %add3A_421 : i32 to index
    %get3A_423 = tpu.vector_load %arg5[%get3A_422] {strides = array<i32>} : memref<4096xi32, #tpu.memory_space<vmem>>, vector<16xi32>,
    %ne3A_424 = arith.constant 1 : i32
    %ne3A_425 = vector.broadcast %ne3A_424 : i32 to vector<16xi32>
    %ne3A_426 = arith.cmpi ne, %get3A_423, %ne3A_425 : vector<16xi32>
    %jit3A_427 = arith.constant 1 : i32
    %jit3A_428 = arith.constant 0 : i32
    %broadcast_in_dim3A_429 = vector.broadcast %jit3A_427 : i32 to vector<16xi32>
    %broadcast_in_dim3A_430 = vector.broadcast %jit3A_428 : i32 to vector<16xi32>
    %select_n3A_431 = arith.select %ne3A_426, %broadcast_in_dim3A_429, %broadcast_in_dim3A_430 : vector<16xi1>, vector<16xi32>
    %cumsum3A_432 = arith.constant true
    %cumsum3A_433 = vector.broadcast %cumsum3A_432 : i1 to vector<16xi1>
    %cumsum3A_434 = tpu.scan <sum>, %select_n3A_431 masked %cumsum3A_433 : vector<16xi32>, vector<16xi1> -> vector<16xi32>
    %add3A_435 = vector.broadcast %squeeze3A_399 : i32 to vector<16xi32>
    %add3A_436 = arith.addi %cumsum3A_434, %add3A_435 : vector<16xi32>
    %ne3A_437 = arith.constant 1 : i32
    %ne3A_438 = vector.broadcast %ne3A_437 : i32 to vector<16xi32>
    %ne3A_439 = arith.cmpi ne, %get3A_423, %ne3A_438 : vector<16xi32>
    %jit3A_440 = arith.constant 0 : i32
    %broadcast_in_dim3A_441 = vector.broadcast %jit3A_440 : i32 to vector<16xi32>
    %select_n3A_442 = arith.select %ne3A_439, %add3A_436, %broadcast_in_dim3A_441 : vector<16xi1>, vector<16xi32>
    %add3A_443 = arith.constant 1 : i32
    %add3A_444 = vector.broadcast %add3A_443 : i32 to vector<16xi32>
    %add3A_445 = arith.addi %select_n3A_442, %add3A_444 : vector<16xi32>
    %swap3A_446 = arith.constant 128 : index
    %swap3A_447 = tpu.vector_load %arg6[%swap3A_446] {strides = array<i32>} : memref<512xi32, #tpu.memory_space<vmem>>, vector<16xi32>,
    tpu.vector_store %arg6[%swap3A_446], %add3A_445 {strides = array<i32>} : memref<512xi32, #tpu.memory_space<vmem>>, vector<16xi32>,
    %slice3A_448 = vector.extract_strided_slice %add3A_436 {offsets = [15], sizes = [1], strides = [1]} : vector<16xi32> to vector<1xi32>
    %squeeze3A_449 = vector.extract %slice3A_448[0] : i32 from vector<1xi32>
    %dma_start3A_450 = arith.constant 128 : i32
    %dma_start3A_451 = tpu.memref_slice %arg6[%dma_start3A_450] : memref<512xi32, #tpu.memory_space<vmem>> -> memref<16xi32, #tpu.memory_space<vmem>>
    %dma_start3A_452 = arith.constant 0 : i32
    %dma_start3A_453 = arith.constant 0 : i32
    %dma_start3A_454 = tpu.memref_slice %arg3[%dma_start3A_452, %dma_start3A_453] : memref<4100x1024xf32, #tpu.memory_space<hbm>> -> memref<4100x1024xf32, #tpu.memory_space<hbm>>
    tpu.enqueue_indirect_dma source(%dma_start3A_454 : memref<4100x1024xf32, #tpu.memory_space<hbm>>) target(%arg10 : memref<16x1024xf32, #tpu.memory_space<vmem>>) offsets(%dma_start3A_451 : memref<16xi32, #tpu.memory_space<vmem>>) semaphore(%arg15 : memref<!tpu.dma_semaphore, #tpu.memory_space<semaphore_mem>>)
    %dma_wait3A_455 = arith.constant 80 : i32
    %dma_wait3A_456 = tpu.memref_slice %arg6[%dma_wait3A_455] : memref<512xi32, #tpu.memory_space<vmem>> -> memref<16xi32, #tpu.memory_space<vmem>>
    %dma_wait3A_457 = arith.constant 0 : i32
    %dma_wait3A_458 = arith.constant 0 : i32
    %dma_wait3A_459 = tpu.memref_slice %arg3[%dma_wait3A_457, %dma_wait3A_458] : memref<4100x1024xf32, #tpu.memory_space<hbm>> -> memref<4100x1024xf32, #tpu.memory_space<hbm>>
    tpu.wait_indirect_dma semaphore(%arg12 : memref<!tpu.dma_semaphore, #tpu.memory_space<semaphore_mem>>) src(%dma_wait3A_459 : memref<4100x1024xf32, #tpu.memory_space<hbm>>) dst(%arg7 : memref<16x1024xf32, #tpu.memory_space<vmem>>)
    %add3A_460 = arith.constant 80 : i32
    %add3A_461 = arith.addi %add3A_75, %add3A_460 : i32
    %dma_start3A_462 = arith.constant 0 : i32
    %dma_start3A_463 = tpu.memref_slice %arg4[%add3A_461, %dma_start3A_462] : memref<16384x1024xf32, #tpu.memory_space<hbm>> -> memref<16x1024xf32, #tpu.memory_space<hbm>>
    %dma_start3A_464 = arith.constant 0 : i32
    %dma_start3A_465 = tpu.memref_slice %arg4[%add3A_461, %dma_start3A_464] : memref<16384x1024xf32, #tpu.memory_space<hbm>> -> memref<16x1024xf32, #tpu.memory_space<hbm>>
    tpu.enqueue_dma source(%arg7 : memref<16x1024xf32, #tpu.memory_space<vmem>>) target(%dma_start3A_465 : memref<16x1024xf32, #tpu.memory_space<hbm>>) target_semaphore(%arg17 : memref<!tpu.dma_semaphore, #tpu.memory_space<semaphore_mem>>)
    %dma_wait3A_466 = arith.constant 0 : i32
    %dma_wait3A_467 = tpu.memref_slice %arg4[%add3A_411, %dma_wait3A_466] : memref<16384x1024xf32, #tpu.memory_space<hbm>> -> memref<16x1024xf32, #tpu.memory_space<hbm>>
    %dma_wait3A_468 = arith.constant 0 : i32
    %dma_wait3A_469 = tpu.memref_slice %arg4[%add3A_411, %dma_wait3A_468] : memref<16384x1024xf32, #tpu.memory_space<hbm>> -> memref<16x1024xf32, #tpu.memory_space<hbm>>
    tpu.wait_dma2 semaphore(%arg21 : memref<!tpu.dma_semaphore, #tpu.memory_space<semaphore_mem>>) src(%arg11 : memref<16x1024xf32, #tpu.memory_space<vmem>>) dst(%dma_wait3A_469 : memref<16x1024xf32, #tpu.memory_space<hbm>>)
    %add3A_470 = arith.constant 144 : i32
    %add3A_471 = arith.addi %mul3A_74, %add3A_470 : i32
    %get3A_472 = arith.index_cast %add3A_471 : i32 to index
    %get3A_473 = tpu.vector_load %arg5[%get3A_472] {strides = array<i32>} : memref<4096xi32, #tpu.memory_space<vmem>>, vector<16xi32>,
    %ne3A_474 = arith.constant 1 : i32
    %ne3A_475 = vector.broadcast %ne3A_474 : i32 to vector<16xi32>
    %ne3A_476 = arith.cmpi ne, %get3A_473, %ne3A_475 : vector<16xi32>
    %jit3A_477 = arith.constant 1 : i32
    %jit3A_478 = arith.constant 0 : i32
    %broadcast_in_dim3A_479 = vector.broadcast %jit3A_477 : i32 to vector<16xi32>
    %broadcast_in_dim3A_480 = vector.broadcast %jit3A_478 : i32 to vector<16xi32>
    %select_n3A_481 = arith.select %ne3A_476, %broadcast_in_dim3A_479, %broadcast_in_dim3A_480 : vector<16xi1>, vector<16xi32>
    %cumsum3A_482 = arith.constant true
    %cumsum3A_483 = vector.broadcast %cumsum3A_482 : i1 to vector<16xi1>
    %cumsum3A_484 = tpu.scan <sum>, %select_n3A_481 masked %cumsum3A_483 : vector<16xi32>, vector<16xi1> -> vector<16xi32>
    %add3A_485 = vector.broadcast %squeeze3A_449 : i32 to vector<16xi32>
    %add3A_486 = arith.addi %cumsum3A_484, %add3A_485 : vector<16xi32>
    %ne3A_487 = arith.constant 1 : i32
    %ne3A_488 = vector.broadcast %ne3A_487 : i32 to vector<16xi32>
    %ne3A_489 = arith.cmpi ne, %get3A_473, %ne3A_488 : vector<16xi32>
    %jit3A_490 = arith.constant 0 : i32
    %broadcast_in_dim3A_491 = vector.broadcast %jit3A_490 : i32 to vector<16xi32>
    %select_n3A_492 = arith.select %ne3A_489, %add3A_486, %broadcast_in_dim3A_491 : vector<16xi1>, vector<16xi32>
    %add3A_493 = arith.constant 1 : i32
    %add3A_494 = vector.broadcast %add3A_493 : i32 to vector<16xi32>
    %add3A_495 = arith.addi %select_n3A_492, %add3A_494 : vector<16xi32>
    %swap3A_496 = arith.constant 144 : index
    %swap3A_497 = tpu.vector_load %arg6[%swap3A_496] {strides = array<i32>} : memref<512xi32, #tpu.memory_space<vmem>>, vector<16xi32>,
    tpu.vector_store %arg6[%swap3A_496], %add3A_495 {strides = array<i32>} : memref<512xi32, #tpu.memory_space<vmem>>, vector<16xi32>,
    %slice3A_498 = vector.extract_strided_slice %add3A_486 {offsets = [15], sizes = [1], strides = [1]} : vector<16xi32> to vector<1xi32>
    %squeeze3A_499 = vector.extract %slice3A_498[0] : i32 from vector<1xi32>
    %dma_start3A_500 = arith.constant 144 : i32
    %dma_start3A_501 = tpu.memref_slice %arg6[%dma_start3A_500] : memref<512xi32, #tpu.memory_space<vmem>> -> memref<16xi32, #tpu.memory_space<vmem>>
    %dma_start3A_502 = arith.constant 0 : i32
    %dma_start3A_503 = arith.constant 0 : i32
    %dma_start3A_504 = tpu.memref_slice %arg3[%dma_start3A_502, %dma_start3A_503] : memref<4100x1024xf32, #tpu.memory_space<hbm>> -> memref<4100x1024xf32, #tpu.memory_space<hbm>>
    tpu.enqueue_indirect_dma source(%dma_start3A_504 : memref<4100x1024xf32, #tpu.memory_space<hbm>>) target(%arg11 : memref<16x1024xf32, #tpu.memory_space<vmem>>) offsets(%dma_start3A_501 : memref<16xi32, #tpu.memory_space<vmem>>) semaphore(%arg16 : memref<!tpu.dma_semaphore, #tpu.memory_space<semaphore_mem>>)
    %dma_wait3A_505 = arith.constant 96 : i32
    %dma_wait3A_506 = tpu.memref_slice %arg6[%dma_wait3A_505] : memref<512xi32, #tpu.memory_space<vmem>> -> memref<16xi32, #tpu.memory_space<vmem>>
    %dma_wait3A_507 = arith.constant 0 : i32
    %dma_wait3A_508 = arith.constant 0 : i32
    %dma_wait3A_509 = tpu.memref_slice %arg3[%dma_wait3A_507, %dma_wait3A_508] : memref<4100x1024xf32, #tpu.memory_space<hbm>> -> memref<4100x1024xf32, #tpu.memory_space<hbm>>
    tpu.wait_indirect_dma semaphore(%arg13 : memref<!tpu.dma_semaphore, #tpu.memory_space<semaphore_mem>>) src(%dma_wait3A_509 : memref<4100x1024xf32, #tpu.memory_space<hbm>>) dst(%arg8 : memref<16x1024xf32, #tpu.memory_space<vmem>>)
    %add3A_510 = arith.constant 96 : i32
    %add3A_511 = arith.addi %add3A_75, %add3A_510 : i32
    %dma_start3A_512 = arith.constant 0 : i32
    %dma_start3A_513 = tpu.memref_slice %arg4[%add3A_511, %dma_start3A_512] : memref<16384x1024xf32, #tpu.memory_space<hbm>> -> memref<16x1024xf32, #tpu.memory_space<hbm>>
    %dma_start3A_514 = arith.constant 0 : i32
    %dma_start3A_515 = tpu.memref_slice %arg4[%add3A_511, %dma_start3A_514] : memref<16384x1024xf32, #tpu.memory_space<hbm>> -> memref<16x1024xf32, #tpu.memory_space<hbm>>
    tpu.enqueue_dma source(%arg8 : memref<16x1024xf32, #tpu.memory_space<vmem>>) target(%dma_start3A_515 : memref<16x1024xf32, #tpu.memory_space<hbm>>) target_semaphore(%arg18 : memref<!tpu.dma_semaphore, #tpu.memory_space<semaphore_mem>>)
    %dma_wait3A_516 = arith.constant 0 : i32
    %dma_wait3A_517 = tpu.memref_slice %arg4[%add3A_461, %dma_wait3A_516] : memref<16384x1024xf32, #tpu.memory_space<hbm>> -> memref<16x1024xf32, #tpu.memory_space<hbm>>
    %dma_wait3A_518 = arith.constant 0 : i32
    %dma_wait3A_519 = tpu.memref_slice %arg4[%add3A_461, %dma_wait3A_518] : memref<16384x1024xf32, #tpu.memory_space<hbm>> -> memref<16x1024xf32, #tpu.memory_space<hbm>>
    tpu.wait_dma2 semaphore(%arg17 : memref<!tpu.dma_semaphore, #tpu.memory_space<semaphore_mem>>) src(%arg7 : memref<16x1024xf32, #tpu.memory_space<vmem>>) dst(%dma_wait3A_519 : memref<16x1024xf32, #tpu.memory_space<hbm>>)
    %add3A_520 = arith.constant 160 : i32
    %add3A_521 = arith.addi %mul3A_74, %add3A_520 : i32
    %get3A_522 = arith.index_cast %add3A_521 : i32 to index
    %get3A_523 = tpu.vector_load %arg5[%get3A_522] {strides = array<i32>} : memref<4096xi32, #tpu.memory_space<vmem>>, vector<16xi32>,
    %ne3A_524 = arith.constant 1 : i32
    %ne3A_525 = vector.broadcast %ne3A_524 : i32 to vector<16xi32>
    %ne3A_526 = arith.cmpi ne, %get3A_523, %ne3A_525 : vector<16xi32>
    %jit3A_527 = arith.constant 1 : i32
    %jit3A_528 = arith.constant 0 : i32
    %broadcast_in_dim3A_529 = vector.broadcast %jit3A_527 : i32 to vector<16xi32>
    %broadcast_in_dim3A_530 = vector.broadcast %jit3A_528 : i32 to vector<16xi32>
    %select_n3A_531 = arith.select %ne3A_526, %broadcast_in_dim3A_529, %broadcast_in_dim3A_530 : vector<16xi1>, vector<16xi32>
    %cumsum3A_532 = arith.constant true
    %cumsum3A_533 = vector.broadcast %cumsum3A_532 : i1 to vector<16xi1>
    %cumsum3A_534 = tpu.scan <sum>, %select_n3A_531 masked %cumsum3A_533 : vector<16xi32>, vector<16xi1> -> vector<16xi32>
    %add3A_535 = vector.broadcast %squeeze3A_499 : i32 to vector<16xi32>
    %add3A_536 = arith.addi %cumsum3A_534, %add3A_535 : vector<16xi32>
    %ne3A_537 = arith.constant 1 : i32
    %ne3A_538 = vector.broadcast %ne3A_537 : i32 to vector<16xi32>
    %ne3A_539 = arith.cmpi ne, %get3A_523, %ne3A_538 : vector<16xi32>
    %jit3A_540 = arith.constant 0 : i32
    %broadcast_in_dim3A_541 = vector.broadcast %jit3A_540 : i32 to vector<16xi32>
    %select_n3A_542 = arith.select %ne3A_539, %add3A_536, %broadcast_in_dim3A_541 : vector<16xi1>, vector<16xi32>
    %add3A_543 = arith.constant 1 : i32
    %add3A_544 = vector.broadcast %add3A_543 : i32 to vector<16xi32>
    %add3A_545 = arith.addi %select_n3A_542, %add3A_544 : vector<16xi32>
    %swap3A_546 = arith.constant 160 : index
    %swap3A_547 = tpu.vector_load %arg6[%swap3A_546] {strides = array<i32>} : memref<512xi32, #tpu.memory_space<vmem>>, vector<16xi32>,
    tpu.vector_store %arg6[%swap3A_546], %add3A_545 {strides = array<i32>} : memref<512xi32, #tpu.memory_space<vmem>>, vector<16xi32>,
    %slice3A_548 = vector.extract_strided_slice %add3A_536 {offsets = [15], sizes = [1], strides = [1]} : vector<16xi32> to vector<1xi32>
    %squeeze3A_549 = vector.extract %slice3A_548[0] : i32 from vector<1xi32>
    %dma_start3A_550 = arith.constant 160 : i32
    %dma_start3A_551 = tpu.memref_slice %arg6[%dma_start3A_550] : memref<512xi32, #tpu.memory_space<vmem>> -> memref<16xi32, #tpu.memory_space<vmem>>
    %dma_start3A_552 = arith.constant 0 : i32
    %dma_start3A_553 = arith.constant 0 : i32
    %dma_start3A_554 = tpu.memref_slice %arg3[%dma_start3A_552, %dma_start3A_553] : memref<4100x1024xf32, #tpu.memory_space<hbm>> -> memref<4100x1024xf32, #tpu.memory_space<hbm>>
    tpu.enqueue_indirect_dma source(%dma_start3A_554 : memref<4100x1024xf32, #tpu.memory_space<hbm>>) target(%arg7 : memref<16x1024xf32, #tpu.memory_space<vmem>>) offsets(%dma_start3A_551 : memref<16xi32, #tpu.memory_space<vmem>>) semaphore(%arg12 : memref<!tpu.dma_semaphore, #tpu.memory_space<semaphore_mem>>)
    %dma_wait3A_555 = arith.constant 112 : i32
    %dma_wait3A_556 = tpu.memref_slice %arg6[%dma_wait3A_555] : memref<512xi32, #tpu.memory_space<vmem>> -> memref<16xi32, #tpu.memory_space<vmem>>
    %dma_wait3A_557 = arith.constant 0 : i32
    %dma_wait3A_558 = arith.constant 0 : i32
    %dma_wait3A_559 = tpu.memref_slice %arg3[%dma_wait3A_557, %dma_wait3A_558] : memref<4100x1024xf32, #tpu.memory_space<hbm>> -> memref<4100x1024xf32, #tpu.memory_space<hbm>>
    tpu.wait_indirect_dma semaphore(%arg14 : memref<!tpu.dma_semaphore, #tpu.memory_space<semaphore_mem>>) src(%dma_wait3A_559 : memref<4100x1024xf32, #tpu.memory_space<hbm>>) dst(%arg9 : memref<16x1024xf32, #tpu.memory_space<vmem>>)
    %add3A_560 = arith.constant 112 : i32
    %add3A_561 = arith.addi %add3A_75, %add3A_560 : i32
    %dma_start3A_562 = arith.constant 0 : i32
    %dma_start3A_563 = tpu.memref_slice %arg4[%add3A_561, %dma_start3A_562] : memref<16384x1024xf32, #tpu.memory_space<hbm>> -> memref<16x1024xf32, #tpu.memory_space<hbm>>
    %dma_start3A_564 = arith.constant 0 : i32
    %dma_start3A_565 = tpu.memref_slice %arg4[%add3A_561, %dma_start3A_564] : memref<16384x1024xf32, #tpu.memory_space<hbm>> -> memref<16x1024xf32, #tpu.memory_space<hbm>>
    tpu.enqueue_dma source(%arg9 : memref<16x1024xf32, #tpu.memory_space<vmem>>) target(%dma_start3A_565 : memref<16x1024xf32, #tpu.memory_space<hbm>>) target_semaphore(%arg19 : memref<!tpu.dma_semaphore, #tpu.memory_space<semaphore_mem>>)
    %dma_wait3A_566 = arith.constant 0 : i32
    %dma_wait3A_567 = tpu.memref_slice %arg4[%add3A_511, %dma_wait3A_566] : memref<16384x1024xf32, #tpu.memory_space<hbm>> -> memref<16x1024xf32, #tpu.memory_space<hbm>>
    %dma_wait3A_568 = arith.constant 0 : i32
    %dma_wait3A_569 = tpu.memref_slice %arg4[%add3A_511, %dma_wait3A_568] : memref<16384x1024xf32, #tpu.memory_space<hbm>> -> memref<16x1024xf32, #tpu.memory_space<hbm>>
    tpu.wait_dma2 semaphore(%arg18 : memref<!tpu.dma_semaphore, #tpu.memory_space<semaphore_mem>>) src(%arg8 : memref<16x1024xf32, #tpu.memory_space<vmem>>) dst(%dma_wait3A_569 : memref<16x1024xf32, #tpu.memory_space<hbm>>)
    %add3A_570 = arith.constant 176 : i32
    %add3A_571 = arith.addi %mul3A_74, %add3A_570 : i32
    %get3A_572 = arith.index_cast %add3A_571 : i32 to index
    %get3A_573 = tpu.vector_load %arg5[%get3A_572] {strides = array<i32>} : memref<4096xi32, #tpu.memory_space<vmem>>, vector<16xi32>,
    %ne3A_574 = arith.constant 1 : i32
    %ne3A_575 = vector.broadcast %ne3A_574 : i32 to vector<16xi32>
    %ne3A_576 = arith.cmpi ne, %get3A_573, %ne3A_575 : vector<16xi32>
    %jit3A_577 = arith.constant 1 : i32
    %jit3A_578 = arith.constant 0 : i32
    %broadcast_in_dim3A_579 = vector.broadcast %jit3A_577 : i32 to vector<16xi32>
    %broadcast_in_dim3A_580 = vector.broadcast %jit3A_578 : i32 to vector<16xi32>
    %select_n3A_581 = arith.select %ne3A_576, %broadcast_in_dim3A_579, %broadcast_in_dim3A_580 : vector<16xi1>, vector<16xi32>
    %cumsum3A_582 = arith.constant true
    %cumsum3A_583 = vector.broadcast %cumsum3A_582 : i1 to vector<16xi1>
    %cumsum3A_584 = tpu.scan <sum>, %select_n3A_581 masked %cumsum3A_583 : vector<16xi32>, vector<16xi1> -> vector<16xi32>
    %add3A_585 = vector.broadcast %squeeze3A_549 : i32 to vector<16xi32>
    %add3A_586 = arith.addi %cumsum3A_584, %add3A_585 : vector<16xi32>
    %ne3A_587 = arith.constant 1 : i32
    %ne3A_588 = vector.broadcast %ne3A_587 : i32 to vector<16xi32>
    %ne3A_589 = arith.cmpi ne, %get3A_573, %ne3A_588 : vector<16xi32>
    %jit3A_590 = arith.constant 0 : i32
    %broadcast_in_dim3A_591 = vector.broadcast %jit3A_590 : i32 to vector<16xi32>
    %select_n3A_592 = arith.select %ne3A_589, %add3A_586, %broadcast_in_dim3A_591 : vector<16xi1>, vector<16xi32>
    %add3A_593 = arith.constant 1 : i32
    %add3A_594 = vector.broadcast %add3A_593 : i32 to vector<16xi32>
    %add3A_595 = arith.addi %select_n3A_592, %add3A_594 : vector<16xi32>
    %swap3A_596 = arith.constant 176 : index
    %swap3A_597 = tpu.vector_load %arg6[%swap3A_596] {strides = array<i32>} : memref<512xi32, #tpu.memory_space<vmem>>, vector<16xi32>,
    tpu.vector_store %arg6[%swap3A_596], %add3A_595 {strides = array<i32>} : memref<512xi32, #tpu.memory_space<vmem>>, vector<16xi32>,
    %slice3A_598 = vector.extract_strided_slice %add3A_586 {offsets = [15], sizes = [1], strides = [1]} : vector<16xi32> to vector<1xi32>
    %squeeze3A_599 = vector.extract %slice3A_598[0] : i32 from vector<1xi32>
    %dma_start3A_600 = arith.constant 176 : i32
    %dma_start3A_601 = tpu.memref_slice %arg6[%dma_start3A_600] : memref<512xi32, #tpu.memory_space<vmem>> -> memref<16xi32, #tpu.memory_space<vmem>>
    %dma_start3A_602 = arith.constant 0 : i32
    %dma_start3A_603 = arith.constant 0 : i32
    %dma_start3A_604 = tpu.memref_slice %arg3[%dma_start3A_602, %dma_start3A_603] : memref<4100x1024xf32, #tpu.memory_space<hbm>> -> memref<4100x1024xf32, #tpu.memory_space<hbm>>
    tpu.enqueue_indirect_dma source(%dma_start3A_604 : memref<4100x1024xf32, #tpu.memory_space<hbm>>) target(%arg8 : memref<16x1024xf32, #tpu.memory_space<vmem>>) offsets(%dma_start3A_601 : memref<16xi32, #tpu.memory_space<vmem>>) semaphore(%arg13 : memref<!tpu.dma_semaphore, #tpu.memory_space<semaphore_mem>>)
    %dma_wait3A_605 = arith.constant 128 : i32
    %dma_wait3A_606 = tpu.memref_slice %arg6[%dma_wait3A_605] : memref<512xi32, #tpu.memory_space<vmem>> -> memref<16xi32, #tpu.memory_space<vmem>>
    %dma_wait3A_607 = arith.constant 0 : i32
    %dma_wait3A_608 = arith.constant 0 : i32
    %dma_wait3A_609 = tpu.memref_slice %arg3[%dma_wait3A_607, %dma_wait3A_608] : memref<4100x1024xf32, #tpu.memory_space<hbm>> -> memref<4100x1024xf32, #tpu.memory_space<hbm>>
    tpu.wait_indirect_dma semaphore(%arg15 : memref<!tpu.dma_semaphore, #tpu.memory_space<semaphore_mem>>) src(%dma_wait3A_609 : memref<4100x1024xf32, #tpu.memory_space<hbm>>) dst(%arg10 : memref<16x1024xf32, #tpu.memory_space<vmem>>)
    %add3A_610 = arith.constant 128 : i32
    %add3A_611 = arith.addi %add3A_75, %add3A_610 : i32
    %dma_start3A_612 = arith.constant 0 : i32
    %dma_start3A_613 = tpu.memref_slice %arg4[%add3A_611, %dma_start3A_612] : memref<16384x1024xf32, #tpu.memory_space<hbm>> -> memref<16x1024xf32, #tpu.memory_space<hbm>>
    %dma_start3A_614 = arith.constant 0 : i32
    %dma_start3A_615 = tpu.memref_slice %arg4[%add3A_611, %dma_start3A_614] : memref<16384x1024xf32, #tpu.memory_space<hbm>> -> memref<16x1024xf32, #tpu.memory_space<hbm>>
    tpu.enqueue_dma source(%arg10 : memref<16x1024xf32, #tpu.memory_space<vmem>>) target(%dma_start3A_615 : memref<16x1024xf32, #tpu.memory_space<hbm>>) target_semaphore(%arg20 : memref<!tpu.dma_semaphore, #tpu.memory_space<semaphore_mem>>)
    %dma_wait3A_616 = arith.constant 0 : i32
    %dma_wait3A_617 = tpu.memref_slice %arg4[%add3A_561, %dma_wait3A_616] : memref<16384x1024xf32, #tpu.memory_space<hbm>> -> memref<16x1024xf32, #tpu.memory_space<hbm>>
    %dma_wait3A_618 = arith.constant 0 : i32
    %dma_wait3A_619 = tpu.memref_slice %arg4[%add3A_561, %dma_wait3A_618] : memref<16384x1024xf32, #tpu.memory_space<hbm>> -> memref<16x1024xf32, #tpu.memory_space<hbm>>
    tpu.wait_dma2 semaphore(%arg19 : memref<!tpu.dma_semaphore, #tpu.memory_space<semaphore_mem>>) src(%arg9 : memref<16x1024xf32, #tpu.memory_space<vmem>>) dst(%dma_wait3A_619 : memref<16x1024xf32, #tpu.memory_space<hbm>>)
    %add3A_620 = arith.constant 192 : i32
    %add3A_621 = arith.addi %mul3A_74, %add3A_620 : i32
    %get3A_622 = arith.index_cast %add3A_621 : i32 to index
    %get3A_623 = tpu.vector_load %arg5[%get3A_622] {strides = array<i32>} : memref<4096xi32, #tpu.memory_space<vmem>>, vector<16xi32>,
    %ne3A_624 = arith.constant 1 : i32
    %ne3A_625 = vector.broadcast %ne3A_624 : i32 to vector<16xi32>
    %ne3A_626 = arith.cmpi ne, %get3A_623, %ne3A_625 : vector<16xi32>
    %jit3A_627 = arith.constant 1 : i32
    %jit3A_628 = arith.constant 0 : i32
    %broadcast_in_dim3A_629 = vector.broadcast %jit3A_627 : i32 to vector<16xi32>
    %broadcast_in_dim3A_630 = vector.broadcast %jit3A_628 : i32 to vector<16xi32>
    %select_n3A_631 = arith.select %ne3A_626, %broadcast_in_dim3A_629, %broadcast_in_dim3A_630 : vector<16xi1>, vector<16xi32>
    %cumsum3A_632 = arith.constant true
    %cumsum3A_633 = vector.broadcast %cumsum3A_632 : i1 to vector<16xi1>
    %cumsum3A_634 = tpu.scan <sum>, %select_n3A_631 masked %cumsum3A_633 : vector<16xi32>, vector<16xi1> -> vector<16xi32>
    %add3A_635 = vector.broadcast %squeeze3A_599 : i32 to vector<16xi32>
    %add3A_636 = arith.addi %cumsum3A_634, %add3A_635 : vector<16xi32>
    %ne3A_637 = arith.constant 1 : i32
    %ne3A_638 = vector.broadcast %ne3A_637 : i32 to vector<16xi32>
    %ne3A_639 = arith.cmpi ne, %get3A_623, %ne3A_638 : vector<16xi32>
    %jit3A_640 = arith.constant 0 : i32
    %broadcast_in_dim3A_641 = vector.broadcast %jit3A_640 : i32 to vector<16xi32>
    %select_n3A_642 = arith.select %ne3A_639, %add3A_636, %broadcast_in_dim3A_641 : vector<16xi1>, vector<16xi32>
    %add3A_643 = arith.constant 1 : i32
    %add3A_644 = vector.broadcast %add3A_643 : i32 to vector<16xi32>
    %add3A_645 = arith.addi %select_n3A_642, %add3A_644 : vector<16xi32>
    %swap3A_646 = arith.constant 192 : index
    %swap3A_647 = tpu.vector_load %arg6[%swap3A_646] {strides = array<i32>} : memref<512xi32, #tpu.memory_space<vmem>>, vector<16xi32>,
    tpu.vector_store %arg6[%swap3A_646], %add3A_645 {strides = array<i32>} : memref<512xi32, #tpu.memory_space<vmem>>, vector<16xi32>,
    %slice3A_648 = vector.extract_strided_slice %add3A_636 {offsets = [15], sizes = [1], strides = [1]} : vector<16xi32> to vector<1xi32>
    %squeeze3A_649 = vector.extract %slice3A_648[0] : i32 from vector<1xi32>
    %dma_start3A_650 = arith.constant 192 : i32
    %dma_start3A_651 = tpu.memref_slice %arg6[%dma_start3A_650] : memref<512xi32, #tpu.memory_space<vmem>> -> memref<16xi32, #tpu.memory_space<vmem>>
    %dma_start3A_652 = arith.constant 0 : i32
    %dma_start3A_653 = arith.constant 0 : i32
    %dma_start3A_654 = tpu.memref_slice %arg3[%dma_start3A_652, %dma_start3A_653] : memref<4100x1024xf32, #tpu.memory_space<hbm>> -> memref<4100x1024xf32, #tpu.memory_space<hbm>>
    tpu.enqueue_indirect_dma source(%dma_start3A_654 : memref<4100x1024xf32, #tpu.memory_space<hbm>>) target(%arg9 : memref<16x1024xf32, #tpu.memory_space<vmem>>) offsets(%dma_start3A_651 : memref<16xi32, #tpu.memory_space<vmem>>) semaphore(%arg14 : memref<!tpu.dma_semaphore, #tpu.memory_space<semaphore_mem>>)
    %dma_wait3A_655 = arith.constant 144 : i32
    %dma_wait3A_656 = tpu.memref_slice %arg6[%dma_wait3A_655] : memref<512xi32, #tpu.memory_space<vmem>> -> memref<16xi32, #tpu.memory_space<vmem>>
    %dma_wait3A_657 = arith.constant 0 : i32
    %dma_wait3A_658 = arith.constant 0 : i32
    %dma_wait3A_659 = tpu.memref_slice %arg3[%dma_wait3A_657, %dma_wait3A_658] : memref<4100x1024xf32, #tpu.memory_space<hbm>> -> memref<4100x1024xf32, #tpu.memory_space<hbm>>
    tpu.wait_indirect_dma semaphore(%arg16 : memref<!tpu.dma_semaphore, #tpu.memory_space<semaphore_mem>>) src(%dma_wait3A_659 : memref<4100x1024xf32, #tpu.memory_space<hbm>>) dst(%arg11 : memref<16x1024xf32, #tpu.memory_space<vmem>>)
    %add3A_660 = arith.constant 144 : i32
    %add3A_661 = arith.addi %add3A_75, %add3A_660 : i32
    %dma_start3A_662 = arith.constant 0 : i32
    %dma_start3A_663 = tpu.memref_slice %arg4[%add3A_661, %dma_start3A_662] : memref<16384x1024xf32, #tpu.memory_space<hbm>> -> memref<16x1024xf32, #tpu.memory_space<hbm>>
    %dma_start3A_664 = arith.constant 0 : i32
    %dma_start3A_665 = tpu.memref_slice %arg4[%add3A_661, %dma_start3A_664] : memref<16384x1024xf32, #tpu.memory_space<hbm>> -> memref<16x1024xf32, #tpu.memory_space<hbm>>
    tpu.enqueue_dma source(%arg11 : memref<16x1024xf32, #tpu.memory_space<vmem>>) target(%dma_start3A_665 : memref<16x1024xf32, #tpu.memory_space<hbm>>) target_semaphore(%arg21 : memref<!tpu.dma_semaphore, #tpu.memory_space<semaphore_mem>>)
    %dma_wait3A_666 = arith.constant 0 : i32
    %dma_wait3A_667 = tpu.memref_slice %arg4[%add3A_611, %dma_wait3A_666] : memref<16384x1024xf32, #tpu.memory_space<hbm>> -> memref<16x1024xf32, #tpu.memory_space<hbm>>
    %dma_wait3A_668 = arith.constant 0 : i32
    %dma_wait3A_669 = tpu.memref_slice %arg4[%add3A_611, %dma_wait3A_668] : memref<16384x1024xf32, #tpu.memory_space<hbm>> -> memref<16x1024xf32, #tpu.memory_space<hbm>>
    tpu.wait_dma2 semaphore(%arg20 : memref<!tpu.dma_semaphore, #tpu.memory_space<semaphore_mem>>) src(%arg10 : memref<16x1024xf32, #tpu.memory_space<vmem>>) dst(%dma_wait3A_669 : memref<16x1024xf32, #tpu.memory_space<hbm>>)
    %add3A_670 = arith.constant 208 : i32
    %add3A_671 = arith.addi %mul3A_74, %add3A_670 : i32
    %get3A_672 = arith.index_cast %add3A_671 : i32 to index
    %get3A_673 = tpu.vector_load %arg5[%get3A_672] {strides = array<i32>} : memref<4096xi32, #tpu.memory_space<vmem>>, vector<16xi32>,
    %ne3A_674 = arith.constant 1 : i32
    %ne3A_675 = vector.broadcast %ne3A_674 : i32 to vector<16xi32>
    %ne3A_676 = arith.cmpi ne, %get3A_673, %ne3A_675 : vector<16xi32>
    %jit3A_677 = arith.constant 1 : i32
    %jit3A_678 = arith.constant 0 : i32
    %broadcast_in_dim3A_679 = vector.broadcast %jit3A_677 : i32 to vector<16xi32>
    %broadcast_in_dim3A_680 = vector.broadcast %jit3A_678 : i32 to vector<16xi32>
    %select_n3A_681 = arith.select %ne3A_676, %broadcast_in_dim3A_679, %broadcast_in_dim3A_680 : vector<16xi1>, vector<16xi32>
    %cumsum3A_682 = arith.constant true
    %cumsum3A_683 = vector.broadcast %cumsum3A_682 : i1 to vector<16xi1>
    %cumsum3A_684 = tpu.scan <sum>, %select_n3A_681 masked %cumsum3A_683 : vector<16xi32>, vector<16xi1> -> vector<16xi32>
    %add3A_685 = vector.broadcast %squeeze3A_649 : i32 to vector<16xi32>
    %add3A_686 = arith.addi %cumsum3A_684, %add3A_685 : vector<16xi32>
    %ne3A_687 = arith.constant 1 : i32
    %ne3A_688 = vector.broadcast %ne3A_687 : i32 to vector<16xi32>
    %ne3A_689 = arith.cmpi ne, %get3A_673, %ne3A_688 : vector<16xi32>
    %jit3A_690 = arith.constant 0 : i32
    %broadcast_in_dim3A_691 = vector.broadcast %jit3A_690 : i32 to vector<16xi32>
    %select_n3A_692 = arith.select %ne3A_689, %add3A_686, %broadcast_in_dim3A_691 : vector<16xi1>, vector<16xi32>
    %add3A_693 = arith.constant 1 : i32
    %add3A_694 = vector.broadcast %add3A_693 : i32 to vector<16xi32>
    %add3A_695 = arith.addi %select_n3A_692, %add3A_694 : vector<16xi32>
    %swap3A_696 = arith.constant 208 : index
    %swap3A_697 = tpu.vector_load %arg6[%swap3A_696] {strides = array<i32>} : memref<512xi32, #tpu.memory_space<vmem>>, vector<16xi32>,
    tpu.vector_store %arg6[%swap3A_696], %add3A_695 {strides = array<i32>} : memref<512xi32, #tpu.memory_space<vmem>>, vector<16xi32>,
    %slice3A_698 = vector.extract_strided_slice %add3A_686 {offsets = [15], sizes = [1], strides = [1]} : vector<16xi32> to vector<1xi32>
    %squeeze3A_699 = vector.extract %slice3A_698[0] : i32 from vector<1xi32>
    %dma_start3A_700 = arith.constant 208 : i32
    %dma_start3A_701 = tpu.memref_slice %arg6[%dma_start3A_700] : memref<512xi32, #tpu.memory_space<vmem>> -> memref<16xi32, #tpu.memory_space<vmem>>
    %dma_start3A_702 = arith.constant 0 : i32
    %dma_start3A_703 = arith.constant 0 : i32
    %dma_start3A_704 = tpu.memref_slice %arg3[%dma_start3A_702, %dma_start3A_703] : memref<4100x1024xf32, #tpu.memory_space<hbm>> -> memref<4100x1024xf32, #tpu.memory_space<hbm>>
    tpu.enqueue_indirect_dma source(%dma_start3A_704 : memref<4100x1024xf32, #tpu.memory_space<hbm>>) target(%arg10 : memref<16x1024xf32, #tpu.memory_space<vmem>>) offsets(%dma_start3A_701 : memref<16xi32, #tpu.memory_space<vmem>>) semaphore(%arg15 : memref<!tpu.dma_semaphore, #tpu.memory_space<semaphore_mem>>)
    %dma_wait3A_705 = arith.constant 160 : i32
    %dma_wait3A_706 = tpu.memref_slice %arg6[%dma_wait3A_705] : memref<512xi32, #tpu.memory_space<vmem>> -> memref<16xi32, #tpu.memory_space<vmem>>
    %dma_wait3A_707 = arith.constant 0 : i32
    %dma_wait3A_708 = arith.constant 0 : i32
    %dma_wait3A_709 = tpu.memref_slice %arg3[%dma_wait3A_707, %dma_wait3A_708] : memref<4100x1024xf32, #tpu.memory_space<hbm>> -> memref<4100x1024xf32, #tpu.memory_space<hbm>>
    tpu.wait_indirect_dma semaphore(%arg12 : memref<!tpu.dma_semaphore, #tpu.memory_space<semaphore_mem>>) src(%dma_wait3A_709 : memref<4100x1024xf32, #tpu.memory_space<hbm>>) dst(%arg7 : memref<16x1024xf32, #tpu.memory_space<vmem>>)
    %add3A_710 = arith.constant 160 : i32
    %add3A_711 = arith.addi %add3A_75, %add3A_710 : i32
    %dma_start3A_712 = arith.constant 0 : i32
    %dma_start3A_713 = tpu.memref_slice %arg4[%add3A_711, %dma_start3A_712] : memref<16384x1024xf32, #tpu.memory_space<hbm>> -> memref<16x1024xf32, #tpu.memory_space<hbm>>
    %dma_start3A_714 = arith.constant 0 : i32
    %dma_start3A_715 = tpu.memref_slice %arg4[%add3A_711, %dma_start3A_714] : memref<16384x1024xf32, #tpu.memory_space<hbm>> -> memref<16x1024xf32, #tpu.memory_space<hbm>>
    tpu.enqueue_dma source(%arg7 : memref<16x1024xf32, #tpu.memory_space<vmem>>) target(%dma_start3A_715 : memref<16x1024xf32, #tpu.memory_space<hbm>>) target_semaphore(%arg17 : memref<!tpu.dma_semaphore, #tpu.memory_space<semaphore_mem>>)
    %dma_wait3A_716 = arith.constant 0 : i32
    %dma_wait3A_717 = tpu.memref_slice %arg4[%add3A_661, %dma_wait3A_716] : memref<16384x1024xf32, #tpu.memory_space<hbm>> -> memref<16x1024xf32, #tpu.memory_space<hbm>>
    %dma_wait3A_718 = arith.constant 0 : i32
    %dma_wait3A_719 = tpu.memref_slice %arg4[%add3A_661, %dma_wait3A_718] : memref<16384x1024xf32, #tpu.memory_space<hbm>> -> memref<16x1024xf32, #tpu.memory_space<hbm>>
    tpu.wait_dma2 semaphore(%arg21 : memref<!tpu.dma_semaphore, #tpu.memory_space<semaphore_mem>>) src(%arg11 : memref<16x1024xf32, #tpu.memory_space<vmem>>) dst(%dma_wait3A_719 : memref<16x1024xf32, #tpu.memory_space<hbm>>)
    %add3A_720 = arith.constant 224 : i32
    %add3A_721 = arith.addi %mul3A_74, %add3A_720 : i32
    %get3A_722 = arith.index_cast %add3A_721 : i32 to index
    %get3A_723 = tpu.vector_load %arg5[%get3A_722] {strides = array<i32>} : memref<4096xi32, #tpu.memory_space<vmem>>, vector<16xi32>,
    %ne3A_724 = arith.constant 1 : i32
    %ne3A_725 = vector.broadcast %ne3A_724 : i32 to vector<16xi32>
    %ne3A_726 = arith.cmpi ne, %get3A_723, %ne3A_725 : vector<16xi32>
    %jit3A_727 = arith.constant 1 : i32
    %jit3A_728 = arith.constant 0 : i32
    %broadcast_in_dim3A_729 = vector.broadcast %jit3A_727 : i32 to vector<16xi32>
    %broadcast_in_dim3A_730 = vector.broadcast %jit3A_728 : i32 to vector<16xi32>
    %select_n3A_731 = arith.select %ne3A_726, %broadcast_in_dim3A_729, %broadcast_in_dim3A_730 : vector<16xi1>, vector<16xi32>
    %cumsum3A_732 = arith.constant true
    %cumsum3A_733 = vector.broadcast %cumsum3A_732 : i1 to vector<16xi1>
    %cumsum3A_734 = tpu.scan <sum>, %select_n3A_731 masked %cumsum3A_733 : vector<16xi32>, vector<16xi1> -> vector<16xi32>
    %add3A_735 = vector.broadcast %squeeze3A_699 : i32 to vector<16xi32>
    %add3A_736 = arith.addi %cumsum3A_734, %add3A_735 : vector<16xi32>
    %ne3A_737 = arith.constant 1 : i32
    %ne3A_738 = vector.broadcast %ne3A_737 : i32 to vector<16xi32>
    %ne3A_739 = arith.cmpi ne, %get3A_723, %ne3A_738 : vector<16xi32>
    %jit3A_740 = arith.constant 0 : i32
    %broadcast_in_dim3A_741 = vector.broadcast %jit3A_740 : i32 to vector<16xi32>
    %select_n3A_742 = arith.select %ne3A_739, %add3A_736, %broadcast_in_dim3A_741 : vector<16xi1>, vector<16xi32>
    %add3A_743 = arith.constant 1 : i32
    %add3A_744 = vector.broadcast %add3A_743 : i32 to vector<16xi32>
    %add3A_745 = arith.addi %select_n3A_742, %add3A_744 : vector<16xi32>
    %swap3A_746 = arith.constant 224 : index
    %swap3A_747 = tpu.vector_load %arg6[%swap3A_746] {strides = array<i32>} : memref<512xi32, #tpu.memory_space<vmem>>, vector<16xi32>,
    tpu.vector_store %arg6[%swap3A_746], %add3A_745 {strides = array<i32>} : memref<512xi32, #tpu.memory_space<vmem>>, vector<16xi32>,
    %slice3A_748 = vector.extract_strided_slice %add3A_736 {offsets = [15], sizes = [1], strides = [1]} : vector<16xi32> to vector<1xi32>
    %squeeze3A_749 = vector.extract %slice3A_748[0] : i32 from vector<1xi32>
    %dma_start3A_750 = arith.constant 224 : i32
    %dma_start3A_751 = tpu.memref_slice %arg6[%dma_start3A_750] : memref<512xi32, #tpu.memory_space<vmem>> -> memref<16xi32, #tpu.memory_space<vmem>>
    %dma_start3A_752 = arith.constant 0 : i32
    %dma_start3A_753 = arith.constant 0 : i32
    %dma_start3A_754 = tpu.memref_slice %arg3[%dma_start3A_752, %dma_start3A_753] : memref<4100x1024xf32, #tpu.memory_space<hbm>> -> memref<4100x1024xf32, #tpu.memory_space<hbm>>
    tpu.enqueue_indirect_dma source(%dma_start3A_754 : memref<4100x1024xf32, #tpu.memory_space<hbm>>) target(%arg11 : memref<16x1024xf32, #tpu.memory_space<vmem>>) offsets(%dma_start3A_751 : memref<16xi32, #tpu.memory_space<vmem>>) semaphore(%arg16 : memref<!tpu.dma_semaphore, #tpu.memory_space<semaphore_mem>>)
    %dma_wait3A_755 = arith.constant 176 : i32
    %dma_wait3A_756 = tpu.memref_slice %arg6[%dma_wait3A_755] : memref<512xi32, #tpu.memory_space<vmem>> -> memref<16xi32, #tpu.memory_space<vmem>>
    %dma_wait3A_757 = arith.constant 0 : i32
    %dma_wait3A_758 = arith.constant 0 : i32
    %dma_wait3A_759 = tpu.memref_slice %arg3[%dma_wait3A_757, %dma_wait3A_758] : memref<4100x1024xf32, #tpu.memory_space<hbm>> -> memref<4100x1024xf32, #tpu.memory_space<hbm>>
    tpu.wait_indirect_dma semaphore(%arg13 : memref<!tpu.dma_semaphore, #tpu.memory_space<semaphore_mem>>) src(%dma_wait3A_759 : memref<4100x1024xf32, #tpu.memory_space<hbm>>) dst(%arg8 : memref<16x1024xf32, #tpu.memory_space<vmem>>)
    %add3A_760 = arith.constant 176 : i32
    %add3A_761 = arith.addi %add3A_75, %add3A_760 : i32
    %dma_start3A_762 = arith.constant 0 : i32
    %dma_start3A_763 = tpu.memref_slice %arg4[%add3A_761, %dma_start3A_762] : memref<16384x1024xf32, #tpu.memory_space<hbm>> -> memref<16x1024xf32, #tpu.memory_space<hbm>>
    %dma_start3A_764 = arith.constant 0 : i32
    %dma_start3A_765 = tpu.memref_slice %arg4[%add3A_761, %dma_start3A_764] : memref<16384x1024xf32, #tpu.memory_space<hbm>> -> memref<16x1024xf32, #tpu.memory_space<hbm>>
    tpu.enqueue_dma source(%arg8 : memref<16x1024xf32, #tpu.memory_space<vmem>>) target(%dma_start3A_765 : memref<16x1024xf32, #tpu.memory_space<hbm>>) target_semaphore(%arg18 : memref<!tpu.dma_semaphore, #tpu.memory_space<semaphore_mem>>)
    %dma_wait3A_766 = arith.constant 0 : i32
    %dma_wait3A_767 = tpu.memref_slice %arg4[%add3A_711, %dma_wait3A_766] : memref<16384x1024xf32, #tpu.memory_space<hbm>> -> memref<16x1024xf32, #tpu.memory_space<hbm>>
    %dma_wait3A_768 = arith.constant 0 : i32
    %dma_wait3A_769 = tpu.memref_slice %arg4[%add3A_711, %dma_wait3A_768] : memref<16384x1024xf32, #tpu.memory_space<hbm>> -> memref<16x1024xf32, #tpu.memory_space<hbm>>
    tpu.wait_dma2 semaphore(%arg17 : memref<!tpu.dma_semaphore, #tpu.memory_space<semaphore_mem>>) src(%arg7 : memref<16x1024xf32, #tpu.memory_space<vmem>>) dst(%dma_wait3A_769 : memref<16x1024xf32, #tpu.memory_space<hbm>>)
    %add3A_770 = arith.constant 240 : i32
    %add3A_771 = arith.addi %mul3A_74, %add3A_770 : i32
    %get3A_772 = arith.index_cast %add3A_771 : i32 to index
    %get3A_773 = tpu.vector_load %arg5[%get3A_772] {strides = array<i32>} : memref<4096xi32, #tpu.memory_space<vmem>>, vector<16xi32>,
    %ne3A_774 = arith.constant 1 : i32
    %ne3A_775 = vector.broadcast %ne3A_774 : i32 to vector<16xi32>
    %ne3A_776 = arith.cmpi ne, %get3A_773, %ne3A_775 : vector<16xi32>
    %jit3A_777 = arith.constant 1 : i32
    %jit3A_778 = arith.constant 0 : i32
    %broadcast_in_dim3A_779 = vector.broadcast %jit3A_777 : i32 to vector<16xi32>
    %broadcast_in_dim3A_780 = vector.broadcast %jit3A_778 : i32 to vector<16xi32>
    %select_n3A_781 = arith.select %ne3A_776, %broadcast_in_dim3A_779, %broadcast_in_dim3A_780 : vector<16xi1>, vector<16xi32>
    %cumsum3A_782 = arith.constant true
    %cumsum3A_783 = vector.broadcast %cumsum3A_782 : i1 to vector<16xi1>
    %cumsum3A_784 = tpu.scan <sum>, %select_n3A_781 masked %cumsum3A_783 : vector<16xi32>, vector<16xi1> -> vector<16xi32>
    %add3A_785 = vector.broadcast %squeeze3A_749 : i32 to vector<16xi32>
    %add3A_786 = arith.addi %cumsum3A_784, %add3A_785 : vector<16xi32>
    %ne3A_787 = arith.constant 1 : i32
    %ne3A_788 = vector.broadcast %ne3A_787 : i32 to vector<16xi32>
    %ne3A_789 = arith.cmpi ne, %get3A_773, %ne3A_788 : vector<16xi32>
    %jit3A_790 = arith.constant 0 : i32
    %broadcast_in_dim3A_791 = vector.broadcast %jit3A_790 : i32 to vector<16xi32>
    %select_n3A_792 = arith.select %ne3A_789, %add3A_786, %broadcast_in_dim3A_791 : vector<16xi1>, vector<16xi32>
    %add3A_793 = arith.constant 1 : i32
    %add3A_794 = vector.broadcast %add3A_793 : i32 to vector<16xi32>
    %add3A_795 = arith.addi %select_n3A_792, %add3A_794 : vector<16xi32>
    %swap3A_796 = arith.constant 240 : index
    %swap3A_797 = tpu.vector_load %arg6[%swap3A_796] {strides = array<i32>} : memref<512xi32, #tpu.memory_space<vmem>>, vector<16xi32>,
    tpu.vector_store %arg6[%swap3A_796], %add3A_795 {strides = array<i32>} : memref<512xi32, #tpu.memory_space<vmem>>, vector<16xi32>,
    %slice3A_798 = vector.extract_strided_slice %add3A_786 {offsets = [15], sizes = [1], strides = [1]} : vector<16xi32> to vector<1xi32>
    %squeeze3A_799 = vector.extract %slice3A_798[0] : i32 from vector<1xi32>
    %dma_start3A_800 = arith.constant 240 : i32
    %dma_start3A_801 = tpu.memref_slice %arg6[%dma_start3A_800] : memref<512xi32, #tpu.memory_space<vmem>> -> memref<16xi32, #tpu.memory_space<vmem>>
    %dma_start3A_802 = arith.constant 0 : i32
    %dma_start3A_803 = arith.constant 0 : i32
    %dma_start3A_804 = tpu.memref_slice %arg3[%dma_start3A_802, %dma_start3A_803] : memref<4100x1024xf32, #tpu.memory_space<hbm>> -> memref<4100x1024xf32, #tpu.memory_space<hbm>>
    tpu.enqueue_indirect_dma source(%dma_start3A_804 : memref<4100x1024xf32, #tpu.memory_space<hbm>>) target(%arg7 : memref<16x1024xf32, #tpu.memory_space<vmem>>) offsets(%dma_start3A_801 : memref<16xi32, #tpu.memory_space<vmem>>) semaphore(%arg12 : memref<!tpu.dma_semaphore, #tpu.memory_space<semaphore_mem>>)
    %dma_wait3A_805 = arith.constant 192 : i32
    %dma_wait3A_806 = tpu.memref_slice %arg6[%dma_wait3A_805] : memref<512xi32, #tpu.memory_space<vmem>> -> memref<16xi32, #tpu.memory_space<vmem>>
    %dma_wait3A_807 = arith.constant 0 : i32
    %dma_wait3A_808 = arith.constant 0 : i32
    %dma_wait3A_809 = tpu.memref_slice %arg3[%dma_wait3A_807, %dma_wait3A_808] : memref<4100x1024xf32, #tpu.memory_space<hbm>> -> memref<4100x1024xf32, #tpu.memory_space<hbm>>
    tpu.wait_indirect_dma semaphore(%arg14 : memref<!tpu.dma_semaphore, #tpu.memory_space<semaphore_mem>>) src(%dma_wait3A_809 : memref<4100x1024xf32, #tpu.memory_space<hbm>>) dst(%arg9 : memref<16x1024xf32, #tpu.memory_space<vmem>>)
    %add3A_810 = arith.constant 192 : i32
    %add3A_811 = arith.addi %add3A_75, %add3A_810 : i32
    %dma_start3A_812 = arith.constant 0 : i32
    %dma_start3A_813 = tpu.memref_slice %arg4[%add3A_811, %dma_start3A_812] : memref<16384x1024xf32, #tpu.memory_space<hbm>> -> memref<16x1024xf32, #tpu.memory_space<hbm>>
    %dma_start3A_814 = arith.constant 0 : i32
    %dma_start3A_815 = tpu.memref_slice %arg4[%add3A_811, %dma_start3A_814] : memref<16384x1024xf32, #tpu.memory_space<hbm>> -> memref<16x1024xf32, #tpu.memory_space<hbm>>
    tpu.enqueue_dma source(%arg9 : memref<16x1024xf32, #tpu.memory_space<vmem>>) target(%dma_start3A_815 : memref<16x1024xf32, #tpu.memory_space<hbm>>) target_semaphore(%arg19 : memref<!tpu.dma_semaphore, #tpu.memory_space<semaphore_mem>>)
    %dma_wait3A_816 = arith.constant 0 : i32
    %dma_wait3A_817 = tpu.memref_slice %arg4[%add3A_761, %dma_wait3A_816] : memref<16384x1024xf32, #tpu.memory_space<hbm>> -> memref<16x1024xf32, #tpu.memory_space<hbm>>
    %dma_wait3A_818 = arith.constant 0 : i32
    %dma_wait3A_819 = tpu.memref_slice %arg4[%add3A_761, %dma_wait3A_818] : memref<16384x1024xf32, #tpu.memory_space<hbm>> -> memref<16x1024xf32, #tpu.memory_space<hbm>>
    tpu.wait_dma2 semaphore(%arg18 : memref<!tpu.dma_semaphore, #tpu.memory_space<semaphore_mem>>) src(%arg8 : memref<16x1024xf32, #tpu.memory_space<vmem>>) dst(%dma_wait3A_819 : memref<16x1024xf32, #tpu.memory_space<hbm>>)
    %add3A_820 = arith.constant 256 : i32
    %add3A_821 = arith.addi %mul3A_74, %add3A_820 : i32
    %get3A_822 = arith.index_cast %add3A_821 : i32 to index
    %get3A_823 = tpu.vector_load %arg5[%get3A_822] {strides = array<i32>} : memref<4096xi32, #tpu.memory_space<vmem>>, vector<16xi32>,
    %ne3A_824 = arith.constant 1 : i32
    %ne3A_825 = vector.broadcast %ne3A_824 : i32 to vector<16xi32>
    %ne3A_826 = arith.cmpi ne, %get3A_823, %ne3A_825 : vector<16xi32>
    %jit3A_827 = arith.constant 1 : i32
    %jit3A_828 = arith.constant 0 : i32
    %broadcast_in_dim3A_829 = vector.broadcast %jit3A_827 : i32 to vector<16xi32>
    %broadcast_in_dim3A_830 = vector.broadcast %jit3A_828 : i32 to vector<16xi32>
    %select_n3A_831 = arith.select %ne3A_826, %broadcast_in_dim3A_829, %broadcast_in_dim3A_830 : vector<16xi1>, vector<16xi32>
    %cumsum3A_832 = arith.constant true
    %cumsum3A_833 = vector.broadcast %cumsum3A_832 : i1 to vector<16xi1>
    %cumsum3A_834 = tpu.scan <sum>, %select_n3A_831 masked %cumsum3A_833 : vector<16xi32>, vector<16xi1> -> vector<16xi32>
    %add3A_835 = vector.broadcast %squeeze3A_799 : i32 to vector<16xi32>
    %add3A_836 = arith.addi %cumsum3A_834, %add3A_835 : vector<16xi32>
    %ne3A_837 = arith.constant 1 : i32
    %ne3A_838 = vector.broadcast %ne3A_837 : i32 to vector<16xi32>
    %ne3A_839 = arith.cmpi ne, %get3A_823, %ne3A_838 : vector<16xi32>
    %jit3A_840 = arith.constant 0 : i32
    %broadcast_in_dim3A_841 = vector.broadcast %jit3A_840 : i32 to vector<16xi32>
    %select_n3A_842 = arith.select %ne3A_839, %add3A_836, %broadcast_in_dim3A_841 : vector<16xi1>, vector<16xi32>
    %add3A_843 = arith.constant 1 : i32
    %add3A_844 = vector.broadcast %add3A_843 : i32 to vector<16xi32>
    %add3A_845 = arith.addi %select_n3A_842, %add3A_844 : vector<16xi32>
    %swap3A_846 = arith.constant 256 : index
    %swap3A_847 = tpu.vector_load %arg6[%swap3A_846] {strides = array<i32>} : memref<512xi32, #tpu.memory_space<vmem>>, vector<16xi32>,
    tpu.vector_store %arg6[%swap3A_846], %add3A_845 {strides = array<i32>} : memref<512xi32, #tpu.memory_space<vmem>>, vector<16xi32>,
    %slice3A_848 = vector.extract_strided_slice %add3A_836 {offsets = [15], sizes = [1], strides = [1]} : vector<16xi32> to vector<1xi32>
    %squeeze3A_849 = vector.extract %slice3A_848[0] : i32 from vector<1xi32>
    %dma_start3A_850 = arith.constant 256 : i32
    %dma_start3A_851 = tpu.memref_slice %arg6[%dma_start3A_850] : memref<512xi32, #tpu.memory_space<vmem>> -> memref<16xi32, #tpu.memory_space<vmem>>
    %dma_start3A_852 = arith.constant 0 : i32
    %dma_start3A_853 = arith.constant 0 : i32
    %dma_start3A_854 = tpu.memref_slice %arg3[%dma_start3A_852, %dma_start3A_853] : memref<4100x1024xf32, #tpu.memory_space<hbm>> -> memref<4100x1024xf32, #tpu.memory_space<hbm>>
    tpu.enqueue_indirect_dma source(%dma_start3A_854 : memref<4100x1024xf32, #tpu.memory_space<hbm>>) target(%arg8 : memref<16x1024xf32, #tpu.memory_space<vmem>>) offsets(%dma_start3A_851 : memref<16xi32, #tpu.memory_space<vmem>>) semaphore(%arg13 : memref<!tpu.dma_semaphore, #tpu.memory_space<semaphore_mem>>)
    %dma_wait3A_855 = arith.constant 208 : i32
    %dma_wait3A_856 = tpu.memref_slice %arg6[%dma_wait3A_855] : memref<512xi32, #tpu.memory_space<vmem>> -> memref<16xi32, #tpu.memory_space<vmem>>
    %dma_wait3A_857 = arith.constant 0 : i32
    %dma_wait3A_858 = arith.constant 0 : i32
    %dma_wait3A_859 = tpu.memref_slice %arg3[%dma_wait3A_857, %dma_wait3A_858] : memref<4100x1024xf32, #tpu.memory_space<hbm>> -> memref<4100x1024xf32, #tpu.memory_space<hbm>>
    tpu.wait_indirect_dma semaphore(%arg15 : memref<!tpu.dma_semaphore, #tpu.memory_space<semaphore_mem>>) src(%dma_wait3A_859 : memref<4100x1024xf32, #tpu.memory_space<hbm>>) dst(%arg10 : memref<16x1024xf32, #tpu.memory_space<vmem>>)
    %add3A_860 = arith.constant 208 : i32
    %add3A_861 = arith.addi %add3A_75, %add3A_860 : i32
    %dma_start3A_862 = arith.constant 0 : i32
    %dma_start3A_863 = tpu.memref_slice %arg4[%add3A_861, %dma_start3A_862] : memref<16384x1024xf32, #tpu.memory_space<hbm>> -> memref<16x1024xf32, #tpu.memory_space<hbm>>
    %dma_start3A_864 = arith.constant 0 : i32
    %dma_start3A_865 = tpu.memref_slice %arg4[%add3A_861, %dma_start3A_864] : memref<16384x1024xf32, #tpu.memory_space<hbm>> -> memref<16x1024xf32, #tpu.memory_space<hbm>>
    tpu.enqueue_dma source(%arg10 : memref<16x1024xf32, #tpu.memory_space<vmem>>) target(%dma_start3A_865 : memref<16x1024xf32, #tpu.memory_space<hbm>>) target_semaphore(%arg20 : memref<!tpu.dma_semaphore, #tpu.memory_space<semaphore_mem>>)
    %dma_wait3A_866 = arith.constant 0 : i32
    %dma_wait3A_867 = tpu.memref_slice %arg4[%add3A_811, %dma_wait3A_866] : memref<16384x1024xf32, #tpu.memory_space<hbm>> -> memref<16x1024xf32, #tpu.memory_space<hbm>>
    %dma_wait3A_868 = arith.constant 0 : i32
    %dma_wait3A_869 = tpu.memref_slice %arg4[%add3A_811, %dma_wait3A_868] : memref<16384x1024xf32, #tpu.memory_space<hbm>> -> memref<16x1024xf32, #tpu.memory_space<hbm>>
    tpu.wait_dma2 semaphore(%arg19 : memref<!tpu.dma_semaphore, #tpu.memory_space<semaphore_mem>>) src(%arg9 : memref<16x1024xf32, #tpu.memory_space<vmem>>) dst(%dma_wait3A_869 : memref<16x1024xf32, #tpu.memory_space<hbm>>)
    %add3A_870 = arith.constant 272 : i32
    %add3A_871 = arith.addi %mul3A_74, %add3A_870 : i32
    %get3A_872 = arith.index_cast %add3A_871 : i32 to index
    %get3A_873 = tpu.vector_load %arg5[%get3A_872] {strides = array<i32>} : memref<4096xi32, #tpu.memory_space<vmem>>, vector<16xi32>,
    %ne3A_874 = arith.constant 1 : i32
    %ne3A_875 = vector.broadcast %ne3A_874 : i32 to vector<16xi32>
    %ne3A_876 = arith.cmpi ne, %get3A_873, %ne3A_875 : vector<16xi32>
    %jit3A_877 = arith.constant 1 : i32
    %jit3A_878 = arith.constant 0 : i32
    %broadcast_in_dim3A_879 = vector.broadcast %jit3A_877 : i32 to vector<16xi32>
    %broadcast_in_dim3A_880 = vector.broadcast %jit3A_878 : i32 to vector<16xi32>
    %select_n3A_881 = arith.select %ne3A_876, %broadcast_in_dim3A_879, %broadcast_in_dim3A_880 : vector<16xi1>, vector<16xi32>
    %cumsum3A_882 = arith.constant true
    %cumsum3A_883 = vector.broadcast %cumsum3A_882 : i1 to vector<16xi1>
    %cumsum3A_884 = tpu.scan <sum>, %select_n3A_881 masked %cumsum3A_883 : vector<16xi32>, vector<16xi1> -> vector<16xi32>
    %add3A_885 = vector.broadcast %squeeze3A_849 : i32 to vector<16xi32>
    %add3A_886 = arith.addi %cumsum3A_884, %add3A_885 : vector<16xi32>
    %ne3A_887 = arith.constant 1 : i32
    %ne3A_888 = vector.broadcast %ne3A_887 : i32 to vector<16xi32>
    %ne3A_889 = arith.cmpi ne, %get3A_873, %ne3A_888 : vector<16xi32>
    %jit3A_890 = arith.constant 0 : i32
    %broadcast_in_dim3A_891 = vector.broadcast %jit3A_890 : i32 to vector<16xi32>
    %select_n3A_892 = arith.select %ne3A_889, %add3A_886, %broadcast_in_dim3A_891 : vector<16xi1>, vector<16xi32>
    %add3A_893 = arith.constant 1 : i32
    %add3A_894 = vector.broadcast %add3A_893 : i32 to vector<16xi32>
    %add3A_895 = arith.addi %select_n3A_892, %add3A_894 : vector<16xi32>
    %swap3A_896 = arith.constant 272 : index
    %swap3A_897 = tpu.vector_load %arg6[%swap3A_896] {strides = array<i32>} : memref<512xi32, #tpu.memory_space<vmem>>, vector<16xi32>,
    tpu.vector_store %arg6[%swap3A_896], %add3A_895 {strides = array<i32>} : memref<512xi32, #tpu.memory_space<vmem>>, vector<16xi32>,
    %slice3A_898 = vector.extract_strided_slice %add3A_886 {offsets = [15], sizes = [1], strides = [1]} : vector<16xi32> to vector<1xi32>
    %squeeze3A_899 = vector.extract %slice3A_898[0] : i32 from vector<1xi32>
    %dma_start3A_900 = arith.constant 272 : i32
    %dma_start3A_901 = tpu.memref_slice %arg6[%dma_start3A_900] : memref<512xi32, #tpu.memory_space<vmem>> -> memref<16xi32, #tpu.memory_space<vmem>>
    %dma_start3A_902 = arith.constant 0 : i32
    %dma_start3A_903 = arith.constant 0 : i32
    %dma_start3A_904 = tpu.memref_slice %arg3[%dma_start3A_902, %dma_start3A_903] : memref<4100x1024xf32, #tpu.memory_space<hbm>> -> memref<4100x1024xf32, #tpu.memory_space<hbm>>
    tpu.enqueue_indirect_dma source(%dma_start3A_904 : memref<4100x1024xf32, #tpu.memory_space<hbm>>) target(%arg9 : memref<16x1024xf32, #tpu.memory_space<vmem>>) offsets(%dma_start3A_901 : memref<16xi32, #tpu.memory_space<vmem>>) semaphore(%arg14 : memref<!tpu.dma_semaphore, #tpu.memory_space<semaphore_mem>>)
    %dma_wait3A_905 = arith.constant 224 : i32
    %dma_wait3A_906 = tpu.memref_slice %arg6[%dma_wait3A_905] : memref<512xi32, #tpu.memory_space<vmem>> -> memref<16xi32, #tpu.memory_space<vmem>>
    %dma_wait3A_907 = arith.constant 0 : i32
    %dma_wait3A_908 = arith.constant 0 : i32
    %dma_wait3A_909 = tpu.memref_slice %arg3[%dma_wait3A_907, %dma_wait3A_908] : memref<4100x1024xf32, #tpu.memory_space<hbm>> -> memref<4100x1024xf32, #tpu.memory_space<hbm>>
    tpu.wait_indirect_dma semaphore(%arg16 : memref<!tpu.dma_semaphore, #tpu.memory_space<semaphore_mem>>) src(%dma_wait3A_909 : memref<4100x1024xf32, #tpu.memory_space<hbm>>) dst(%arg11 : memref<16x1024xf32, #tpu.memory_space<vmem>>)
    %add3A_910 = arith.constant 224 : i32
    %add3A_911 = arith.addi %add3A_75, %add3A_910 : i32
    %dma_start3A_912 = arith.constant 0 : i32
    %dma_start3A_913 = tpu.memref_slice %arg4[%add3A_911, %dma_start3A_912] : memref<16384x1024xf32, #tpu.memory_space<hbm>> -> memref<16x1024xf32, #tpu.memory_space<hbm>>
    %dma_start3A_914 = arith.constant 0 : i32
    %dma_start3A_915 = tpu.memref_slice %arg4[%add3A_911, %dma_start3A_914] : memref<16384x1024xf32, #tpu.memory_space<hbm>> -> memref<16x1024xf32, #tpu.memory_space<hbm>>
    tpu.enqueue_dma source(%arg11 : memref<16x1024xf32, #tpu.memory_space<vmem>>) target(%dma_start3A_915 : memref<16x1024xf32, #tpu.memory_space<hbm>>) target_semaphore(%arg21 : memref<!tpu.dma_semaphore, #tpu.memory_space<semaphore_mem>>)
    %dma_wait3A_916 = arith.constant 0 : i32
    %dma_wait3A_917 = tpu.memref_slice %arg4[%add3A_861, %dma_wait3A_916] : memref<16384x1024xf32, #tpu.memory_space<hbm>> -> memref<16x1024xf32, #tpu.memory_space<hbm>>
    %dma_wait3A_918 = arith.constant 0 : i32
    %dma_wait3A_919 = tpu.memref_slice %arg4[%add3A_861, %dma_wait3A_918] : memref<16384x1024xf32, #tpu.memory_space<hbm>> -> memref<16x1024xf32, #tpu.memory_space<hbm>>
    tpu.wait_dma2 semaphore(%arg20 : memref<!tpu.dma_semaphore, #tpu.memory_space<semaphore_mem>>) src(%arg10 : memref<16x1024xf32, #tpu.memory_space<vmem>>) dst(%dma_wait3A_919 : memref<16x1024xf32, #tpu.memory_space<hbm>>)
    %add3A_920 = arith.constant 288 : i32
    %add3A_921 = arith.addi %mul3A_74, %add3A_920 : i32
    %get3A_922 = arith.index_cast %add3A_921 : i32 to index
    %get3A_923 = tpu.vector_load %arg5[%get3A_922] {strides = array<i32>} : memref<4096xi32, #tpu.memory_space<vmem>>, vector<16xi32>,
    %ne3A_924 = arith.constant 1 : i32
    %ne3A_925 = vector.broadcast %ne3A_924 : i32 to vector<16xi32>
    %ne3A_926 = arith.cmpi ne, %get3A_923, %ne3A_925 : vector<16xi32>
    %jit3A_927 = arith.constant 1 : i32
    %jit3A_928 = arith.constant 0 : i32
    %broadcast_in_dim3A_929 = vector.broadcast %jit3A_927 : i32 to vector<16xi32>
    %broadcast_in_dim3A_930 = vector.broadcast %jit3A_928 : i32 to vector<16xi32>
    %select_n3A_931 = arith.select %ne3A_926, %broadcast_in_dim3A_929, %broadcast_in_dim3A_930 : vector<16xi1>, vector<16xi32>
    %cumsum3A_932 = arith.constant true
    %cumsum3A_933 = vector.broadcast %cumsum3A_932 : i1 to vector<16xi1>
    %cumsum3A_934 = tpu.scan <sum>, %select_n3A_931 masked %cumsum3A_933 : vector<16xi32>, vector<16xi1> -> vector<16xi32>
    %add3A_935 = vector.broadcast %squeeze3A_899 : i32 to vector<16xi32>
    %add3A_936 = arith.addi %cumsum3A_934, %add3A_935 : vector<16xi32>
    %ne3A_937 = arith.constant 1 : i32
    %ne3A_938 = vector.broadcast %ne3A_937 : i32 to vector<16xi32>
    %ne3A_939 = arith.cmpi ne, %get3A_923, %ne3A_938 : vector<16xi32>
    %jit3A_940 = arith.constant 0 : i32
    %broadcast_in_dim3A_941 = vector.broadcast %jit3A_940 : i32 to vector<16xi32>
    %select_n3A_942 = arith.select %ne3A_939, %add3A_936, %broadcast_in_dim3A_941 : vector<16xi1>, vector<16xi32>
    %add3A_943 = arith.constant 1 : i32
    %add3A_944 = vector.broadcast %add3A_943 : i32 to vector<16xi32>
    %add3A_945 = arith.addi %select_n3A_942, %add3A_944 : vector<16xi32>
    %swap3A_946 = arith.constant 288 : index
    %swap3A_947 = tpu.vector_load %arg6[%swap3A_946] {strides = array<i32>} : memref<512xi32, #tpu.memory_space<vmem>>, vector<16xi32>,
    tpu.vector_store %arg6[%swap3A_946], %add3A_945 {strides = array<i32>} : memref<512xi32, #tpu.memory_space<vmem>>, vector<16xi32>,
    %slice3A_948 = vector.extract_strided_slice %add3A_936 {offsets = [15], sizes = [1], strides = [1]} : vector<16xi32> to vector<1xi32>
    %squeeze3A_949 = vector.extract %slice3A_948[0] : i32 from vector<1xi32>
    %dma_start3A_950 = arith.constant 288 : i32
    %dma_start3A_951 = tpu.memref_slice %arg6[%dma_start3A_950] : memref<512xi32, #tpu.memory_space<vmem>> -> memref<16xi32, #tpu.memory_space<vmem>>
    %dma_start3A_952 = arith.constant 0 : i32
    %dma_start3A_953 = arith.constant 0 : i32
    %dma_start3A_954 = tpu.memref_slice %arg3[%dma_start3A_952, %dma_start3A_953] : memref<4100x1024xf32, #tpu.memory_space<hbm>> -> memref<4100x1024xf32, #tpu.memory_space<hbm>>
    tpu.enqueue_indirect_dma source(%dma_start3A_954 : memref<4100x1024xf32, #tpu.memory_space<hbm>>) target(%arg10 : memref<16x1024xf32, #tpu.memory_space<vmem>>) offsets(%dma_start3A_951 : memref<16xi32, #tpu.memory_space<vmem>>) semaphore(%arg15 : memref<!tpu.dma_semaphore, #tpu.memory_space<semaphore_mem>>)
    %dma_wait3A_955 = arith.constant 240 : i32
    %dma_wait3A_956 = tpu.memref_slice %arg6[%dma_wait3A_955] : memref<512xi32, #tpu.memory_space<vmem>> -> memref<16xi32, #tpu.memory_space<vmem>>
    %dma_wait3A_957 = arith.constant 0 : i32
    %dma_wait3A_958 = arith.constant 0 : i32
    %dma_wait3A_959 = tpu.memref_slice %arg3[%dma_wait3A_957, %dma_wait3A_958] : memref<4100x1024xf32, #tpu.memory_space<hbm>> -> memref<4100x1024xf32, #tpu.memory_space<hbm>>
    tpu.wait_indirect_dma semaphore(%arg12 : memref<!tpu.dma_semaphore, #tpu.memory_space<semaphore_mem>>) src(%dma_wait3A_959 : memref<4100x1024xf32, #tpu.memory_space<hbm>>) dst(%arg7 : memref<16x1024xf32, #tpu.memory_space<vmem>>)
    %add3A_960 = arith.constant 240 : i32
    %add3A_961 = arith.addi %add3A_75, %add3A_960 : i32
    %dma_start3A_962 = arith.constant 0 : i32
    %dma_start3A_963 = tpu.memref_slice %arg4[%add3A_961, %dma_start3A_962] : memref<16384x1024xf32, #tpu.memory_space<hbm>> -> memref<16x1024xf32, #tpu.memory_space<hbm>>
    %dma_start3A_964 = arith.constant 0 : i32
    %dma_start3A_965 = tpu.memref_slice %arg4[%add3A_961, %dma_start3A_964] : memref<16384x1024xf32, #tpu.memory_space<hbm>> -> memref<16x1024xf32, #tpu.memory_space<hbm>>
    tpu.enqueue_dma source(%arg7 : memref<16x1024xf32, #tpu.memory_space<vmem>>) target(%dma_start3A_965 : memref<16x1024xf32, #tpu.memory_space<hbm>>) target_semaphore(%arg17 : memref<!tpu.dma_semaphore, #tpu.memory_space<semaphore_mem>>)
    %dma_wait3A_966 = arith.constant 0 : i32
    %dma_wait3A_967 = tpu.memref_slice %arg4[%add3A_911, %dma_wait3A_966] : memref<16384x1024xf32, #tpu.memory_space<hbm>> -> memref<16x1024xf32, #tpu.memory_space<hbm>>
    %dma_wait3A_968 = arith.constant 0 : i32
    %dma_wait3A_969 = tpu.memref_slice %arg4[%add3A_911, %dma_wait3A_968] : memref<16384x1024xf32, #tpu.memory_space<hbm>> -> memref<16x1024xf32, #tpu.memory_space<hbm>>
    tpu.wait_dma2 semaphore(%arg21 : memref<!tpu.dma_semaphore, #tpu.memory_space<semaphore_mem>>) src(%arg11 : memref<16x1024xf32, #tpu.memory_space<vmem>>) dst(%dma_wait3A_969 : memref<16x1024xf32, #tpu.memory_space<hbm>>)
    %add3A_970 = arith.constant 304 : i32
    %add3A_971 = arith.addi %mul3A_74, %add3A_970 : i32
    %get3A_972 = arith.index_cast %add3A_971 : i32 to index
    %get3A_973 = tpu.vector_load %arg5[%get3A_972] {strides = array<i32>} : memref<4096xi32, #tpu.memory_space<vmem>>, vector<16xi32>,
    %ne3A_974 = arith.constant 1 : i32
    %ne3A_975 = vector.broadcast %ne3A_974 : i32 to vector<16xi32>
    %ne3A_976 = arith.cmpi ne, %get3A_973, %ne3A_975 : vector<16xi32>
    %jit3A_977 = arith.constant 1 : i32
    %jit3A_978 = arith.constant 0 : i32
    %broadcast_in_dim3A_979 = vector.broadcast %jit3A_977 : i32 to vector<16xi32>
    %broadcast_in_dim3A_980 = vector.broadcast %jit3A_978 : i32 to vector<16xi32>
    %select_n3A_981 = arith.select %ne3A_976, %broadcast_in_dim3A_979, %broadcast_in_dim3A_980 : vector<16xi1>, vector<16xi32>
    %cumsum3A_982 = arith.constant true
    %cumsum3A_983 = vector.broadcast %cumsum3A_982 : i1 to vector<16xi1>
    %cumsum3A_984 = tpu.scan <sum>, %select_n3A_981 masked %cumsum3A_983 : vector<16xi32>, vector<16xi1> -> vector<16xi32>
    %add3A_985 = vector.broadcast %squeeze3A_949 : i32 to vector<16xi32>
    %add3A_986 = arith.addi %cumsum3A_984, %add3A_985 : vector<16xi32>
    %ne3A_987 = arith.constant 1 : i32
    %ne3A_988 = vector.broadcast %ne3A_987 : i32 to vector<16xi32>
    %ne3A_989 = arith.cmpi ne, %get3A_973, %ne3A_988 : vector<16xi32>
    %jit3A_990 = arith.constant 0 : i32
    %broadcast_in_dim3A_991 = vector.broadcast %jit3A_990 : i32 to vector<16xi32>
    %select_n3A_992 = arith.select %ne3A_989, %add3A_986, %broadcast_in_dim3A_991 : vector<16xi1>, vector<16xi32>
    %add3A_993 = arith.constant 1 : i32
    %add3A_994 = vector.broadcast %add3A_993 : i32 to vector<16xi32>
    %add3A_995 = arith.addi %select_n3A_992, %add3A_994 : vector<16xi32>
    %swap3A_996 = arith.constant 304 : index
    %swap3A_997 = tpu.vector_load %arg6[%swap3A_996] {strides = array<i32>} : memref<512xi32, #tpu.memory_space<vmem>>, vector<16xi32>,
    tpu.vector_store %arg6[%swap3A_996], %add3A_995 {strides = array<i32>} : memref<512xi32, #tpu.memory_space<vmem>>, vector<16xi32>,
    %slice3A_998 = vector.extract_strided_slice %add3A_986 {offsets = [15], sizes = [1], strides = [1]} : vector<16xi32> to vector<1xi32>
    %squeeze3A_999 = vector.extract %slice3A_998[0] : i32 from vector<1xi32>
    %dma_start3A_1000 = arith.constant 304 : i32
    %dma_start3A_1001 = tpu.memref_slice %arg6[%dma_start3A_1000] : memref<512xi32, #tpu.memory_space<vmem>> -> memref<16xi32, #tpu.memory_space<vmem>>
    %dma_start3A_1002 = arith.constant 0 : i32
    %dma_start3A_1003 = arith.constant 0 : i32
    %dma_start3A_1004 = tpu.memref_slice %arg3[%dma_start3A_1002, %dma_start3A_1003] : memref<4100x1024xf32, #tpu.memory_space<hbm>> -> memref<4100x1024xf32, #tpu.memory_space<hbm>>
    tpu.enqueue_indirect_dma source(%dma_start3A_1004 : memref<4100x1024xf32, #tpu.memory_space<hbm>>) target(%arg11 : memref<16x1024xf32, #tpu.memory_space<vmem>>) offsets(%dma_start3A_1001 : memref<16xi32, #tpu.memory_space<vmem>>) semaphore(%arg16 : memref<!tpu.dma_semaphore, #tpu.memory_space<semaphore_mem>>)
    %dma_wait3A_1005 = arith.constant 256 : i32
    %dma_wait3A_1006 = tpu.memref_slice %arg6[%dma_wait3A_1005] : memref<512xi32, #tpu.memory_space<vmem>> -> memref<16xi32, #tpu.memory_space<vmem>>
    %dma_wait3A_1007 = arith.constant 0 : i32
    %dma_wait3A_1008 = arith.constant 0 : i32
    %dma_wait3A_1009 = tpu.memref_slice %arg3[%dma_wait3A_1007, %dma_wait3A_1008] : memref<4100x1024xf32, #tpu.memory_space<hbm>> -> memref<4100x1024xf32, #tpu.memory_space<hbm>>
    tpu.wait_indirect_dma semaphore(%arg13 : memref<!tpu.dma_semaphore, #tpu.memory_space<semaphore_mem>>) src(%dma_wait3A_1009 : memref<4100x1024xf32, #tpu.memory_space<hbm>>) dst(%arg8 : memref<16x1024xf32, #tpu.memory_space<vmem>>)
    %add3A_1010 = arith.constant 256 : i32
    %add3A_1011 = arith.addi %add3A_75, %add3A_1010 : i32
    %dma_start3A_1012 = arith.constant 0 : i32
    %dma_start3A_1013 = tpu.memref_slice %arg4[%add3A_1011, %dma_start3A_1012] : memref<16384x1024xf32, #tpu.memory_space<hbm>> -> memref<16x1024xf32, #tpu.memory_space<hbm>>
    %dma_start3A_1014 = arith.constant 0 : i32
    %dma_start3A_1015 = tpu.memref_slice %arg4[%add3A_1011, %dma_start3A_1014] : memref<16384x1024xf32, #tpu.memory_space<hbm>> -> memref<16x1024xf32, #tpu.memory_space<hbm>>
    tpu.enqueue_dma source(%arg8 : memref<16x1024xf32, #tpu.memory_space<vmem>>) target(%dma_start3A_1015 : memref<16x1024xf32, #tpu.memory_space<hbm>>) target_semaphore(%arg18 : memref<!tpu.dma_semaphore, #tpu.memory_space<semaphore_mem>>)
    %dma_wait3A_1016 = arith.constant 0 : i32
    %dma_wait3A_1017 = tpu.memref_slice %arg4[%add3A_961, %dma_wait3A_1016] : memref<16384x1024xf32, #tpu.memory_space<hbm>> -> memref<16x1024xf32, #tpu.memory_space<hbm>>
    %dma_wait3A_1018 = arith.constant 0 : i32
    %dma_wait3A_1019 = tpu.memref_slice %arg4[%add3A_961, %dma_wait3A_1018] : memref<16384x1024xf32, #tpu.memory_space<hbm>> -> memref<16x1024xf32, #tpu.memory_space<hbm>>
    tpu.wait_dma2 semaphore(%arg17 : memref<!tpu.dma_semaphore, #tpu.memory_space<semaphore_mem>>) src(%arg7 : memref<16x1024xf32, #tpu.memory_space<vmem>>) dst(%dma_wait3A_1019 : memref<16x1024xf32, #tpu.memory_space<hbm>>)
    %add3A_1020 = arith.constant 320 : i32
    %add3A_1021 = arith.addi %mul3A_74, %add3A_1020 : i32
    %get3A_1022 = arith.index_cast %add3A_1021 : i32 to index
    %get3A_1023 = tpu.vector_load %arg5[%get3A_1022] {strides = array<i32>} : memref<4096xi32, #tpu.memory_space<vmem>>, vector<16xi32>,
    %ne3A_1024 = arith.constant 1 : i32
    %ne3A_1025 = vector.broadcast %ne3A_1024 : i32 to vector<16xi32>
    %ne3A_1026 = arith.cmpi ne, %get3A_1023, %ne3A_1025 : vector<16xi32>
    %jit3A_1027 = arith.constant 1 : i32
    %jit3A_1028 = arith.constant 0 : i32
    %broadcast_in_dim3A_1029 = vector.broadcast %jit3A_1027 : i32 to vector<16xi32>
    %broadcast_in_dim3A_1030 = vector.broadcast %jit3A_1028 : i32 to vector<16xi32>
    %select_n3A_1031 = arith.select %ne3A_1026, %broadcast_in_dim3A_1029, %broadcast_in_dim3A_1030 : vector<16xi1>, vector<16xi32>
    %cumsum3A_1032 = arith.constant true
    %cumsum3A_1033 = vector.broadcast %cumsum3A_1032 : i1 to vector<16xi1>
    %cumsum3A_1034 = tpu.scan <sum>, %select_n3A_1031 masked %cumsum3A_1033 : vector<16xi32>, vector<16xi1> -> vector<16xi32>
    %add3A_1035 = vector.broadcast %squeeze3A_999 : i32 to vector<16xi32>
    %add3A_1036 = arith.addi %cumsum3A_1034, %add3A_1035 : vector<16xi32>
    %ne3A_1037 = arith.constant 1 : i32
    %ne3A_1038 = vector.broadcast %ne3A_1037 : i32 to vector<16xi32>
    %ne3A_1039 = arith.cmpi ne, %get3A_1023, %ne3A_1038 : vector<16xi32>
    %jit3A_1040 = arith.constant 0 : i32
    %broadcast_in_dim3A_1041 = vector.broadcast %jit3A_1040 : i32 to vector<16xi32>
    %select_n3A_1042 = arith.select %ne3A_1039, %add3A_1036, %broadcast_in_dim3A_1041 : vector<16xi1>, vector<16xi32>
    %add3A_1043 = arith.constant 1 : i32
    %add3A_1044 = vector.broadcast %add3A_1043 : i32 to vector<16xi32>
    %add3A_1045 = arith.addi %select_n3A_1042, %add3A_1044 : vector<16xi32>
    %swap3A_1046 = arith.constant 320 : index
    %swap3A_1047 = tpu.vector_load %arg6[%swap3A_1046] {strides = array<i32>} : memref<512xi32, #tpu.memory_space<vmem>>, vector<16xi32>,
    tpu.vector_store %arg6[%swap3A_1046], %add3A_1045 {strides = array<i32>} : memref<512xi32, #tpu.memory_space<vmem>>, vector<16xi32>,
    %slice3A_1048 = vector.extract_strided_slice %add3A_1036 {offsets = [15], sizes = [1], strides = [1]} : vector<16xi32> to vector<1xi32>
    %squeeze3A_1049 = vector.extract %slice3A_1048[0] : i32 from vector<1xi32>
    %dma_start3A_1050 = arith.constant 320 : i32
    %dma_start3A_1051 = tpu.memref_slice %arg6[%dma_start3A_1050] : memref<512xi32, #tpu.memory_space<vmem>> -> memref<16xi32, #tpu.memory_space<vmem>>
    %dma_start3A_1052 = arith.constant 0 : i32
    %dma_start3A_1053 = arith.constant 0 : i32
    %dma_start3A_1054 = tpu.memref_slice %arg3[%dma_start3A_1052, %dma_start3A_1053] : memref<4100x1024xf32, #tpu.memory_space<hbm>> -> memref<4100x1024xf32, #tpu.memory_space<hbm>>
    tpu.enqueue_indirect_dma source(%dma_start3A_1054 : memref<4100x1024xf32, #tpu.memory_space<hbm>>) target(%arg7 : memref<16x1024xf32, #tpu.memory_space<vmem>>) offsets(%dma_start3A_1051 : memref<16xi32, #tpu.memory_space<vmem>>) semaphore(%arg12 : memref<!tpu.dma_semaphore, #tpu.memory_space<semaphore_mem>>)
    %dma_wait3A_1055 = arith.constant 272 : i32
    %dma_wait3A_1056 = tpu.memref_slice %arg6[%dma_wait3A_1055] : memref<512xi32, #tpu.memory_space<vmem>> -> memref<16xi32, #tpu.memory_space<vmem>>
    %dma_wait3A_1057 = arith.constant 0 : i32
    %dma_wait3A_1058 = arith.constant 0 : i32
    %dma_wait3A_1059 = tpu.memref_slice %arg3[%dma_wait3A_1057, %dma_wait3A_1058] : memref<4100x1024xf32, #tpu.memory_space<hbm>> -> memref<4100x1024xf32, #tpu.memory_space<hbm>>
    tpu.wait_indirect_dma semaphore(%arg14 : memref<!tpu.dma_semaphore, #tpu.memory_space<semaphore_mem>>) src(%dma_wait3A_1059 : memref<4100x1024xf32, #tpu.memory_space<hbm>>) dst(%arg9 : memref<16x1024xf32, #tpu.memory_space<vmem>>)
    %add3A_1060 = arith.constant 272 : i32
    %add3A_1061 = arith.addi %add3A_75, %add3A_1060 : i32
    %dma_start3A_1062 = arith.constant 0 : i32
    %dma_start3A_1063 = tpu.memref_slice %arg4[%add3A_1061, %dma_start3A_1062] : memref<16384x1024xf32, #tpu.memory_space<hbm>> -> memref<16x1024xf32, #tpu.memory_space<hbm>>
    %dma_start3A_1064 = arith.constant 0 : i32
    %dma_start3A_1065 = tpu.memref_slice %arg4[%add3A_1061, %dma_start3A_1064] : memref<16384x1024xf32, #tpu.memory_space<hbm>> -> memref<16x1024xf32, #tpu.memory_space<hbm>>
    tpu.enqueue_dma source(%arg9 : memref<16x1024xf32, #tpu.memory_space<vmem>>) target(%dma_start3A_1065 : memref<16x1024xf32, #tpu.memory_space<hbm>>) target_semaphore(%arg19 : memref<!tpu.dma_semaphore, #tpu.memory_space<semaphore_mem>>)
    %dma_wait3A_1066 = arith.constant 0 : i32
    %dma_wait3A_1067 = tpu.memref_slice %arg4[%add3A_1011, %dma_wait3A_1066] : memref<16384x1024xf32, #tpu.memory_space<hbm>> -> memref<16x1024xf32, #tpu.memory_space<hbm>>
    %dma_wait3A_1068 = arith.constant 0 : i32
    %dma_wait3A_1069 = tpu.memref_slice %arg4[%add3A_1011, %dma_wait3A_1068] : memref<16384x1024xf32, #tpu.memory_space<hbm>> -> memref<16x1024xf32, #tpu.memory_space<hbm>>
    tpu.wait_dma2 semaphore(%arg18 : memref<!tpu.dma_semaphore, #tpu.memory_space<semaphore_mem>>) src(%arg8 : memref<16x1024xf32, #tpu.memory_space<vmem>>) dst(%dma_wait3A_1069 : memref<16x1024xf32, #tpu.memory_space<hbm>>)
    %add3A_1070 = arith.constant 336 : i32
    %add3A_1071 = arith.addi %mul3A_74, %add3A_1070 : i32
    %get3A_1072 = arith.index_cast %add3A_1071 : i32 to index
    %get3A_1073 = tpu.vector_load %arg5[%get3A_1072] {strides = array<i32>} : memref<4096xi32, #tpu.memory_space<vmem>>, vector<16xi32>,
    %ne3A_1074 = arith.constant 1 : i32
    %ne3A_1075 = vector.broadcast %ne3A_1074 : i32 to vector<16xi32>
    %ne3A_1076 = arith.cmpi ne, %get3A_1073, %ne3A_1075 : vector<16xi32>
    %jit3A_1077 = arith.constant 1 : i32
    %jit3A_1078 = arith.constant 0 : i32
    %broadcast_in_dim3A_1079 = vector.broadcast %jit3A_1077 : i32 to vector<16xi32>
    %broadcast_in_dim3A_1080 = vector.broadcast %jit3A_1078 : i32 to vector<16xi32>
    %select_n3A_1081 = arith.select %ne3A_1076, %broadcast_in_dim3A_1079, %broadcast_in_dim3A_1080 : vector<16xi1>, vector<16xi32>
    %cumsum3A_1082 = arith.constant true
    %cumsum3A_1083 = vector.broadcast %cumsum3A_1082 : i1 to vector<16xi1>
    %cumsum3A_1084 = tpu.scan <sum>, %select_n3A_1081 masked %cumsum3A_1083 : vector<16xi32>, vector<16xi1> -> vector<16xi32>
    %add3A_1085 = vector.broadcast %squeeze3A_1049 : i32 to vector<16xi32>
    %add3A_1086 = arith.addi %cumsum3A_1084, %add3A_1085 : vector<16xi32>
    %ne3A_1087 = arith.constant 1 : i32
    %ne3A_1088 = vector.broadcast %ne3A_1087 : i32 to vector<16xi32>
    %ne3A_1089 = arith.cmpi ne, %get3A_1073, %ne3A_1088 : vector<16xi32>
    %jit3A_1090 = arith.constant 0 : i32
    %broadcast_in_dim3A_1091 = vector.broadcast %jit3A_1090 : i32 to vector<16xi32>
    %select_n3A_1092 = arith.select %ne3A_1089, %add3A_1086, %broadcast_in_dim3A_1091 : vector<16xi1>, vector<16xi32>
    %add3A_1093 = arith.constant 1 : i32
    %add3A_1094 = vector.broadcast %add3A_1093 : i32 to vector<16xi32>
    %add3A_1095 = arith.addi %select_n3A_1092, %add3A_1094 : vector<16xi32>
    %swap3A_1096 = arith.constant 336 : index
    %swap3A_1097 = tpu.vector_load %arg6[%swap3A_1096] {strides = array<i32>} : memref<512xi32, #tpu.memory_space<vmem>>, vector<16xi32>,
    tpu.vector_store %arg6[%swap3A_1096], %add3A_1095 {strides = array<i32>} : memref<512xi32, #tpu.memory_space<vmem>>, vector<16xi32>,
    %slice3A_1098 = vector.extract_strided_slice %add3A_1086 {offsets = [15], sizes = [1], strides = [1]} : vector<16xi32> to vector<1xi32>
    %squeeze3A_1099 = vector.extract %slice3A_1098[0] : i32 from vector<1xi32>
    %dma_start3A_1100 = arith.constant 336 : i32
    %dma_start3A_1101 = tpu.memref_slice %arg6[%dma_start3A_1100] : memref<512xi32, #tpu.memory_space<vmem>> -> memref<16xi32, #tpu.memory_space<vmem>>
    %dma_start3A_1102 = arith.constant 0 : i32
    %dma_start3A_1103 = arith.constant 0 : i32
    %dma_start3A_1104 = tpu.memref_slice %arg3[%dma_start3A_1102, %dma_start3A_1103] : memref<4100x1024xf32, #tpu.memory_space<hbm>> -> memref<4100x1024xf32, #tpu.memory_space<hbm>>
    tpu.enqueue_indirect_dma source(%dma_start3A_1104 : memref<4100x1024xf32, #tpu.memory_space<hbm>>) target(%arg8 : memref<16x1024xf32, #tpu.memory_space<vmem>>) offsets(%dma_start3A_1101 : memref<16xi32, #tpu.memory_space<vmem>>) semaphore(%arg13 : memref<!tpu.dma_semaphore, #tpu.memory_space<semaphore_mem>>)
    %dma_wait3A_1105 = arith.constant 288 : i32
    %dma_wait3A_1106 = tpu.memref_slice %arg6[%dma_wait3A_1105] : memref<512xi32, #tpu.memory_space<vmem>> -> memref<16xi32, #tpu.memory_space<vmem>>
    %dma_wait3A_1107 = arith.constant 0 : i32
    %dma_wait3A_1108 = arith.constant 0 : i32
    %dma_wait3A_1109 = tpu.memref_slice %arg3[%dma_wait3A_1107, %dma_wait3A_1108] : memref<4100x1024xf32, #tpu.memory_space<hbm>> -> memref<4100x1024xf32, #tpu.memory_space<hbm>>
    tpu.wait_indirect_dma semaphore(%arg15 : memref<!tpu.dma_semaphore, #tpu.memory_space<semaphore_mem>>) src(%dma_wait3A_1109 : memref<4100x1024xf32, #tpu.memory_space<hbm>>) dst(%arg10 : memref<16x1024xf32, #tpu.memory_space<vmem>>)
    %add3A_1110 = arith.constant 288 : i32
    %add3A_1111 = arith.addi %add3A_75, %add3A_1110 : i32
    %dma_start3A_1112 = arith.constant 0 : i32
    %dma_start3A_1113 = tpu.memref_slice %arg4[%add3A_1111, %dma_start3A_1112] : memref<16384x1024xf32, #tpu.memory_space<hbm>> -> memref<16x1024xf32, #tpu.memory_space<hbm>>
    %dma_start3A_1114 = arith.constant 0 : i32
    %dma_start3A_1115 = tpu.memref_slice %arg4[%add3A_1111, %dma_start3A_1114] : memref<16384x1024xf32, #tpu.memory_space<hbm>> -> memref<16x1024xf32, #tpu.memory_space<hbm>>
    tpu.enqueue_dma source(%arg10 : memref<16x1024xf32, #tpu.memory_space<vmem>>) target(%dma_start3A_1115 : memref<16x1024xf32, #tpu.memory_space<hbm>>) target_semaphore(%arg20 : memref<!tpu.dma_semaphore, #tpu.memory_space<semaphore_mem>>)
    %dma_wait3A_1116 = arith.constant 0 : i32
    %dma_wait3A_1117 = tpu.memref_slice %arg4[%add3A_1061, %dma_wait3A_1116] : memref<16384x1024xf32, #tpu.memory_space<hbm>> -> memref<16x1024xf32, #tpu.memory_space<hbm>>
    %dma_wait3A_1118 = arith.constant 0 : i32
    %dma_wait3A_1119 = tpu.memref_slice %arg4[%add3A_1061, %dma_wait3A_1118] : memref<16384x1024xf32, #tpu.memory_space<hbm>> -> memref<16x1024xf32, #tpu.memory_space<hbm>>
    tpu.wait_dma2 semaphore(%arg19 : memref<!tpu.dma_semaphore, #tpu.memory_space<semaphore_mem>>) src(%arg9 : memref<16x1024xf32, #tpu.memory_space<vmem>>) dst(%dma_wait3A_1119 : memref<16x1024xf32, #tpu.memory_space<hbm>>)
    %add3A_1120 = arith.constant 352 : i32
    %add3A_1121 = arith.addi %mul3A_74, %add3A_1120 : i32
    %get3A_1122 = arith.index_cast %add3A_1121 : i32 to index
    %get3A_1123 = tpu.vector_load %arg5[%get3A_1122] {strides = array<i32>} : memref<4096xi32, #tpu.memory_space<vmem>>, vector<16xi32>,
    %ne3A_1124 = arith.constant 1 : i32
    %ne3A_1125 = vector.broadcast %ne3A_1124 : i32 to vector<16xi32>
    %ne3A_1126 = arith.cmpi ne, %get3A_1123, %ne3A_1125 : vector<16xi32>
    %jit3A_1127 = arith.constant 1 : i32
    %jit3A_1128 = arith.constant 0 : i32
    %broadcast_in_dim3A_1129 = vector.broadcast %jit3A_1127 : i32 to vector<16xi32>
    %broadcast_in_dim3A_1130 = vector.broadcast %jit3A_1128 : i32 to vector<16xi32>
    %select_n3A_1131 = arith.select %ne3A_1126, %broadcast_in_dim3A_1129, %broadcast_in_dim3A_1130 : vector<16xi1>, vector<16xi32>
    %cumsum3A_1132 = arith.constant true
    %cumsum3A_1133 = vector.broadcast %cumsum3A_1132 : i1 to vector<16xi1>
    %cumsum3A_1134 = tpu.scan <sum>, %select_n3A_1131 masked %cumsum3A_1133 : vector<16xi32>, vector<16xi1> -> vector<16xi32>
    %add3A_1135 = vector.broadcast %squeeze3A_1099 : i32 to vector<16xi32>
    %add3A_1136 = arith.addi %cumsum3A_1134, %add3A_1135 : vector<16xi32>
    %ne3A_1137 = arith.constant 1 : i32
    %ne3A_1138 = vector.broadcast %ne3A_1137 : i32 to vector<16xi32>
    %ne3A_1139 = arith.cmpi ne, %get3A_1123, %ne3A_1138 : vector<16xi32>
    %jit3A_1140 = arith.constant 0 : i32
    %broadcast_in_dim3A_1141 = vector.broadcast %jit3A_1140 : i32 to vector<16xi32>
    %select_n3A_1142 = arith.select %ne3A_1139, %add3A_1136, %broadcast_in_dim3A_1141 : vector<16xi1>, vector<16xi32>
    %add3A_1143 = arith.constant 1 : i32
    %add3A_1144 = vector.broadcast %add3A_1143 : i32 to vector<16xi32>
    %add3A_1145 = arith.addi %select_n3A_1142, %add3A_1144 : vector<16xi32>
    %swap3A_1146 = arith.constant 352 : index
    %swap3A_1147 = tpu.vector_load %arg6[%swap3A_1146] {strides = array<i32>} : memref<512xi32, #tpu.memory_space<vmem>>, vector<16xi32>,
    tpu.vector_store %arg6[%swap3A_1146], %add3A_1145 {strides = array<i32>} : memref<512xi32, #tpu.memory_space<vmem>>, vector<16xi32>,
    %slice3A_1148 = vector.extract_strided_slice %add3A_1136 {offsets = [15], sizes = [1], strides = [1]} : vector<16xi32> to vector<1xi32>
    %squeeze3A_1149 = vector.extract %slice3A_1148[0] : i32 from vector<1xi32>
    %dma_start3A_1150 = arith.constant 352 : i32
    %dma_start3A_1151 = tpu.memref_slice %arg6[%dma_start3A_1150] : memref<512xi32, #tpu.memory_space<vmem>> -> memref<16xi32, #tpu.memory_space<vmem>>
    %dma_start3A_1152 = arith.constant 0 : i32
    %dma_start3A_1153 = arith.constant 0 : i32
    %dma_start3A_1154 = tpu.memref_slice %arg3[%dma_start3A_1152, %dma_start3A_1153] : memref<4100x1024xf32, #tpu.memory_space<hbm>> -> memref<4100x1024xf32, #tpu.memory_space<hbm>>
    tpu.enqueue_indirect_dma source(%dma_start3A_1154 : memref<4100x1024xf32, #tpu.memory_space<hbm>>) target(%arg9 : memref<16x1024xf32, #tpu.memory_space<vmem>>) offsets(%dma_start3A_1151 : memref<16xi32, #tpu.memory_space<vmem>>) semaphore(%arg14 : memref<!tpu.dma_semaphore, #tpu.memory_space<semaphore_mem>>)
    %dma_wait3A_1155 = arith.constant 304 : i32
    %dma_wait3A_1156 = tpu.memref_slice %arg6[%dma_wait3A_1155] : memref<512xi32, #tpu.memory_space<vmem>> -> memref<16xi32, #tpu.memory_space<vmem>>
    %dma_wait3A_1157 = arith.constant 0 : i32
    %dma_wait3A_1158 = arith.constant 0 : i32
    %dma_wait3A_1159 = tpu.memref_slice %arg3[%dma_wait3A_1157, %dma_wait3A_1158] : memref<4100x1024xf32, #tpu.memory_space<hbm>> -> memref<4100x1024xf32, #tpu.memory_space<hbm>>
    tpu.wait_indirect_dma semaphore(%arg16 : memref<!tpu.dma_semaphore, #tpu.memory_space<semaphore_mem>>) src(%dma_wait3A_1159 : memref<4100x1024xf32, #tpu.memory_space<hbm>>) dst(%arg11 : memref<16x1024xf32, #tpu.memory_space<vmem>>)
    %add3A_1160 = arith.constant 304 : i32
    %add3A_1161 = arith.addi %add3A_75, %add3A_1160 : i32
    %dma_start3A_1162 = arith.constant 0 : i32
    %dma_start3A_1163 = tpu.memref_slice %arg4[%add3A_1161, %dma_start3A_1162] : memref<16384x1024xf32, #tpu.memory_space<hbm>> -> memref<16x1024xf32, #tpu.memory_space<hbm>>
    %dma_start3A_1164 = arith.constant 0 : i32
    %dma_start3A_1165 = tpu.memref_slice %arg4[%add3A_1161, %dma_start3A_1164] : memref<16384x1024xf32, #tpu.memory_space<hbm>> -> memref<16x1024xf32, #tpu.memory_space<hbm>>
    tpu.enqueue_dma source(%arg11 : memref<16x1024xf32, #tpu.memory_space<vmem>>) target(%dma_start3A_1165 : memref<16x1024xf32, #tpu.memory_space<hbm>>) target_semaphore(%arg21 : memref<!tpu.dma_semaphore, #tpu.memory_space<semaphore_mem>>)
    %dma_wait3A_1166 = arith.constant 0 : i32
    %dma_wait3A_1167 = tpu.memref_slice %arg4[%add3A_1111, %dma_wait3A_1166] : memref<16384x1024xf32, #tpu.memory_space<hbm>> -> memref<16x1024xf32, #tpu.memory_space<hbm>>
    %dma_wait3A_1168 = arith.constant 0 : i32
    %dma_wait3A_1169 = tpu.memref_slice %arg4[%add3A_1111, %dma_wait3A_1168] : memref<16384x1024xf32, #tpu.memory_space<hbm>> -> memref<16x1024xf32, #tpu.memory_space<hbm>>
    tpu.wait_dma2 semaphore(%arg20 : memref<!tpu.dma_semaphore, #tpu.memory_space<semaphore_mem>>) src(%arg10 : memref<16x1024xf32, #tpu.memory_space<vmem>>) dst(%dma_wait3A_1169 : memref<16x1024xf32, #tpu.memory_space<hbm>>)
    %add3A_1170 = arith.constant 368 : i32
    %add3A_1171 = arith.addi %mul3A_74, %add3A_1170 : i32
    %get3A_1172 = arith.index_cast %add3A_1171 : i32 to index
    %get3A_1173 = tpu.vector_load %arg5[%get3A_1172] {strides = array<i32>} : memref<4096xi32, #tpu.memory_space<vmem>>, vector<16xi32>,
    %ne3A_1174 = arith.constant 1 : i32
    %ne3A_1175 = vector.broadcast %ne3A_1174 : i32 to vector<16xi32>
    %ne3A_1176 = arith.cmpi ne, %get3A_1173, %ne3A_1175 : vector<16xi32>
    %jit3A_1177 = arith.constant 1 : i32
    %jit3A_1178 = arith.constant 0 : i32
    %broadcast_in_dim3A_1179 = vector.broadcast %jit3A_1177 : i32 to vector<16xi32>
    %broadcast_in_dim3A_1180 = vector.broadcast %jit3A_1178 : i32 to vector<16xi32>
    %select_n3A_1181 = arith.select %ne3A_1176, %broadcast_in_dim3A_1179, %broadcast_in_dim3A_1180 : vector<16xi1>, vector<16xi32>
    %cumsum3A_1182 = arith.constant true
    %cumsum3A_1183 = vector.broadcast %cumsum3A_1182 : i1 to vector<16xi1>
    %cumsum3A_1184 = tpu.scan <sum>, %select_n3A_1181 masked %cumsum3A_1183 : vector<16xi32>, vector<16xi1> -> vector<16xi32>
    %add3A_1185 = vector.broadcast %squeeze3A_1149 : i32 to vector<16xi32>
    %add3A_1186 = arith.addi %cumsum3A_1184, %add3A_1185 : vector<16xi32>
    %ne3A_1187 = arith.constant 1 : i32
    %ne3A_1188 = vector.broadcast %ne3A_1187 : i32 to vector<16xi32>
    %ne3A_1189 = arith.cmpi ne, %get3A_1173, %ne3A_1188 : vector<16xi32>
    %jit3A_1190 = arith.constant 0 : i32
    %broadcast_in_dim3A_1191 = vector.broadcast %jit3A_1190 : i32 to vector<16xi32>
    %select_n3A_1192 = arith.select %ne3A_1189, %add3A_1186, %broadcast_in_dim3A_1191 : vector<16xi1>, vector<16xi32>
    %add3A_1193 = arith.constant 1 : i32
    %add3A_1194 = vector.broadcast %add3A_1193 : i32 to vector<16xi32>
    %add3A_1195 = arith.addi %select_n3A_1192, %add3A_1194 : vector<16xi32>
    %swap3A_1196 = arith.constant 368 : index
    %swap3A_1197 = tpu.vector_load %arg6[%swap3A_1196] {strides = array<i32>} : memref<512xi32, #tpu.memory_space<vmem>>, vector<16xi32>,
    tpu.vector_store %arg6[%swap3A_1196], %add3A_1195 {strides = array<i32>} : memref<512xi32, #tpu.memory_space<vmem>>, vector<16xi32>,
    %slice3A_1198 = vector.extract_strided_slice %add3A_1186 {offsets = [15], sizes = [1], strides = [1]} : vector<16xi32> to vector<1xi32>
    %squeeze3A_1199 = vector.extract %slice3A_1198[0] : i32 from vector<1xi32>
    %dma_start3A_1200 = arith.constant 368 : i32
    %dma_start3A_1201 = tpu.memref_slice %arg6[%dma_start3A_1200] : memref<512xi32, #tpu.memory_space<vmem>> -> memref<16xi32, #tpu.memory_space<vmem>>
    %dma_start3A_1202 = arith.constant 0 : i32
    %dma_start3A_1203 = arith.constant 0 : i32
    %dma_start3A_1204 = tpu.memref_slice %arg3[%dma_start3A_1202, %dma_start3A_1203] : memref<4100x1024xf32, #tpu.memory_space<hbm>> -> memref<4100x1024xf32, #tpu.memory_space<hbm>>
    tpu.enqueue_indirect_dma source(%dma_start3A_1204 : memref<4100x1024xf32, #tpu.memory_space<hbm>>) target(%arg10 : memref<16x1024xf32, #tpu.memory_space<vmem>>) offsets(%dma_start3A_1201 : memref<16xi32, #tpu.memory_space<vmem>>) semaphore(%arg15 : memref<!tpu.dma_semaphore, #tpu.memory_space<semaphore_mem>>)
    %dma_wait3A_1205 = arith.constant 320 : i32
    %dma_wait3A_1206 = tpu.memref_slice %arg6[%dma_wait3A_1205] : memref<512xi32, #tpu.memory_space<vmem>> -> memref<16xi32, #tpu.memory_space<vmem>>
    %dma_wait3A_1207 = arith.constant 0 : i32
    %dma_wait3A_1208 = arith.constant 0 : i32
    %dma_wait3A_1209 = tpu.memref_slice %arg3[%dma_wait3A_1207, %dma_wait3A_1208] : memref<4100x1024xf32, #tpu.memory_space<hbm>> -> memref<4100x1024xf32, #tpu.memory_space<hbm>>
    tpu.wait_indirect_dma semaphore(%arg12 : memref<!tpu.dma_semaphore, #tpu.memory_space<semaphore_mem>>) src(%dma_wait3A_1209 : memref<4100x1024xf32, #tpu.memory_space<hbm>>) dst(%arg7 : memref<16x1024xf32, #tpu.memory_space<vmem>>)
    %add3A_1210 = arith.constant 320 : i32
    %add3A_1211 = arith.addi %add3A_75, %add3A_1210 : i32
    %dma_start3A_1212 = arith.constant 0 : i32
    %dma_start3A_1213 = tpu.memref_slice %arg4[%add3A_1211, %dma_start3A_1212] : memref<16384x1024xf32, #tpu.memory_space<hbm>> -> memref<16x1024xf32, #tpu.memory_space<hbm>>
    %dma_start3A_1214 = arith.constant 0 : i32
    %dma_start3A_1215 = tpu.memref_slice %arg4[%add3A_1211, %dma_start3A_1214] : memref<16384x1024xf32, #tpu.memory_space<hbm>> -> memref<16x1024xf32, #tpu.memory_space<hbm>>
    tpu.enqueue_dma source(%arg7 : memref<16x1024xf32, #tpu.memory_space<vmem>>) target(%dma_start3A_1215 : memref<16x1024xf32, #tpu.memory_space<hbm>>) target_semaphore(%arg17 : memref<!tpu.dma_semaphore, #tpu.memory_space<semaphore_mem>>)
    %dma_wait3A_1216 = arith.constant 0 : i32
    %dma_wait3A_1217 = tpu.memref_slice %arg4[%add3A_1161, %dma_wait3A_1216] : memref<16384x1024xf32, #tpu.memory_space<hbm>> -> memref<16x1024xf32, #tpu.memory_space<hbm>>
    %dma_wait3A_1218 = arith.constant 0 : i32
    %dma_wait3A_1219 = tpu.memref_slice %arg4[%add3A_1161, %dma_wait3A_1218] : memref<16384x1024xf32, #tpu.memory_space<hbm>> -> memref<16x1024xf32, #tpu.memory_space<hbm>>
    tpu.wait_dma2 semaphore(%arg21 : memref<!tpu.dma_semaphore, #tpu.memory_space<semaphore_mem>>) src(%arg11 : memref<16x1024xf32, #tpu.memory_space<vmem>>) dst(%dma_wait3A_1219 : memref<16x1024xf32, #tpu.memory_space<hbm>>)
    %add3A_1220 = arith.constant 384 : i32
    %add3A_1221 = arith.addi %mul3A_74, %add3A_1220 : i32
    %get3A_1222 = arith.index_cast %add3A_1221 : i32 to index
    %get3A_1223 = tpu.vector_load %arg5[%get3A_1222] {strides = array<i32>} : memref<4096xi32, #tpu.memory_space<vmem>>, vector<16xi32>,
    %ne3A_1224 = arith.constant 1 : i32
    %ne3A_1225 = vector.broadcast %ne3A_1224 : i32 to vector<16xi32>
    %ne3A_1226 = arith.cmpi ne, %get3A_1223, %ne3A_1225 : vector<16xi32>
    %jit3A_1227 = arith.constant 1 : i32
    %jit3A_1228 = arith.constant 0 : i32
    %broadcast_in_dim3A_1229 = vector.broadcast %jit3A_1227 : i32 to vector<16xi32>
    %broadcast_in_dim3A_1230 = vector.broadcast %jit3A_1228 : i32 to vector<16xi32>
    %select_n3A_1231 = arith.select %ne3A_1226, %broadcast_in_dim3A_1229, %broadcast_in_dim3A_1230 : vector<16xi1>, vector<16xi32>
    %cumsum3A_1232 = arith.constant true
    %cumsum3A_1233 = vector.broadcast %cumsum3A_1232 : i1 to vector<16xi1>
    %cumsum3A_1234 = tpu.scan <sum>, %select_n3A_1231 masked %cumsum3A_1233 : vector<16xi32>, vector<16xi1> -> vector<16xi32>
    %add3A_1235 = vector.broadcast %squeeze3A_1199 : i32 to vector<16xi32>
    %add3A_1236 = arith.addi %cumsum3A_1234, %add3A_1235 : vector<16xi32>
    %ne3A_1237 = arith.constant 1 : i32
    %ne3A_1238 = vector.broadcast %ne3A_1237 : i32 to vector<16xi32>
    %ne3A_1239 = arith.cmpi ne, %get3A_1223, %ne3A_1238 : vector<16xi32>
    %jit3A_1240 = arith.constant 0 : i32
    %broadcast_in_dim3A_1241 = vector.broadcast %jit3A_1240 : i32 to vector<16xi32>
    %select_n3A_1242 = arith.select %ne3A_1239, %add3A_1236, %broadcast_in_dim3A_1241 : vector<16xi1>, vector<16xi32>
    %add3A_1243 = arith.constant 1 : i32
    %add3A_1244 = vector.broadcast %add3A_1243 : i32 to vector<16xi32>
    %add3A_1245 = arith.addi %select_n3A_1242, %add3A_1244 : vector<16xi32>
    %swap3A_1246 = arith.constant 384 : index
    %swap3A_1247 = tpu.vector_load %arg6[%swap3A_1246] {strides = array<i32>} : memref<512xi32, #tpu.memory_space<vmem>>, vector<16xi32>,
    tpu.vector_store %arg6[%swap3A_1246], %add3A_1245 {strides = array<i32>} : memref<512xi32, #tpu.memory_space<vmem>>, vector<16xi32>,
    %slice3A_1248 = vector.extract_strided_slice %add3A_1236 {offsets = [15], sizes = [1], strides = [1]} : vector<16xi32> to vector<1xi32>
    %squeeze3A_1249 = vector.extract %slice3A_1248[0] : i32 from vector<1xi32>
    %dma_start3A_1250 = arith.constant 384 : i32
    %dma_start3A_1251 = tpu.memref_slice %arg6[%dma_start3A_1250] : memref<512xi32, #tpu.memory_space<vmem>> -> memref<16xi32, #tpu.memory_space<vmem>>
    %dma_start3A_1252 = arith.constant 0 : i32
    %dma_start3A_1253 = arith.constant 0 : i32
    %dma_start3A_1254 = tpu.memref_slice %arg3[%dma_start3A_1252, %dma_start3A_1253] : memref<4100x1024xf32, #tpu.memory_space<hbm>> -> memref<4100x1024xf32, #tpu.memory_space<hbm>>
    tpu.enqueue_indirect_dma source(%dma_start3A_1254 : memref<4100x1024xf32, #tpu.memory_space<hbm>>) target(%arg11 : memref<16x1024xf32, #tpu.memory_space<vmem>>) offsets(%dma_start3A_1251 : memref<16xi32, #tpu.memory_space<vmem>>) semaphore(%arg16 : memref<!tpu.dma_semaphore, #tpu.memory_space<semaphore_mem>>)
    %dma_wait3A_1255 = arith.constant 336 : i32
    %dma_wait3A_1256 = tpu.memref_slice %arg6[%dma_wait3A_1255] : memref<512xi32, #tpu.memory_space<vmem>> -> memref<16xi32, #tpu.memory_space<vmem>>
    %dma_wait3A_1257 = arith.constant 0 : i32
    %dma_wait3A_1258 = arith.constant 0 : i32
    %dma_wait3A_1259 = tpu.memref_slice %arg3[%dma_wait3A_1257, %dma_wait3A_1258] : memref<4100x1024xf32, #tpu.memory_space<hbm>> -> memref<4100x1024xf32, #tpu.memory_space<hbm>>
    tpu.wait_indirect_dma semaphore(%arg13 : memref<!tpu.dma_semaphore, #tpu.memory_space<semaphore_mem>>) src(%dma_wait3A_1259 : memref<4100x1024xf32, #tpu.memory_space<hbm>>) dst(%arg8 : memref<16x1024xf32, #tpu.memory_space<vmem>>)
    %add3A_1260 = arith.constant 336 : i32
    %add3A_1261 = arith.addi %add3A_75, %add3A_1260 : i32
    %dma_start3A_1262 = arith.constant 0 : i32
    %dma_start3A_1263 = tpu.memref_slice %arg4[%add3A_1261, %dma_start3A_1262] : memref<16384x1024xf32, #tpu.memory_space<hbm>> -> memref<16x1024xf32, #tpu.memory_space<hbm>>
    %dma_start3A_1264 = arith.constant 0 : i32
    %dma_start3A_1265 = tpu.memref_slice %arg4[%add3A_1261, %dma_start3A_1264] : memref<16384x1024xf32, #tpu.memory_space<hbm>> -> memref<16x1024xf32, #tpu.memory_space<hbm>>
    tpu.enqueue_dma source(%arg8 : memref<16x1024xf32, #tpu.memory_space<vmem>>) target(%dma_start3A_1265 : memref<16x1024xf32, #tpu.memory_space<hbm>>) target_semaphore(%arg18 : memref<!tpu.dma_semaphore, #tpu.memory_space<semaphore_mem>>)
    %dma_wait3A_1266 = arith.constant 0 : i32
    %dma_wait3A_1267 = tpu.memref_slice %arg4[%add3A_1211, %dma_wait3A_1266] : memref<16384x1024xf32, #tpu.memory_space<hbm>> -> memref<16x1024xf32, #tpu.memory_space<hbm>>
    %dma_wait3A_1268 = arith.constant 0 : i32
    %dma_wait3A_1269 = tpu.memref_slice %arg4[%add3A_1211, %dma_wait3A_1268] : memref<16384x1024xf32, #tpu.memory_space<hbm>> -> memref<16x1024xf32, #tpu.memory_space<hbm>>
    tpu.wait_dma2 semaphore(%arg17 : memref<!tpu.dma_semaphore, #tpu.memory_space<semaphore_mem>>) src(%arg7 : memref<16x1024xf32, #tpu.memory_space<vmem>>) dst(%dma_wait3A_1269 : memref<16x1024xf32, #tpu.memory_space<hbm>>)
    %add3A_1270 = arith.constant 400 : i32
    %add3A_1271 = arith.addi %mul3A_74, %add3A_1270 : i32
    %get3A_1272 = arith.index_cast %add3A_1271 : i32 to index
    %get3A_1273 = tpu.vector_load %arg5[%get3A_1272] {strides = array<i32>} : memref<4096xi32, #tpu.memory_space<vmem>>, vector<16xi32>,
    %ne3A_1274 = arith.constant 1 : i32
    %ne3A_1275 = vector.broadcast %ne3A_1274 : i32 to vector<16xi32>
    %ne3A_1276 = arith.cmpi ne, %get3A_1273, %ne3A_1275 : vector<16xi32>
    %jit3A_1277 = arith.constant 1 : i32
    %jit3A_1278 = arith.constant 0 : i32
    %broadcast_in_dim3A_1279 = vector.broadcast %jit3A_1277 : i32 to vector<16xi32>
    %broadcast_in_dim3A_1280 = vector.broadcast %jit3A_1278 : i32 to vector<16xi32>
    %select_n3A_1281 = arith.select %ne3A_1276, %broadcast_in_dim3A_1279, %broadcast_in_dim3A_1280 : vector<16xi1>, vector<16xi32>
    %cumsum3A_1282 = arith.constant true
    %cumsum3A_1283 = vector.broadcast %cumsum3A_1282 : i1 to vector<16xi1>
    %cumsum3A_1284 = tpu.scan <sum>, %select_n3A_1281 masked %cumsum3A_1283 : vector<16xi32>, vector<16xi1> -> vector<16xi32>
    %add3A_1285 = vector.broadcast %squeeze3A_1249 : i32 to vector<16xi32>
    %add3A_1286 = arith.addi %cumsum3A_1284, %add3A_1285 : vector<16xi32>
    %ne3A_1287 = arith.constant 1 : i32
    %ne3A_1288 = vector.broadcast %ne3A_1287 : i32 to vector<16xi32>
    %ne3A_1289 = arith.cmpi ne, %get3A_1273, %ne3A_1288 : vector<16xi32>
    %jit3A_1290 = arith.constant 0 : i32
    %broadcast_in_dim3A_1291 = vector.broadcast %jit3A_1290 : i32 to vector<16xi32>
    %select_n3A_1292 = arith.select %ne3A_1289, %add3A_1286, %broadcast_in_dim3A_1291 : vector<16xi1>, vector<16xi32>
    %add3A_1293 = arith.constant 1 : i32
    %add3A_1294 = vector.broadcast %add3A_1293 : i32 to vector<16xi32>
    %add3A_1295 = arith.addi %select_n3A_1292, %add3A_1294 : vector<16xi32>
    %swap3A_1296 = arith.constant 400 : index
    %swap3A_1297 = tpu.vector_load %arg6[%swap3A_1296] {strides = array<i32>} : memref<512xi32, #tpu.memory_space<vmem>>, vector<16xi32>,
    tpu.vector_store %arg6[%swap3A_1296], %add3A_1295 {strides = array<i32>} : memref<512xi32, #tpu.memory_space<vmem>>, vector<16xi32>,
    %slice3A_1298 = vector.extract_strided_slice %add3A_1286 {offsets = [15], sizes = [1], strides = [1]} : vector<16xi32> to vector<1xi32>
    %squeeze3A_1299 = vector.extract %slice3A_1298[0] : i32 from vector<1xi32>
    %dma_start3A_1300 = arith.constant 400 : i32
    %dma_start3A_1301 = tpu.memref_slice %arg6[%dma_start3A_1300] : memref<512xi32, #tpu.memory_space<vmem>> -> memref<16xi32, #tpu.memory_space<vmem>>
    %dma_start3A_1302 = arith.constant 0 : i32
    %dma_start3A_1303 = arith.constant 0 : i32
    %dma_start3A_1304 = tpu.memref_slice %arg3[%dma_start3A_1302, %dma_start3A_1303] : memref<4100x1024xf32, #tpu.memory_space<hbm>> -> memref<4100x1024xf32, #tpu.memory_space<hbm>>
    tpu.enqueue_indirect_dma source(%dma_start3A_1304 : memref<4100x1024xf32, #tpu.memory_space<hbm>>) target(%arg7 : memref<16x1024xf32, #tpu.memory_space<vmem>>) offsets(%dma_start3A_1301 : memref<16xi32, #tpu.memory_space<vmem>>) semaphore(%arg12 : memref<!tpu.dma_semaphore, #tpu.memory_space<semaphore_mem>>)
    %dma_wait3A_1305 = arith.constant 352 : i32
    %dma_wait3A_1306 = tpu.memref_slice %arg6[%dma_wait3A_1305] : memref<512xi32, #tpu.memory_space<vmem>> -> memref<16xi32, #tpu.memory_space<vmem>>
    %dma_wait3A_1307 = arith.constant 0 : i32
    %dma_wait3A_1308 = arith.constant 0 : i32
    %dma_wait3A_1309 = tpu.memref_slice %arg3[%dma_wait3A_1307, %dma_wait3A_1308] : memref<4100x1024xf32, #tpu.memory_space<hbm>> -> memref<4100x1024xf32, #tpu.memory_space<hbm>>
    tpu.wait_indirect_dma semaphore(%arg14 : memref<!tpu.dma_semaphore, #tpu.memory_space<semaphore_mem>>) src(%dma_wait3A_1309 : memref<4100x1024xf32, #tpu.memory_space<hbm>>) dst(%arg9 : memref<16x1024xf32, #tpu.memory_space<vmem>>)
    %add3A_1310 = arith.constant 352 : i32
    %add3A_1311 = arith.addi %add3A_75, %add3A_1310 : i32
    %dma_start3A_1312 = arith.constant 0 : i32
    %dma_start3A_1313 = tpu.memref_slice %arg4[%add3A_1311, %dma_start3A_1312] : memref<16384x1024xf32, #tpu.memory_space<hbm>> -> memref<16x1024xf32, #tpu.memory_space<hbm>>
    %dma_start3A_1314 = arith.constant 0 : i32
    %dma_start3A_1315 = tpu.memref_slice %arg4[%add3A_1311, %dma_start3A_1314] : memref<16384x1024xf32, #tpu.memory_space<hbm>> -> memref<16x1024xf32, #tpu.memory_space<hbm>>
    tpu.enqueue_dma source(%arg9 : memref<16x1024xf32, #tpu.memory_space<vmem>>) target(%dma_start3A_1315 : memref<16x1024xf32, #tpu.memory_space<hbm>>) target_semaphore(%arg19 : memref<!tpu.dma_semaphore, #tpu.memory_space<semaphore_mem>>)
    %dma_wait3A_1316 = arith.constant 0 : i32
    %dma_wait3A_1317 = tpu.memref_slice %arg4[%add3A_1261, %dma_wait3A_1316] : memref<16384x1024xf32, #tpu.memory_space<hbm>> -> memref<16x1024xf32, #tpu.memory_space<hbm>>
    %dma_wait3A_1318 = arith.constant 0 : i32
    %dma_wait3A_1319 = tpu.memref_slice %arg4[%add3A_1261, %dma_wait3A_1318] : memref<16384x1024xf32, #tpu.memory_space<hbm>> -> memref<16x1024xf32, #tpu.memory_space<hbm>>
    tpu.wait_dma2 semaphore(%arg18 : memref<!tpu.dma_semaphore, #tpu.memory_space<semaphore_mem>>) src(%arg8 : memref<16x1024xf32, #tpu.memory_space<vmem>>) dst(%dma_wait3A_1319 : memref<16x1024xf32, #tpu.memory_space<hbm>>)
    %add3A_1320 = arith.constant 416 : i32
    %add3A_1321 = arith.addi %mul3A_74, %add3A_1320 : i32
    %get3A_1322 = arith.index_cast %add3A_1321 : i32 to index
    %get3A_1323 = tpu.vector_load %arg5[%get3A_1322] {strides = array<i32>} : memref<4096xi32, #tpu.memory_space<vmem>>, vector<16xi32>,
    %ne3A_1324 = arith.constant 1 : i32
    %ne3A_1325 = vector.broadcast %ne3A_1324 : i32 to vector<16xi32>
    %ne3A_1326 = arith.cmpi ne, %get3A_1323, %ne3A_1325 : vector<16xi32>
    %jit3A_1327 = arith.constant 1 : i32
    %jit3A_1328 = arith.constant 0 : i32
    %broadcast_in_dim3A_1329 = vector.broadcast %jit3A_1327 : i32 to vector<16xi32>
    %broadcast_in_dim3A_1330 = vector.broadcast %jit3A_1328 : i32 to vector<16xi32>
    %select_n3A_1331 = arith.select %ne3A_1326, %broadcast_in_dim3A_1329, %broadcast_in_dim3A_1330 : vector<16xi1>, vector<16xi32>
    %cumsum3A_1332 = arith.constant true
    %cumsum3A_1333 = vector.broadcast %cumsum3A_1332 : i1 to vector<16xi1>
    %cumsum3A_1334 = tpu.scan <sum>, %select_n3A_1331 masked %cumsum3A_1333 : vector<16xi32>, vector<16xi1> -> vector<16xi32>
    %add3A_1335 = vector.broadcast %squeeze3A_1299 : i32 to vector<16xi32>
    %add3A_1336 = arith.addi %cumsum3A_1334, %add3A_1335 : vector<16xi32>
    %ne3A_1337 = arith.constant 1 : i32
    %ne3A_1338 = vector.broadcast %ne3A_1337 : i32 to vector<16xi32>
    %ne3A_1339 = arith.cmpi ne, %get3A_1323, %ne3A_1338 : vector<16xi32>
    %jit3A_1340 = arith.constant 0 : i32
    %broadcast_in_dim3A_1341 = vector.broadcast %jit3A_1340 : i32 to vector<16xi32>
    %select_n3A_1342 = arith.select %ne3A_1339, %add3A_1336, %broadcast_in_dim3A_1341 : vector<16xi1>, vector<16xi32>
    %add3A_1343 = arith.constant 1 : i32
    %add3A_1344 = vector.broadcast %add3A_1343 : i32 to vector<16xi32>
    %add3A_1345 = arith.addi %select_n3A_1342, %add3A_1344 : vector<16xi32>
    %swap3A_1346 = arith.constant 416 : index
    %swap3A_1347 = tpu.vector_load %arg6[%swap3A_1346] {strides = array<i32>} : memref<512xi32, #tpu.memory_space<vmem>>, vector<16xi32>,
    tpu.vector_store %arg6[%swap3A_1346], %add3A_1345 {strides = array<i32>} : memref<512xi32, #tpu.memory_space<vmem>>, vector<16xi32>,
    %slice3A_1348 = vector.extract_strided_slice %add3A_1336 {offsets = [15], sizes = [1], strides = [1]} : vector<16xi32> to vector<1xi32>
    %squeeze3A_1349 = vector.extract %slice3A_1348[0] : i32 from vector<1xi32>
    %dma_start3A_1350 = arith.constant 416 : i32
    %dma_start3A_1351 = tpu.memref_slice %arg6[%dma_start3A_1350] : memref<512xi32, #tpu.memory_space<vmem>> -> memref<16xi32, #tpu.memory_space<vmem>>
    %dma_start3A_1352 = arith.constant 0 : i32
    %dma_start3A_1353 = arith.constant 0 : i32
    %dma_start3A_1354 = tpu.memref_slice %arg3[%dma_start3A_1352, %dma_start3A_1353] : memref<4100x1024xf32, #tpu.memory_space<hbm>> -> memref<4100x1024xf32, #tpu.memory_space<hbm>>
    tpu.enqueue_indirect_dma source(%dma_start3A_1354 : memref<4100x1024xf32, #tpu.memory_space<hbm>>) target(%arg8 : memref<16x1024xf32, #tpu.memory_space<vmem>>) offsets(%dma_start3A_1351 : memref<16xi32, #tpu.memory_space<vmem>>) semaphore(%arg13 : memref<!tpu.dma_semaphore, #tpu.memory_space<semaphore_mem>>)
    %dma_wait3A_1355 = arith.constant 368 : i32
    %dma_wait3A_1356 = tpu.memref_slice %arg6[%dma_wait3A_1355] : memref<512xi32, #tpu.memory_space<vmem>> -> memref<16xi32, #tpu.memory_space<vmem>>
    %dma_wait3A_1357 = arith.constant 0 : i32
    %dma_wait3A_1358 = arith.constant 0 : i32
    %dma_wait3A_1359 = tpu.memref_slice %arg3[%dma_wait3A_1357, %dma_wait3A_1358] : memref<4100x1024xf32, #tpu.memory_space<hbm>> -> memref<4100x1024xf32, #tpu.memory_space<hbm>>
    tpu.wait_indirect_dma semaphore(%arg15 : memref<!tpu.dma_semaphore, #tpu.memory_space<semaphore_mem>>) src(%dma_wait3A_1359 : memref<4100x1024xf32, #tpu.memory_space<hbm>>) dst(%arg10 : memref<16x1024xf32, #tpu.memory_space<vmem>>)
    %add3A_1360 = arith.constant 368 : i32
    %add3A_1361 = arith.addi %add3A_75, %add3A_1360 : i32
    %dma_start3A_1362 = arith.constant 0 : i32
    %dma_start3A_1363 = tpu.memref_slice %arg4[%add3A_1361, %dma_start3A_1362] : memref<16384x1024xf32, #tpu.memory_space<hbm>> -> memref<16x1024xf32, #tpu.memory_space<hbm>>
    %dma_start3A_1364 = arith.constant 0 : i32
    %dma_start3A_1365 = tpu.memref_slice %arg4[%add3A_1361, %dma_start3A_1364] : memref<16384x1024xf32, #tpu.memory_space<hbm>> -> memref<16x1024xf32, #tpu.memory_space<hbm>>
    tpu.enqueue_dma source(%arg10 : memref<16x1024xf32, #tpu.memory_space<vmem>>) target(%dma_start3A_1365 : memref<16x1024xf32, #tpu.memory_space<hbm>>) target_semaphore(%arg20 : memref<!tpu.dma_semaphore, #tpu.memory_space<semaphore_mem>>)
    %dma_wait3A_1366 = arith.constant 0 : i32
    %dma_wait3A_1367 = tpu.memref_slice %arg4[%add3A_1311, %dma_wait3A_1366] : memref<16384x1024xf32, #tpu.memory_space<hbm>> -> memref<16x1024xf32, #tpu.memory_space<hbm>>
    %dma_wait3A_1368 = arith.constant 0 : i32
    %dma_wait3A_1369 = tpu.memref_slice %arg4[%add3A_1311, %dma_wait3A_1368] : memref<16384x1024xf32, #tpu.memory_space<hbm>> -> memref<16x1024xf32, #tpu.memory_space<hbm>>
    tpu.wait_dma2 semaphore(%arg19 : memref<!tpu.dma_semaphore, #tpu.memory_space<semaphore_mem>>) src(%arg9 : memref<16x1024xf32, #tpu.memory_space<vmem>>) dst(%dma_wait3A_1369 : memref<16x1024xf32, #tpu.memory_space<hbm>>)
    %add3A_1370 = arith.constant 432 : i32
    %add3A_1371 = arith.addi %mul3A_74, %add3A_1370 : i32
    %get3A_1372 = arith.index_cast %add3A_1371 : i32 to index
    %get3A_1373 = tpu.vector_load %arg5[%get3A_1372] {strides = array<i32>} : memref<4096xi32, #tpu.memory_space<vmem>>, vector<16xi32>,
    %ne3A_1374 = arith.constant 1 : i32
    %ne3A_1375 = vector.broadcast %ne3A_1374 : i32 to vector<16xi32>
    %ne3A_1376 = arith.cmpi ne, %get3A_1373, %ne3A_1375 : vector<16xi32>
    %jit3A_1377 = arith.constant 1 : i32
    %jit3A_1378 = arith.constant 0 : i32
    %broadcast_in_dim3A_1379 = vector.broadcast %jit3A_1377 : i32 to vector<16xi32>
    %broadcast_in_dim3A_1380 = vector.broadcast %jit3A_1378 : i32 to vector<16xi32>
    %select_n3A_1381 = arith.select %ne3A_1376, %broadcast_in_dim3A_1379, %broadcast_in_dim3A_1380 : vector<16xi1>, vector<16xi32>
    %cumsum3A_1382 = arith.constant true
    %cumsum3A_1383 = vector.broadcast %cumsum3A_1382 : i1 to vector<16xi1>
    %cumsum3A_1384 = tpu.scan <sum>, %select_n3A_1381 masked %cumsum3A_1383 : vector<16xi32>, vector<16xi1> -> vector<16xi32>
    %add3A_1385 = vector.broadcast %squeeze3A_1349 : i32 to vector<16xi32>
    %add3A_1386 = arith.addi %cumsum3A_1384, %add3A_1385 : vector<16xi32>
    %ne3A_1387 = arith.constant 1 : i32
    %ne3A_1388 = vector.broadcast %ne3A_1387 : i32 to vector<16xi32>
    %ne3A_1389 = arith.cmpi ne, %get3A_1373, %ne3A_1388 : vector<16xi32>
    %jit3A_1390 = arith.constant 0 : i32
    %broadcast_in_dim3A_1391 = vector.broadcast %jit3A_1390 : i32 to vector<16xi32>
    %select_n3A_1392 = arith.select %ne3A_1389, %add3A_1386, %broadcast_in_dim3A_1391 : vector<16xi1>, vector<16xi32>
    %add3A_1393 = arith.constant 1 : i32
    %add3A_1394 = vector.broadcast %add3A_1393 : i32 to vector<16xi32>
    %add3A_1395 = arith.addi %select_n3A_1392, %add3A_1394 : vector<16xi32>
    %swap3A_1396 = arith.constant 432 : index
    %swap3A_1397 = tpu.vector_load %arg6[%swap3A_1396] {strides = array<i32>} : memref<512xi32, #tpu.memory_space<vmem>>, vector<16xi32>,
    tpu.vector_store %arg6[%swap3A_1396], %add3A_1395 {strides = array<i32>} : memref<512xi32, #tpu.memory_space<vmem>>, vector<16xi32>,
    %slice3A_1398 = vector.extract_strided_slice %add3A_1386 {offsets = [15], sizes = [1], strides = [1]} : vector<16xi32> to vector<1xi32>
    %squeeze3A_1399 = vector.extract %slice3A_1398[0] : i32 from vector<1xi32>
    %dma_start3A_1400 = arith.constant 432 : i32
    %dma_start3A_1401 = tpu.memref_slice %arg6[%dma_start3A_1400] : memref<512xi32, #tpu.memory_space<vmem>> -> memref<16xi32, #tpu.memory_space<vmem>>
    %dma_start3A_1402 = arith.constant 0 : i32
    %dma_start3A_1403 = arith.constant 0 : i32
    %dma_start3A_1404 = tpu.memref_slice %arg3[%dma_start3A_1402, %dma_start3A_1403] : memref<4100x1024xf32, #tpu.memory_space<hbm>> -> memref<4100x1024xf32, #tpu.memory_space<hbm>>
    tpu.enqueue_indirect_dma source(%dma_start3A_1404 : memref<4100x1024xf32, #tpu.memory_space<hbm>>) target(%arg9 : memref<16x1024xf32, #tpu.memory_space<vmem>>) offsets(%dma_start3A_1401 : memref<16xi32, #tpu.memory_space<vmem>>) semaphore(%arg14 : memref<!tpu.dma_semaphore, #tpu.memory_space<semaphore_mem>>)
    %dma_wait3A_1405 = arith.constant 384 : i32
    %dma_wait3A_1406 = tpu.memref_slice %arg6[%dma_wait3A_1405] : memref<512xi32, #tpu.memory_space<vmem>> -> memref<16xi32, #tpu.memory_space<vmem>>
    %dma_wait3A_1407 = arith.constant 0 : i32
    %dma_wait3A_1408 = arith.constant 0 : i32
    %dma_wait3A_1409 = tpu.memref_slice %arg3[%dma_wait3A_1407, %dma_wait3A_1408] : memref<4100x1024xf32, #tpu.memory_space<hbm>> -> memref<4100x1024xf32, #tpu.memory_space<hbm>>
    tpu.wait_indirect_dma semaphore(%arg16 : memref<!tpu.dma_semaphore, #tpu.memory_space<semaphore_mem>>) src(%dma_wait3A_1409 : memref<4100x1024xf32, #tpu.memory_space<hbm>>) dst(%arg11 : memref<16x1024xf32, #tpu.memory_space<vmem>>)
    %add3A_1410 = arith.constant 384 : i32
    %add3A_1411 = arith.addi %add3A_75, %add3A_1410 : i32
    %dma_start3A_1412 = arith.constant 0 : i32
    %dma_start3A_1413 = tpu.memref_slice %arg4[%add3A_1411, %dma_start3A_1412] : memref<16384x1024xf32, #tpu.memory_space<hbm>> -> memref<16x1024xf32, #tpu.memory_space<hbm>>
    %dma_start3A_1414 = arith.constant 0 : i32
    %dma_start3A_1415 = tpu.memref_slice %arg4[%add3A_1411, %dma_start3A_1414] : memref<16384x1024xf32, #tpu.memory_space<hbm>> -> memref<16x1024xf32, #tpu.memory_space<hbm>>
    tpu.enqueue_dma source(%arg11 : memref<16x1024xf32, #tpu.memory_space<vmem>>) target(%dma_start3A_1415 : memref<16x1024xf32, #tpu.memory_space<hbm>>) target_semaphore(%arg21 : memref<!tpu.dma_semaphore, #tpu.memory_space<semaphore_mem>>)
    %dma_wait3A_1416 = arith.constant 0 : i32
    %dma_wait3A_1417 = tpu.memref_slice %arg4[%add3A_1361, %dma_wait3A_1416] : memref<16384x1024xf32, #tpu.memory_space<hbm>> -> memref<16x1024xf32, #tpu.memory_space<hbm>>
    %dma_wait3A_1418 = arith.constant 0 : i32
    %dma_wait3A_1419 = tpu.memref_slice %arg4[%add3A_1361, %dma_wait3A_1418] : memref<16384x1024xf32, #tpu.memory_space<hbm>> -> memref<16x1024xf32, #tpu.memory_space<hbm>>
    tpu.wait_dma2 semaphore(%arg20 : memref<!tpu.dma_semaphore, #tpu.memory_space<semaphore_mem>>) src(%arg10 : memref<16x1024xf32, #tpu.memory_space<vmem>>) dst(%dma_wait3A_1419 : memref<16x1024xf32, #tpu.memory_space<hbm>>)
    %add3A_1420 = arith.constant 448 : i32
    %add3A_1421 = arith.addi %mul3A_74, %add3A_1420 : i32
    %get3A_1422 = arith.index_cast %add3A_1421 : i32 to index
    %get3A_1423 = tpu.vector_load %arg5[%get3A_1422] {strides = array<i32>} : memref<4096xi32, #tpu.memory_space<vmem>>, vector<16xi32>,
    %ne3A_1424 = arith.constant 1 : i32
    %ne3A_1425 = vector.broadcast %ne3A_1424 : i32 to vector<16xi32>
    %ne3A_1426 = arith.cmpi ne, %get3A_1423, %ne3A_1425 : vector<16xi32>
    %jit3A_1427 = arith.constant 1 : i32
    %jit3A_1428 = arith.constant 0 : i32
    %broadcast_in_dim3A_1429 = vector.broadcast %jit3A_1427 : i32 to vector<16xi32>
    %broadcast_in_dim3A_1430 = vector.broadcast %jit3A_1428 : i32 to vector<16xi32>
    %select_n3A_1431 = arith.select %ne3A_1426, %broadcast_in_dim3A_1429, %broadcast_in_dim3A_1430 : vector<16xi1>, vector<16xi32>
    %cumsum3A_1432 = arith.constant true
    %cumsum3A_1433 = vector.broadcast %cumsum3A_1432 : i1 to vector<16xi1>
    %cumsum3A_1434 = tpu.scan <sum>, %select_n3A_1431 masked %cumsum3A_1433 : vector<16xi32>, vector<16xi1> -> vector<16xi32>
    %add3A_1435 = vector.broadcast %squeeze3A_1399 : i32 to vector<16xi32>
    %add3A_1436 = arith.addi %cumsum3A_1434, %add3A_1435 : vector<16xi32>
    %ne3A_1437 = arith.constant 1 : i32
    %ne3A_1438 = vector.broadcast %ne3A_1437 : i32 to vector<16xi32>
    %ne3A_1439 = arith.cmpi ne, %get3A_1423, %ne3A_1438 : vector<16xi32>
    %jit3A_1440 = arith.constant 0 : i32
    %broadcast_in_dim3A_1441 = vector.broadcast %jit3A_1440 : i32 to vector<16xi32>
    %select_n3A_1442 = arith.select %ne3A_1439, %add3A_1436, %broadcast_in_dim3A_1441 : vector<16xi1>, vector<16xi32>
    %add3A_1443 = arith.constant 1 : i32
    %add3A_1444 = vector.broadcast %add3A_1443 : i32 to vector<16xi32>
    %add3A_1445 = arith.addi %select_n3A_1442, %add3A_1444 : vector<16xi32>
    %swap3A_1446 = arith.constant 448 : index
    %swap3A_1447 = tpu.vector_load %arg6[%swap3A_1446] {strides = array<i32>} : memref<512xi32, #tpu.memory_space<vmem>>, vector<16xi32>,
    tpu.vector_store %arg6[%swap3A_1446], %add3A_1445 {strides = array<i32>} : memref<512xi32, #tpu.memory_space<vmem>>, vector<16xi32>,
    %slice3A_1448 = vector.extract_strided_slice %add3A_1436 {offsets = [15], sizes = [1], strides = [1]} : vector<16xi32> to vector<1xi32>
    %squeeze3A_1449 = vector.extract %slice3A_1448[0] : i32 from vector<1xi32>
    %dma_start3A_1450 = arith.constant 448 : i32
    %dma_start3A_1451 = tpu.memref_slice %arg6[%dma_start3A_1450] : memref<512xi32, #tpu.memory_space<vmem>> -> memref<16xi32, #tpu.memory_space<vmem>>
    %dma_start3A_1452 = arith.constant 0 : i32
    %dma_start3A_1453 = arith.constant 0 : i32
    %dma_start3A_1454 = tpu.memref_slice %arg3[%dma_start3A_1452, %dma_start3A_1453] : memref<4100x1024xf32, #tpu.memory_space<hbm>> -> memref<4100x1024xf32, #tpu.memory_space<hbm>>
    tpu.enqueue_indirect_dma source(%dma_start3A_1454 : memref<4100x1024xf32, #tpu.memory_space<hbm>>) target(%arg10 : memref<16x1024xf32, #tpu.memory_space<vmem>>) offsets(%dma_start3A_1451 : memref<16xi32, #tpu.memory_space<vmem>>) semaphore(%arg15 : memref<!tpu.dma_semaphore, #tpu.memory_space<semaphore_mem>>)
    %dma_wait3A_1455 = arith.constant 400 : i32
    %dma_wait3A_1456 = tpu.memref_slice %arg6[%dma_wait3A_1455] : memref<512xi32, #tpu.memory_space<vmem>> -> memref<16xi32, #tpu.memory_space<vmem>>
    %dma_wait3A_1457 = arith.constant 0 : i32
    %dma_wait3A_1458 = arith.constant 0 : i32
    %dma_wait3A_1459 = tpu.memref_slice %arg3[%dma_wait3A_1457, %dma_wait3A_1458] : memref<4100x1024xf32, #tpu.memory_space<hbm>> -> memref<4100x1024xf32, #tpu.memory_space<hbm>>
    tpu.wait_indirect_dma semaphore(%arg12 : memref<!tpu.dma_semaphore, #tpu.memory_space<semaphore_mem>>) src(%dma_wait3A_1459 : memref<4100x1024xf32, #tpu.memory_space<hbm>>) dst(%arg7 : memref<16x1024xf32, #tpu.memory_space<vmem>>)
    %add3A_1460 = arith.constant 400 : i32
    %add3A_1461 = arith.addi %add3A_75, %add3A_1460 : i32
    %dma_start3A_1462 = arith.constant 0 : i32
    %dma_start3A_1463 = tpu.memref_slice %arg4[%add3A_1461, %dma_start3A_1462] : memref<16384x1024xf32, #tpu.memory_space<hbm>> -> memref<16x1024xf32, #tpu.memory_space<hbm>>
    %dma_start3A_1464 = arith.constant 0 : i32
    %dma_start3A_1465 = tpu.memref_slice %arg4[%add3A_1461, %dma_start3A_1464] : memref<16384x1024xf32, #tpu.memory_space<hbm>> -> memref<16x1024xf32, #tpu.memory_space<hbm>>
    tpu.enqueue_dma source(%arg7 : memref<16x1024xf32, #tpu.memory_space<vmem>>) target(%dma_start3A_1465 : memref<16x1024xf32, #tpu.memory_space<hbm>>) target_semaphore(%arg17 : memref<!tpu.dma_semaphore, #tpu.memory_space<semaphore_mem>>)
    %dma_wait3A_1466 = arith.constant 0 : i32
    %dma_wait3A_1467 = tpu.memref_slice %arg4[%add3A_1411, %dma_wait3A_1466] : memref<16384x1024xf32, #tpu.memory_space<hbm>> -> memref<16x1024xf32, #tpu.memory_space<hbm>>
    %dma_wait3A_1468 = arith.constant 0 : i32
    %dma_wait3A_1469 = tpu.memref_slice %arg4[%add3A_1411, %dma_wait3A_1468] : memref<16384x1024xf32, #tpu.memory_space<hbm>> -> memref<16x1024xf32, #tpu.memory_space<hbm>>
    tpu.wait_dma2 semaphore(%arg21 : memref<!tpu.dma_semaphore, #tpu.memory_space<semaphore_mem>>) src(%arg11 : memref<16x1024xf32, #tpu.memory_space<vmem>>) dst(%dma_wait3A_1469 : memref<16x1024xf32, #tpu.memory_space<hbm>>)
    %add3A_1470 = arith.constant 464 : i32
    %add3A_1471 = arith.addi %mul3A_74, %add3A_1470 : i32
    %get3A_1472 = arith.index_cast %add3A_1471 : i32 to index
    %get3A_1473 = tpu.vector_load %arg5[%get3A_1472] {strides = array<i32>} : memref<4096xi32, #tpu.memory_space<vmem>>, vector<16xi32>,
    %ne3A_1474 = arith.constant 1 : i32
    %ne3A_1475 = vector.broadcast %ne3A_1474 : i32 to vector<16xi32>
    %ne3A_1476 = arith.cmpi ne, %get3A_1473, %ne3A_1475 : vector<16xi32>
    %jit3A_1477 = arith.constant 1 : i32
    %jit3A_1478 = arith.constant 0 : i32
    %broadcast_in_dim3A_1479 = vector.broadcast %jit3A_1477 : i32 to vector<16xi32>
    %broadcast_in_dim3A_1480 = vector.broadcast %jit3A_1478 : i32 to vector<16xi32>
    %select_n3A_1481 = arith.select %ne3A_1476, %broadcast_in_dim3A_1479, %broadcast_in_dim3A_1480 : vector<16xi1>, vector<16xi32>
    %cumsum3A_1482 = arith.constant true
    %cumsum3A_1483 = vector.broadcast %cumsum3A_1482 : i1 to vector<16xi1>
    %cumsum3A_1484 = tpu.scan <sum>, %select_n3A_1481 masked %cumsum3A_1483 : vector<16xi32>, vector<16xi1> -> vector<16xi32>
    %add3A_1485 = vector.broadcast %squeeze3A_1449 : i32 to vector<16xi32>
    %add3A_1486 = arith.addi %cumsum3A_1484, %add3A_1485 : vector<16xi32>
    %ne3A_1487 = arith.constant 1 : i32
    %ne3A_1488 = vector.broadcast %ne3A_1487 : i32 to vector<16xi32>
    %ne3A_1489 = arith.cmpi ne, %get3A_1473, %ne3A_1488 : vector<16xi32>
    %jit3A_1490 = arith.constant 0 : i32
    %broadcast_in_dim3A_1491 = vector.broadcast %jit3A_1490 : i32 to vector<16xi32>
    %select_n3A_1492 = arith.select %ne3A_1489, %add3A_1486, %broadcast_in_dim3A_1491 : vector<16xi1>, vector<16xi32>
    %add3A_1493 = arith.constant 1 : i32
    %add3A_1494 = vector.broadcast %add3A_1493 : i32 to vector<16xi32>
    %add3A_1495 = arith.addi %select_n3A_1492, %add3A_1494 : vector<16xi32>
    %swap3A_1496 = arith.constant 464 : index
    %swap3A_1497 = tpu.vector_load %arg6[%swap3A_1496] {strides = array<i32>} : memref<512xi32, #tpu.memory_space<vmem>>, vector<16xi32>,
    tpu.vector_store %arg6[%swap3A_1496], %add3A_1495 {strides = array<i32>} : memref<512xi32, #tpu.memory_space<vmem>>, vector<16xi32>,
    %slice3A_1498 = vector.extract_strided_slice %add3A_1486 {offsets = [15], sizes = [1], strides = [1]} : vector<16xi32> to vector<1xi32>
    %squeeze3A_1499 = vector.extract %slice3A_1498[0] : i32 from vector<1xi32>
    %dma_start3A_1500 = arith.constant 464 : i32
    %dma_start3A_1501 = tpu.memref_slice %arg6[%dma_start3A_1500] : memref<512xi32, #tpu.memory_space<vmem>> -> memref<16xi32, #tpu.memory_space<vmem>>
    %dma_start3A_1502 = arith.constant 0 : i32
    %dma_start3A_1503 = arith.constant 0 : i32
    %dma_start3A_1504 = tpu.memref_slice %arg3[%dma_start3A_1502, %dma_start3A_1503] : memref<4100x1024xf32, #tpu.memory_space<hbm>> -> memref<4100x1024xf32, #tpu.memory_space<hbm>>
    tpu.enqueue_indirect_dma source(%dma_start3A_1504 : memref<4100x1024xf32, #tpu.memory_space<hbm>>) target(%arg11 : memref<16x1024xf32, #tpu.memory_space<vmem>>) offsets(%dma_start3A_1501 : memref<16xi32, #tpu.memory_space<vmem>>) semaphore(%arg16 : memref<!tpu.dma_semaphore, #tpu.memory_space<semaphore_mem>>)
    %dma_wait3A_1505 = arith.constant 416 : i32
    %dma_wait3A_1506 = tpu.memref_slice %arg6[%dma_wait3A_1505] : memref<512xi32, #tpu.memory_space<vmem>> -> memref<16xi32, #tpu.memory_space<vmem>>
    %dma_wait3A_1507 = arith.constant 0 : i32
    %dma_wait3A_1508 = arith.constant 0 : i32
    %dma_wait3A_1509 = tpu.memref_slice %arg3[%dma_wait3A_1507, %dma_wait3A_1508] : memref<4100x1024xf32, #tpu.memory_space<hbm>> -> memref<4100x1024xf32, #tpu.memory_space<hbm>>
    tpu.wait_indirect_dma semaphore(%arg13 : memref<!tpu.dma_semaphore, #tpu.memory_space<semaphore_mem>>) src(%dma_wait3A_1509 : memref<4100x1024xf32, #tpu.memory_space<hbm>>) dst(%arg8 : memref<16x1024xf32, #tpu.memory_space<vmem>>)
    %add3A_1510 = arith.constant 416 : i32
    %add3A_1511 = arith.addi %add3A_75, %add3A_1510 : i32
    %dma_start3A_1512 = arith.constant 0 : i32
    %dma_start3A_1513 = tpu.memref_slice %arg4[%add3A_1511, %dma_start3A_1512] : memref<16384x1024xf32, #tpu.memory_space<hbm>> -> memref<16x1024xf32, #tpu.memory_space<hbm>>
    %dma_start3A_1514 = arith.constant 0 : i32
    %dma_start3A_1515 = tpu.memref_slice %arg4[%add3A_1511, %dma_start3A_1514] : memref<16384x1024xf32, #tpu.memory_space<hbm>> -> memref<16x1024xf32, #tpu.memory_space<hbm>>
    tpu.enqueue_dma source(%arg8 : memref<16x1024xf32, #tpu.memory_space<vmem>>) target(%dma_start3A_1515 : memref<16x1024xf32, #tpu.memory_space<hbm>>) target_semaphore(%arg18 : memref<!tpu.dma_semaphore, #tpu.memory_space<semaphore_mem>>)
    %dma_wait3A_1516 = arith.constant 0 : i32
    %dma_wait3A_1517 = tpu.memref_slice %arg4[%add3A_1461, %dma_wait3A_1516] : memref<16384x1024xf32, #tpu.memory_space<hbm>> -> memref<16x1024xf32, #tpu.memory_space<hbm>>
    %dma_wait3A_1518 = arith.constant 0 : i32
    %dma_wait3A_1519 = tpu.memref_slice %arg4[%add3A_1461, %dma_wait3A_1518] : memref<16384x1024xf32, #tpu.memory_space<hbm>> -> memref<16x1024xf32, #tpu.memory_space<hbm>>
    tpu.wait_dma2 semaphore(%arg17 : memref<!tpu.dma_semaphore, #tpu.memory_space<semaphore_mem>>) src(%arg7 : memref<16x1024xf32, #tpu.memory_space<vmem>>) dst(%dma_wait3A_1519 : memref<16x1024xf32, #tpu.memory_space<hbm>>)
    %add3A_1520 = arith.constant 480 : i32
    %add3A_1521 = arith.addi %mul3A_74, %add3A_1520 : i32
    %get3A_1522 = arith.index_cast %add3A_1521 : i32 to index
    %get3A_1523 = tpu.vector_load %arg5[%get3A_1522] {strides = array<i32>} : memref<4096xi32, #tpu.memory_space<vmem>>, vector<16xi32>,
    %ne3A_1524 = arith.constant 1 : i32
    %ne3A_1525 = vector.broadcast %ne3A_1524 : i32 to vector<16xi32>
    %ne3A_1526 = arith.cmpi ne, %get3A_1523, %ne3A_1525 : vector<16xi32>
    %jit3A_1527 = arith.constant 1 : i32
    %jit3A_1528 = arith.constant 0 : i32
    %broadcast_in_dim3A_1529 = vector.broadcast %jit3A_1527 : i32 to vector<16xi32>
    %broadcast_in_dim3A_1530 = vector.broadcast %jit3A_1528 : i32 to vector<16xi32>
    %select_n3A_1531 = arith.select %ne3A_1526, %broadcast_in_dim3A_1529, %broadcast_in_dim3A_1530 : vector<16xi1>, vector<16xi32>
    %cumsum3A_1532 = arith.constant true
    %cumsum3A_1533 = vector.broadcast %cumsum3A_1532 : i1 to vector<16xi1>
    %cumsum3A_1534 = tpu.scan <sum>, %select_n3A_1531 masked %cumsum3A_1533 : vector<16xi32>, vector<16xi1> -> vector<16xi32>
    %add3A_1535 = vector.broadcast %squeeze3A_1499 : i32 to vector<16xi32>
    %add3A_1536 = arith.addi %cumsum3A_1534, %add3A_1535 : vector<16xi32>
    %ne3A_1537 = arith.constant 1 : i32
    %ne3A_1538 = vector.broadcast %ne3A_1537 : i32 to vector<16xi32>
    %ne3A_1539 = arith.cmpi ne, %get3A_1523, %ne3A_1538 : vector<16xi32>
    %jit3A_1540 = arith.constant 0 : i32
    %broadcast_in_dim3A_1541 = vector.broadcast %jit3A_1540 : i32 to vector<16xi32>
    %select_n3A_1542 = arith.select %ne3A_1539, %add3A_1536, %broadcast_in_dim3A_1541 : vector<16xi1>, vector<16xi32>
    %add3A_1543 = arith.constant 1 : i32
    %add3A_1544 = vector.broadcast %add3A_1543 : i32 to vector<16xi32>
    %add3A_1545 = arith.addi %select_n3A_1542, %add3A_1544 : vector<16xi32>
    %swap3A_1546 = arith.constant 480 : index
    %swap3A_1547 = tpu.vector_load %arg6[%swap3A_1546] {strides = array<i32>} : memref<512xi32, #tpu.memory_space<vmem>>, vector<16xi32>,
    tpu.vector_store %arg6[%swap3A_1546], %add3A_1545 {strides = array<i32>} : memref<512xi32, #tpu.memory_space<vmem>>, vector<16xi32>,
    %slice3A_1548 = vector.extract_strided_slice %add3A_1536 {offsets = [15], sizes = [1], strides = [1]} : vector<16xi32> to vector<1xi32>
    %squeeze3A_1549 = vector.extract %slice3A_1548[0] : i32 from vector<1xi32>
    %dma_start3A_1550 = arith.constant 480 : i32
    %dma_start3A_1551 = tpu.memref_slice %arg6[%dma_start3A_1550] : memref<512xi32, #tpu.memory_space<vmem>> -> memref<16xi32, #tpu.memory_space<vmem>>
    %dma_start3A_1552 = arith.constant 0 : i32
    %dma_start3A_1553 = arith.constant 0 : i32
    %dma_start3A_1554 = tpu.memref_slice %arg3[%dma_start3A_1552, %dma_start3A_1553] : memref<4100x1024xf32, #tpu.memory_space<hbm>> -> memref<4100x1024xf32, #tpu.memory_space<hbm>>
    tpu.enqueue_indirect_dma source(%dma_start3A_1554 : memref<4100x1024xf32, #tpu.memory_space<hbm>>) target(%arg7 : memref<16x1024xf32, #tpu.memory_space<vmem>>) offsets(%dma_start3A_1551 : memref<16xi32, #tpu.memory_space<vmem>>) semaphore(%arg12 : memref<!tpu.dma_semaphore, #tpu.memory_space<semaphore_mem>>)
    %dma_wait3A_1555 = arith.constant 432 : i32
    %dma_wait3A_1556 = tpu.memref_slice %arg6[%dma_wait3A_1555] : memref<512xi32, #tpu.memory_space<vmem>> -> memref<16xi32, #tpu.memory_space<vmem>>
    %dma_wait3A_1557 = arith.constant 0 : i32
    %dma_wait3A_1558 = arith.constant 0 : i32
    %dma_wait3A_1559 = tpu.memref_slice %arg3[%dma_wait3A_1557, %dma_wait3A_1558] : memref<4100x1024xf32, #tpu.memory_space<hbm>> -> memref<4100x1024xf32, #tpu.memory_space<hbm>>
    tpu.wait_indirect_dma semaphore(%arg14 : memref<!tpu.dma_semaphore, #tpu.memory_space<semaphore_mem>>) src(%dma_wait3A_1559 : memref<4100x1024xf32, #tpu.memory_space<hbm>>) dst(%arg9 : memref<16x1024xf32, #tpu.memory_space<vmem>>)
    %add3A_1560 = arith.constant 432 : i32
    %add3A_1561 = arith.addi %add3A_75, %add3A_1560 : i32
    %dma_start3A_1562 = arith.constant 0 : i32
    %dma_start3A_1563 = tpu.memref_slice %arg4[%add3A_1561, %dma_start3A_1562] : memref<16384x1024xf32, #tpu.memory_space<hbm>> -> memref<16x1024xf32, #tpu.memory_space<hbm>>
    %dma_start3A_1564 = arith.constant 0 : i32
    %dma_start3A_1565 = tpu.memref_slice %arg4[%add3A_1561, %dma_start3A_1564] : memref<16384x1024xf32, #tpu.memory_space<hbm>> -> memref<16x1024xf32, #tpu.memory_space<hbm>>
    tpu.enqueue_dma source(%arg9 : memref<16x1024xf32, #tpu.memory_space<vmem>>) target(%dma_start3A_1565 : memref<16x1024xf32, #tpu.memory_space<hbm>>) target_semaphore(%arg19 : memref<!tpu.dma_semaphore, #tpu.memory_space<semaphore_mem>>)
    %dma_wait3A_1566 = arith.constant 0 : i32
    %dma_wait3A_1567 = tpu.memref_slice %arg4[%add3A_1511, %dma_wait3A_1566] : memref<16384x1024xf32, #tpu.memory_space<hbm>> -> memref<16x1024xf32, #tpu.memory_space<hbm>>
    %dma_wait3A_1568 = arith.constant 0 : i32
    %dma_wait3A_1569 = tpu.memref_slice %arg4[%add3A_1511, %dma_wait3A_1568] : memref<16384x1024xf32, #tpu.memory_space<hbm>> -> memref<16x1024xf32, #tpu.memory_space<hbm>>
    tpu.wait_dma2 semaphore(%arg18 : memref<!tpu.dma_semaphore, #tpu.memory_space<semaphore_mem>>) src(%arg8 : memref<16x1024xf32, #tpu.memory_space<vmem>>) dst(%dma_wait3A_1569 : memref<16x1024xf32, #tpu.memory_space<hbm>>)
    %add3A_1570 = arith.constant 496 : i32
    %add3A_1571 = arith.addi %mul3A_74, %add3A_1570 : i32
    %get3A_1572 = arith.index_cast %add3A_1571 : i32 to index
    %get3A_1573 = tpu.vector_load %arg5[%get3A_1572] {strides = array<i32>} : memref<4096xi32, #tpu.memory_space<vmem>>, vector<16xi32>,
    %ne3A_1574 = arith.constant 1 : i32
    %ne3A_1575 = vector.broadcast %ne3A_1574 : i32 to vector<16xi32>
    %ne3A_1576 = arith.cmpi ne, %get3A_1573, %ne3A_1575 : vector<16xi32>
    %jit3A_1577 = arith.constant 1 : i32
    %jit3A_1578 = arith.constant 0 : i32
    %broadcast_in_dim3A_1579 = vector.broadcast %jit3A_1577 : i32 to vector<16xi32>
    %broadcast_in_dim3A_1580 = vector.broadcast %jit3A_1578 : i32 to vector<16xi32>
    %select_n3A_1581 = arith.select %ne3A_1576, %broadcast_in_dim3A_1579, %broadcast_in_dim3A_1580 : vector<16xi1>, vector<16xi32>
    %cumsum3A_1582 = arith.constant true
    %cumsum3A_1583 = vector.broadcast %cumsum3A_1582 : i1 to vector<16xi1>
    %cumsum3A_1584 = tpu.scan <sum>, %select_n3A_1581 masked %cumsum3A_1583 : vector<16xi32>, vector<16xi1> -> vector<16xi32>
    %add3A_1585 = vector.broadcast %squeeze3A_1549 : i32 to vector<16xi32>
    %add3A_1586 = arith.addi %cumsum3A_1584, %add3A_1585 : vector<16xi32>
    %ne3A_1587 = arith.constant 1 : i32
    %ne3A_1588 = vector.broadcast %ne3A_1587 : i32 to vector<16xi32>
    %ne3A_1589 = arith.cmpi ne, %get3A_1573, %ne3A_1588 : vector<16xi32>
    %jit3A_1590 = arith.constant 0 : i32
    %broadcast_in_dim3A_1591 = vector.broadcast %jit3A_1590 : i32 to vector<16xi32>
    %select_n3A_1592 = arith.select %ne3A_1589, %add3A_1586, %broadcast_in_dim3A_1591 : vector<16xi1>, vector<16xi32>
    %add3A_1593 = arith.constant 1 : i32
    %add3A_1594 = vector.broadcast %add3A_1593 : i32 to vector<16xi32>
    %add3A_1595 = arith.addi %select_n3A_1592, %add3A_1594 : vector<16xi32>
    %swap3A_1596 = arith.constant 496 : index
    %swap3A_1597 = tpu.vector_load %arg6[%swap3A_1596] {strides = array<i32>} : memref<512xi32, #tpu.memory_space<vmem>>, vector<16xi32>,
    tpu.vector_store %arg6[%swap3A_1596], %add3A_1595 {strides = array<i32>} : memref<512xi32, #tpu.memory_space<vmem>>, vector<16xi32>,
    %slice3A_1598 = vector.extract_strided_slice %add3A_1586 {offsets = [15], sizes = [1], strides = [1]} : vector<16xi32> to vector<1xi32>
    %squeeze3A_1599 = vector.extract %slice3A_1598[0] : i32 from vector<1xi32>
    %dma_start3A_1600 = arith.constant 496 : i32
    %dma_start3A_1601 = tpu.memref_slice %arg6[%dma_start3A_1600] : memref<512xi32, #tpu.memory_space<vmem>> -> memref<16xi32, #tpu.memory_space<vmem>>
    %dma_start3A_1602 = arith.constant 0 : i32
    %dma_start3A_1603 = arith.constant 0 : i32
    %dma_start3A_1604 = tpu.memref_slice %arg3[%dma_start3A_1602, %dma_start3A_1603] : memref<4100x1024xf32, #tpu.memory_space<hbm>> -> memref<4100x1024xf32, #tpu.memory_space<hbm>>
    tpu.enqueue_indirect_dma source(%dma_start3A_1604 : memref<4100x1024xf32, #tpu.memory_space<hbm>>) target(%arg8 : memref<16x1024xf32, #tpu.memory_space<vmem>>) offsets(%dma_start3A_1601 : memref<16xi32, #tpu.memory_space<vmem>>) semaphore(%arg13 : memref<!tpu.dma_semaphore, #tpu.memory_space<semaphore_mem>>)
    %dma_wait3A_1605 = arith.constant 448 : i32
    %dma_wait3A_1606 = tpu.memref_slice %arg6[%dma_wait3A_1605] : memref<512xi32, #tpu.memory_space<vmem>> -> memref<16xi32, #tpu.memory_space<vmem>>
    %dma_wait3A_1607 = arith.constant 0 : i32
    %dma_wait3A_1608 = arith.constant 0 : i32
    %dma_wait3A_1609 = tpu.memref_slice %arg3[%dma_wait3A_1607, %dma_wait3A_1608] : memref<4100x1024xf32, #tpu.memory_space<hbm>> -> memref<4100x1024xf32, #tpu.memory_space<hbm>>
    tpu.wait_indirect_dma semaphore(%arg15 : memref<!tpu.dma_semaphore, #tpu.memory_space<semaphore_mem>>) src(%dma_wait3A_1609 : memref<4100x1024xf32, #tpu.memory_space<hbm>>) dst(%arg10 : memref<16x1024xf32, #tpu.memory_space<vmem>>)
    %add3A_1610 = arith.constant 448 : i32
    %add3A_1611 = arith.addi %add3A_75, %add3A_1610 : i32
    %dma_start3A_1612 = arith.constant 0 : i32
    %dma_start3A_1613 = tpu.memref_slice %arg4[%add3A_1611, %dma_start3A_1612] : memref<16384x1024xf32, #tpu.memory_space<hbm>> -> memref<16x1024xf32, #tpu.memory_space<hbm>>
    %dma_start3A_1614 = arith.constant 0 : i32
    %dma_start3A_1615 = tpu.memref_slice %arg4[%add3A_1611, %dma_start3A_1614] : memref<16384x1024xf32, #tpu.memory_space<hbm>> -> memref<16x1024xf32, #tpu.memory_space<hbm>>
    tpu.enqueue_dma source(%arg10 : memref<16x1024xf32, #tpu.memory_space<vmem>>) target(%dma_start3A_1615 : memref<16x1024xf32, #tpu.memory_space<hbm>>) target_semaphore(%arg20 : memref<!tpu.dma_semaphore, #tpu.memory_space<semaphore_mem>>)
    %dma_wait3A_1616 = arith.constant 464 : i32
    %dma_wait3A_1617 = tpu.memref_slice %arg6[%dma_wait3A_1616] : memref<512xi32, #tpu.memory_space<vmem>> -> memref<16xi32, #tpu.memory_space<vmem>>
    %dma_wait3A_1618 = arith.constant 0 : i32
    %dma_wait3A_1619 = arith.constant 0 : i32
    %dma_wait3A_1620 = tpu.memref_slice %arg3[%dma_wait3A_1618, %dma_wait3A_1619] : memref<4100x1024xf32, #tpu.memory_space<hbm>> -> memref<4100x1024xf32, #tpu.memory_space<hbm>>
    tpu.wait_indirect_dma semaphore(%arg16 : memref<!tpu.dma_semaphore, #tpu.memory_space<semaphore_mem>>) src(%dma_wait3A_1620 : memref<4100x1024xf32, #tpu.memory_space<hbm>>) dst(%arg11 : memref<16x1024xf32, #tpu.memory_space<vmem>>)
    %add3A_1621 = arith.constant 464 : i32
    %add3A_1622 = arith.addi %add3A_75, %add3A_1621 : i32
    %dma_start3A_1623 = arith.constant 0 : i32
    %dma_start3A_1624 = tpu.memref_slice %arg4[%add3A_1622, %dma_start3A_1623] : memref<16384x1024xf32, #tpu.memory_space<hbm>> -> memref<16x1024xf32, #tpu.memory_space<hbm>>
    %dma_start3A_1625 = arith.constant 0 : i32
    %dma_start3A_1626 = tpu.memref_slice %arg4[%add3A_1622, %dma_start3A_1625] : memref<16384x1024xf32, #tpu.memory_space<hbm>> -> memref<16x1024xf32, #tpu.memory_space<hbm>>
    tpu.enqueue_dma source(%arg11 : memref<16x1024xf32, #tpu.memory_space<vmem>>) target(%dma_start3A_1626 : memref<16x1024xf32, #tpu.memory_space<hbm>>) target_semaphore(%arg21 : memref<!tpu.dma_semaphore, #tpu.memory_space<semaphore_mem>>)
    %dma_wait3A_1627 = arith.constant 480 : i32
    %dma_wait3A_1628 = tpu.memref_slice %arg6[%dma_wait3A_1627] : memref<512xi32, #tpu.memory_space<vmem>> -> memref<16xi32, #tpu.memory_space<vmem>>
    %dma_wait3A_1629 = arith.constant 0 : i32
    %dma_wait3A_1630 = arith.constant 0 : i32
    %dma_wait3A_1631 = tpu.memref_slice %arg3[%dma_wait3A_1629, %dma_wait3A_1630] : memref<4100x1024xf32, #tpu.memory_space<hbm>> -> memref<4100x1024xf32, #tpu.memory_space<hbm>>
    tpu.wait_indirect_dma semaphore(%arg12 : memref<!tpu.dma_semaphore, #tpu.memory_space<semaphore_mem>>) src(%dma_wait3A_1631 : memref<4100x1024xf32, #tpu.memory_space<hbm>>) dst(%arg7 : memref<16x1024xf32, #tpu.memory_space<vmem>>)
    %add3A_1632 = arith.constant 480 : i32
    %add3A_1633 = arith.addi %add3A_75, %add3A_1632 : i32
    %dma_start3A_1634 = arith.constant 0 : i32
    %dma_start3A_1635 = tpu.memref_slice %arg4[%add3A_1633, %dma_start3A_1634] : memref<16384x1024xf32, #tpu.memory_space<hbm>> -> memref<16x1024xf32, #tpu.memory_space<hbm>>
    %dma_start3A_1636 = arith.constant 0 : i32
    %dma_start3A_1637 = tpu.memref_slice %arg4[%add3A_1633, %dma_start3A_1636] : memref<16384x1024xf32, #tpu.memory_space<hbm>> -> memref<16x1024xf32, #tpu.memory_space<hbm>>
    tpu.enqueue_dma source(%arg7 : memref<16x1024xf32, #tpu.memory_space<vmem>>) target(%dma_start3A_1637 : memref<16x1024xf32, #tpu.memory_space<hbm>>) target_semaphore(%arg17 : memref<!tpu.dma_semaphore, #tpu.memory_space<semaphore_mem>>)
    %dma_wait3A_1638 = arith.constant 496 : i32
    %dma_wait3A_1639 = tpu.memref_slice %arg6[%dma_wait3A_1638] : memref<512xi32, #tpu.memory_space<vmem>> -> memref<16xi32, #tpu.memory_space<vmem>>
    %dma_wait3A_1640 = arith.constant 0 : i32
    %dma_wait3A_1641 = arith.constant 0 : i32
    %dma_wait3A_1642 = tpu.memref_slice %arg3[%dma_wait3A_1640, %dma_wait3A_1641] : memref<4100x1024xf32, #tpu.memory_space<hbm>> -> memref<4100x1024xf32, #tpu.memory_space<hbm>>
    tpu.wait_indirect_dma semaphore(%arg13 : memref<!tpu.dma_semaphore, #tpu.memory_space<semaphore_mem>>) src(%dma_wait3A_1642 : memref<4100x1024xf32, #tpu.memory_space<hbm>>) dst(%arg8 : memref<16x1024xf32, #tpu.memory_space<vmem>>)
    %add3A_1643 = arith.constant 496 : i32
    %add3A_1644 = arith.addi %add3A_75, %add3A_1643 : i32
    %dma_start3A_1645 = arith.constant 0 : i32
    %dma_start3A_1646 = tpu.memref_slice %arg4[%add3A_1644, %dma_start3A_1645] : memref<16384x1024xf32, #tpu.memory_space<hbm>> -> memref<16x1024xf32, #tpu.memory_space<hbm>>
    %dma_start3A_1647 = arith.constant 0 : i32
    %dma_start3A_1648 = tpu.memref_slice %arg4[%add3A_1644, %dma_start3A_1647] : memref<16384x1024xf32, #tpu.memory_space<hbm>> -> memref<16x1024xf32, #tpu.memory_space<hbm>>
    tpu.enqueue_dma source(%arg8 : memref<16x1024xf32, #tpu.memory_space<vmem>>) target(%dma_start3A_1648 : memref<16x1024xf32, #tpu.memory_space<hbm>>) target_semaphore(%arg18 : memref<!tpu.dma_semaphore, #tpu.memory_space<semaphore_mem>>)
    %dma_wait3A_1649 = arith.constant 0 : i32
    %dma_wait3A_1650 = tpu.memref_slice %arg4[%add3A_1611, %dma_wait3A_1649] : memref<16384x1024xf32, #tpu.memory_space<hbm>> -> memref<16x1024xf32, #tpu.memory_space<hbm>>
    %dma_wait3A_1651 = arith.constant 0 : i32
    %dma_wait3A_1652 = tpu.memref_slice %arg4[%add3A_1611, %dma_wait3A_1651] : memref<16384x1024xf32, #tpu.memory_space<hbm>> -> memref<16x1024xf32, #tpu.memory_space<hbm>>
    tpu.wait_dma2 semaphore(%arg20 : memref<!tpu.dma_semaphore, #tpu.memory_space<semaphore_mem>>) src(%arg10 : memref<16x1024xf32, #tpu.memory_space<vmem>>) dst(%dma_wait3A_1652 : memref<16x1024xf32, #tpu.memory_space<hbm>>)
    %dma_wait3A_1653 = arith.constant 0 : i32
    %dma_wait3A_1654 = tpu.memref_slice %arg4[%add3A_1622, %dma_wait3A_1653] : memref<16384x1024xf32, #tpu.memory_space<hbm>> -> memref<16x1024xf32, #tpu.memory_space<hbm>>
    %dma_wait3A_1655 = arith.constant 0 : i32
    %dma_wait3A_1656 = tpu.memref_slice %arg4[%add3A_1622, %dma_wait3A_1655] : memref<16384x1024xf32, #tpu.memory_space<hbm>> -> memref<16x1024xf32, #tpu.memory_space<hbm>>
    tpu.wait_dma2 semaphore(%arg21 : memref<!tpu.dma_semaphore, #tpu.memory_space<semaphore_mem>>) src(%arg11 : memref<16x1024xf32, #tpu.memory_space<vmem>>) dst(%dma_wait3A_1656 : memref<16x1024xf32, #tpu.memory_space<hbm>>)
    %dma_wait3A_1657 = arith.constant 0 : i32
    %dma_wait3A_1658 = tpu.memref_slice %arg4[%add3A_1633, %dma_wait3A_1657] : memref<16384x1024xf32, #tpu.memory_space<hbm>> -> memref<16x1024xf32, #tpu.memory_space<hbm>>
    %dma_wait3A_1659 = arith.constant 0 : i32
    %dma_wait3A_1660 = tpu.memref_slice %arg4[%add3A_1633, %dma_wait3A_1659] : memref<16384x1024xf32, #tpu.memory_space<hbm>> -> memref<16x1024xf32, #tpu.memory_space<hbm>>
    tpu.wait_dma2 semaphore(%arg17 : memref<!tpu.dma_semaphore, #tpu.memory_space<semaphore_mem>>) src(%arg7 : memref<16x1024xf32, #tpu.memory_space<vmem>>) dst(%dma_wait3A_1660 : memref<16x1024xf32, #tpu.memory_space<hbm>>)
    %dma_wait3A_1661 = arith.constant 0 : i32
    %dma_wait3A_1662 = tpu.memref_slice %arg4[%add3A_1644, %dma_wait3A_1661] : memref<16384x1024xf32, #tpu.memory_space<hbm>> -> memref<16x1024xf32, #tpu.memory_space<hbm>>
    %dma_wait3A_1663 = arith.constant 0 : i32
    %dma_wait3A_1664 = tpu.memref_slice %arg4[%add3A_1644, %dma_wait3A_1663] : memref<16384x1024xf32, #tpu.memory_space<hbm>> -> memref<16x1024xf32, #tpu.memory_space<hbm>>
    tpu.wait_dma2 semaphore(%arg18 : memref<!tpu.dma_semaphore, #tpu.memory_space<semaphore_mem>>) src(%arg8 : memref<16x1024xf32, #tpu.memory_space<vmem>>) dst(%dma_wait3A_1664 : memref<16x1024xf32, #tpu.memory_space<hbm>>)
    return
  }
}

</mosaic_0001>

<sc_bundles>
// kernel: _lookup.3.cloned.1.call-start
scs
__scs_entry_jumppad:
0x0: {  	(pc) =	sbr.rel $0x88, $3  }
0x1: {  	(tag) =	ssettag $0x0;
	lr =	simm.s32 $0x1  }
0x2: {  	[smem:$0x3F9F] =	sst lr;
	_ =	strace $0xD0000000  }
0x3: {  	_ = 	snop  }
0x4: {  	_ = 	snop  }
0x5: {  	_ = 	snop  }
0x6: {  	_ = 	snop  }
0x7: {  	_ = 	snop  }
__scs_overlays_trampoline_lowered:
0x8: {  	[smem:$0x3FAE] =	sst s0  }
0x9: {  	[smem:$0x3FAF] =	sst s1  }
0xa: {  	[smem:$0x3FB0] =	sst s2  }
0xb: {  	[smem:$0x3FB1] =	sst s3  }
0xc: {  	[smem:$0x3FB2] =	sst s4  }
0xd: {  	[smem:$0x3FB3] =	sst s5  }
0xe: {  	[smem:$0x3FB4] =	sst s6  }
0xf: {  	[smem:$0x3FB5] =	sst s7  }
0x10: {  	[smem:$0x3FB6] =	sst s8  }
0x11: {  	[smem:$0x3FB7] =	sst s9;
	s0 =	simm.s32 @!p0 $0x0  }
0x12: {  	s1 =	sld [smem:$0x3F9D];
	s0 =	simm.s32 @p0 $0x1  }
0x13: {  	[smem:$0x3FB8] =	sst s0;
	s0 =	simm.s32 @!p1 $0x0  }
0x14: {  	s2 =	sld [smem:$0x3F9C];
	s0 =	simm.s32 @p1 $0x1  }
0x15: {  	[smem:$0x3FB9] =	sst s0;
	s0 =	simm.s32 @!p2 $0x0  }
0x16: {  	s3 =	sld [smem:$0x3FDB];
	s0 =	simm.s32 @p2 $0x1  }
0x17: {  	s4 =	simm.s32 $0x1BF5;
	[smem:$0x3FBB] =	sst s0  }
0x18: {  	s0 =	sld [smem:$0x3F9E];
	_ =	swait.ge [sflag:s4], $0x0  }
0x19: {  	s7 =	sld [smem:$0x3F9F]  }
0x1a: {  	s8 =	sadd.s32 $0xFFFFE003, lr  }
0x1b: {  	s9 =	sadd.s32 $0xFFFFFEF7, lr;
	s5 =	simm.s32 $0xFFFFFFFF;
	p2 =	slt.u32 s8, $0xFFFFF086  }
0x1c: {  	p1 =	slt.u32 s9, $0xF7A;
	s5 =	simm.s32 @!p2 $0x0  }
0x1d: {  	s5 =	simm.s32 @p1 $0x1;
	p0 =	seq.s32 s7, s2  }
0x1e: {  	s7 =	smul.u32 @!p0 $0xF7A, s2;
	p2 =	seq.s32 @!p0 s5, $0x0  }
0x1f: {  	s9 =	smul.u32 $0xF7A, s1;
	s8 =	simm.s32 @!p0 $0x1BF5;
	p2 =	por !p2, p0  }
0x20: {  	[sflag:s8] =	ssyncset.s32 @!p0 $0xFFFFF086;
	s6 =	sadd.s32 @!p0 s3, s7;
	s7 =	simm.s32 @!p0 $0x108  }
0x21: {  	s3 =	sadd.s32 s3, s9;
	s6 =	sadd.s32 @!p0 $0x88, s6;
	s7 =	simm.s32 @p2 $0x1082  }
0x22: {  	[simem:s7], [sflag:s8] =	dma.local @!p0 [hbm:s6], $0xF7A  }
0x23: {  	s9 =	sor.u32 $0xD0000000, s2;
	s6 =	simm.s32 $0x108;
	_ =	swait.ge @!p0 [sflag:s8], $0x0  }
0x24: {  	s3 =	sadd.s32 $0x88, s3;
	s6 =	simm.s32 @!p1 $0x1082;
	[sflag:s4] =	ssyncset.s32 $0xFFFFF086  }
0x25: {  	[simem:s6], [sflag:s4] =	dma.local [hbm:s3], $0xF7A  }
0x26: {  	[smem:$0x3F9F] =	sst s1;
	(tag) =	ssettag s2;
	_ =	strace s9  }
0x27: {  	s1 =	sld [smem:$0x3FAF]  }
0x28: {  	s2 =	sld [smem:$0x3FB0]  }
0x29: {  	s4 =	sld [smem:$0x3FB2]  }
0x2a: {  	p0 =	seq.s32 s5, $0x0;
	s5 =	sld [smem:$0x3FB3]  }
0x2b: {  	s6 =	sld [smem:$0x3FB4]  }
0x2c: {  	s7 =	sld [smem:$0x3FB5]  }
0x2d: {  	s3 =	simm.s32 $0x108;
	s8 =	sld [smem:$0x3FB6]  }
0x2e: {  	s3 =	simm.s32 @!p0 $0x1082;
	s9 =	sld [smem:$0x3FB7]  }
0x2f: {  	lr =	sadd.s32 s0, s3;
	s0 =	sld [smem:$0x3FAE]  }
0x30: {  	s3 =	sld [smem:$0x3FB1]  }
0x31: {  	[smem:$0x3FBA] =	sst s10  }
0x32: {  	s10 =	sld [smem:$0x3FB8];
	_ =	sdelay $0x3  }
0x33: {  	p0 =	seq.s32 s10, $0x1;
	s10 =	sld [smem:$0x3FBA];
	_ =	sdelay $0x3  }
0x34: {  	[smem:$0x3FBA] =	sst s10  }
0x35: {  	s10 =	sld [smem:$0x3FB9];
	_ =	sdelay $0x3  }
0x36: {  	p1 =	seq.s32 s10, $0x1;
	s10 =	sld [smem:$0x3FBA];
	_ =	sdelay $0x3  }
0x37: {  	[smem:$0x3FBA] =	sst s10  }
0x38: {  	s10 =	sld [smem:$0x3FBB]  }
0x39: {  	_ = 	snop;
	(pc) =	sbr.ind lr, $3  }
0x3a: {  	_ = 	snop  }
0x3b: {  	_ = 	snop  }
0x3c: {  	p2 =	seq.s32 s10, $0x1;
	s10 =	sld [smem:$0x3FBA]  }
0x3d: {  	_ =	shalt  }
0x3e: {  	_ =	shalt  }
0x3f: {  	_ =	shalt  }
0x40: {  	_ =	shalt  }
0x41: {  	_ =	shalt  }
0x42: {  	_ =	shalt  }
0x43: {  	_ =	shalt  }
0x44: {  	_ =	shalt  }
0x45: {  	_ =	shalt  }
0x46: {  	_ =	shalt  }
0x47: {  	_ =	shalt  }
0x48: {  	_ =	shalt  }
0x49: {  	_ =	shalt  }
0x4a: {  	_ =	shalt  }
0x4b: {  	_ =	shalt  }
0x4c: {  	_ =	shalt  }
0x4d: {  	_ =	shalt  }
0x4e: {  	_ =	shalt  }
0x4f: {  	_ =	shalt  }
0x50: {  	_ =	shalt  }
0x51: {  	_ =	shalt  }
0x52: {  	_ =	shalt  }
0x53: {  	_ =	shalt  }
0x54: {  	_ =	shalt  }
0x55: {  	_ =	shalt  }
0x56: {  	_ =	shalt  }
0x57: {  	_ =	shalt  }
0x58: {  	_ =	shalt  }
0x59: {  	_ =	shalt  }
0x5a: {  	_ =	shalt  }
0x5b: {  	_ =	shalt  }
0x5c: {  	_ =	shalt  }
0x5d: {  	_ =	shalt  }
0x5e: {  	_ =	shalt  }
0x5f: {  	_ =	shalt  }
0x60: {  	_ =	shalt  }
0x61: {  	_ =	shalt  }
0x62: {  	_ =	shalt  }
0x63: {  	_ =	shalt  }
0x64: {  	_ =	shalt  }
0x65: {  	_ =	shalt  }
0x66: {  	_ =	shalt  }
0x67: {  	_ =	shalt  }
0x68: {  	_ =	shalt  }
0x69: {  	_ =	shalt  }
0x6a: {  	_ =	shalt  }
0x6b: {  	_ =	shalt  }
0x6c: {  	_ =	shalt  }
0x6d: {  	_ =	shalt  }
0x6e: {  	_ =	shalt  }
0x6f: {  	_ =	shalt  }
0x70: {  	_ =	shalt  }
0x71: {  	_ =	shalt  }
0x72: {  	_ =	shalt  }
0x73: {  	_ =	shalt  }
0x74: {  	_ =	shalt  }
0x75: {  	_ =	shalt  }
0x76: {  	_ =	shalt  }
0x77: {  	_ =	shalt  }
0x78: {  	_ =	shalt  }
0x79: {  	_ =	shalt  }
0x7a: {  	_ =	shalt  }
0x7b: {  	_ =	shalt  }
0x7c: {  	_ =	shalt  }
0x7d: {  	_ =	shalt  }
0x7e: {  	_ =	shalt  }
0x7f: {  	_ =	shalt  }
0x80: {  	_ =	shalt  }
0x81: {  	_ =	shalt  }
0x82: {  	_ =	shalt  }
0x83: {  	_ =	shalt  }
0x84: {  	_ =	shalt  }
0x85: {  	_ =	shalt  }
0x86: {  	_ =	shalt  }
0x87: {  	_ =	shalt  }
.Lfunc_end0:
.L_simem_size_0:
called_computation_lowered:
.L_overlay_start_0:
0x88: {  	s2 =	sld [smem:$0x3FD9]  }
0x89: {  	s3 =	sld [smem:$0x3FFE];
	_ =	sdelay $0x1  }
0x8a: {  	s1 =	srdreg.scid  }
0x8b: {  	s0 =	sand.u32 $0x1, s1  }
0x8c: {  	s18 =	sshll.u32 s0, $0xA;
	s2 =	sadd.s32 s3, s2  }
0x8d: {  	s2 =	sadd.s32 s2, s18  }
0x8e: {  	[smem:$0x3FC6] =	sst s2  }
0x8f: {  	_ = 	snop  }
0x90: {  	s2 =	sld [smem:$0x3FC9]  }
0x91: {  	s19 =	sld [smem:$0x3FC8]  }
0x92: {  	s4 =	sld [smem:$0x3FD0];
	(tm) =	ssettm $0x1  }
0x93: {  	s5 =	sld [smem:$0x3FFB];
	_ =	sdelay $0x3  }
0x94: {  	_ =	strace s5  }
0x95: {  	s5 =	sld [smem:$0x3FFC];
	_ =	sdelay $0x3  }
0x96: {  	_ =	strace s5  }
0x97: {  	s5 =	sld [smem:$0x3FFD];
	_ =	sdelay $0x3  }
0x98: {  	_ =	strace s5  }
0x99: {  	_ =	strace $0x8FFFFFFF  }
0x9a: {  	s20 =	sld [smem:$0x3FDB];
	_ =	sdelay $0x1  }
0x9b: {  	s6 =	simm.s32 $_scs_section_size  }
0x9c: {  	s7 =	simm.s32 $_size__tile_overlayer_lowered;
	s8 =	simm.s32 $_tile_overlayer_lowered  }
0x9d: {  	s23 =	simm.s32 $0x1BFF;
	s22 =	sshll.u32 s8, $0x1;
	s5 =	sadd.s32 s6, s20  }
0x9e: {  	s9 =	simm.s32 $0x0;
	s21 =	sshll.u32 s7, $0x1;
	s7 =	sadd.s32 s22, s5  }
0x9f: {  	[timem:s9], [sflag:s23] =	dma.local [hbm:s7], s21  }
0xa0: {  	_ =	swait.ge [sflag:s23], s21  }
0xa1: {  	s6 =	ssub.s32 $0x0, s21;
	[sflag:s23] =	ssyncset.done $0x0  }
0xa2: {  	[sflag:s23] =	ssyncadd.s32 s6;
	_ =	sdelay $0x1  }
0xa3: {  	s24 =	simm.s32 $0x1B8B  }
0xa4: {  	_ =	swait.ge [sflag:s24], $0x1  }
0xa5: {  	[sflag:s24] =	ssyncset.done $0x0  }
0xa6: {  	s25 =	simm.s32 $0x1B8E;
	[sflag:s24] =	ssyncadd.s32 $0xFFFFFFFF  }
0xa7: {  	s26 =	simm.s32 $execute0_lowered;
	[smem:$0x3FD2] =	sst s25  }
0xa8: {  	s6 =	sshll.u32 s26, $0x1;
	_ =	strace $0x80000046;
	[dreg:$0x1] =	wrdreg $0xFFFFFFFF  }
0xa9: {  	s28 =	simm.s32 $_size_execute0_lowered;
	s5 =	sadd.s32 s5, s6;
	[dreg:$0x0] =	wrdreg $0x0  }
0xaa: {  	s6 =	sshll.u32 s28, $0x1;
	[dreg:$0x2] =	wrdreg s5  }
0xab: {  	[dreg:$0x3] =	wrdreg s6  }
0xac: {  	[dreg:$0x4] =	wrdreg $0xC0  }
0xad: {  	_ =	task [dreg:s9], $0x5FFFF  }
0xae: {  	[dreg:$0x1] =	wrdreg $0xFFFFFFFF  }
0xaf: {  	[dreg:$0x0] =	wrdreg $0x60  }
0xb0: {  	[dreg:$0x2] =	wrdreg s2  }
0xb1: {  	[dreg:$0x3] =	wrdreg s19  }
0xb2: {  	[dreg:$0x4] =	wrdreg s4  }
0xb3: {  	[dreg:$0x5] =	wrdreg $0x9  }
0xb4: {  	_ =	task.clear_ibuf [dreg:s9], $0x6FFFF;
	_ =	strace $0x90000046  }
0xb5: {  	s29 =	simm.s32 $0x9;
	_ =	strace $0x80000048  }
0xb6: {  	_ =	swait.ge [sflag:s29], $0x1  }
0xb7: {  	[sflag:s29] =	ssyncadd.s32 $0xFFFFFFFF  }
0xb8: {  	_ =	strace $0x90000048  }
0xb9: {  	_ =	sfence  }
0xba: {  	s30 =	sld [smem:$0x0];
	_ =	sdelay $0x2  }
0xbb: {  	s31 =	sshll.u32 s1, $0xD;
	s1 =	sshrl.u32 s1, $0x2  }
0xbc: {  	s3 =	sand.u32 $0x4000, s31;
	s1 =	sadd.s32 s1, s30  }
0xbd: {  	s0 =	sor.u32 s3, s0;
	s1 =	sshll.u32 s1, $0x11  }
0xbe: {  	s0 =	sor.u32 s1, s0  }
0xbf: {  	s0 =	sadd.s32 $0x8F2B, s0  }
0xc0: {  	[sflag:s0] =	ssyncadd.remote.s32 $0x1  }
0xc1: {  	_ =	sfence.sel $0xFFFF  }
0xc2: {  	[dreg:$0x0] =	wrdreg $0xFFFFFFFF;
	(pc) =	sbr.abs _section_cstart, $3  }
0xc3: {  	[dreg:$0x1] =	wrdreg $0xFFFFFFFF  }
0xc4: {  	_ =	task.clear_ibuf [dreg:s9], $0x2FFFF;
	_ =	strace $0x9FFFFFFF  }
0xc5: {  	(tm) =	ssettm $0x7FFFFFFF  }
tec
execute0_lowered:
.L_overlay_start_1:
0x0: {  	(tag) =	ssettag $0x1  }
0x1: {  	s0 =	rddreg [dreg:$0x0]  }
0x2: {  	s1 =	rddreg [dreg:$0x1]  }
0x3: {  	s2 =	rddreg [dreg:$0x2]  }
0x4: {  	s3 =	simm.s32 $0x0;
	s4 =	srdreg.scid;
	s11 =	stileid.u32  }
0x5: {  	[smem:$0x7FF] =	sst s3;
	s4 =	sand.u32 $0x1, s4;
	s6 =	sshll.u32 s11, $0x1  }
0x6: {  	s7 =	sshll.u32 s11, $0xA;
	_ =	strace $0x80000047;
	s5 =	ssub.s32 $0x2, s4  }
0x7: {  	s6 =	sand.u32 $0x6, s6;
	s7 =	sand.u32 $0x3000, s7;
	s8 =	sshrl.u32 s5, $0x1  }
0x8: {  	s10 =	sor.u32 s4, s6;
	s17 =	sshrl.u32 s7, $0x3;
	s7 =	sshll.u32 s7, $0x7  }
0x9: {  	s9 =	ssub.s32 s5, s8;
	s0 =	sadd.s32 s0, s17;
	s18 =	sshll.u32 s10, $0x10  }
0xa: {  	[dreg:$0x4] =	wrdreg s0;
	s0 =	sor.u32 s7, s18;
	s13 =	smax.u32 s9, $0x1  }
0xb: {  	s12 =	sadd.s32 s2, s0;
	[dreg:$0x14] =	wrdreg s13  }
0xc: {  	s0 =	sadd.s32 $0x800, s12;
	[dreg:$0x5] =	wrdreg s12  }
0xd: {  	s19 =	sadd.s32 $0x1000, s12;
	[dreg:$0x6] =	wrdreg s0  }
0xe: {  	s20 =	sadd.s32 $0x1800, s12;
	[dreg:$0x7] =	wrdreg s19  }
0xf: {  	s21 =	sadd.s32 $0x2000, s12;
	[dreg:$0x8] =	wrdreg s20  }
0x10: {  	s22 =	sadd.s32 $0x2800, s12;
	[dreg:$0x9] =	wrdreg s21  }
0x11: {  	s23 =	sadd.s32 $0x3000, s12;
	[dreg:$0xa] =	wrdreg s22  }
0x12: {  	s24 =	sadd.s32 $0x3800, s12;
	[dreg:$0xb] =	wrdreg s23  }
0x13: {  	s25 =	sadd.s32 $0x4000, s12;
	[dreg:$0xc] =	wrdreg s24  }
0x14: {  	s26 =	sadd.s32 $0x4800, s12;
	[dreg:$0xd] =	wrdreg s25  }
0x15: {  	s28 =	sadd.s32 $0x5000, s12;
	[dreg:$0xe] =	wrdreg s26  }
0x16: {  	s29 =	sadd.s32 $0x5800, s12;
	[dreg:$0xf] =	wrdreg s28  }
0x17: {  	s2 =	sadd.s32 $0x6000, s12;
	[dreg:$0x10] =	wrdreg s29  }
0x18: {  	s31 =	sshll.u32 s4, $0x3;
	s4 =	sadd.s32 $0x6800, s12;
	[dreg:$0x11] =	wrdreg s2  }
0x19: {  	s30 =	sshll.u32 s11, $0x4;
	s11 =	sadd.s32 $0x7000, s12;
	[dreg:$0x12] =	wrdreg s4  }
0x1a: {  	s14 =	sadd.s32 $0x7800, s12;
	[dreg:$0x13] =	wrdreg s11  }
0x1b: {  	s15 =	sadd.s32 $0x8000, s12;
	[dreg:$0x16] =	wrdreg s14  }
0x1c: {  	s16 =	sadd.s32 $0x8800, s12;
	[dreg:$0x17] =	wrdreg s15  }
0x1d: {  	s17 =	sadd.s32 $0x9000, s12;
	[dreg:$0x18] =	wrdreg s16  }
0x1e: {  	s18 =	sadd.s32 $0x9800, s12;
	[dreg:$0x19] =	wrdreg s17  }
0x1f: {  	[dreg:$0x1a] =	wrdreg s18;
	s19 =	sadd.s32 $0xA000, s12  }
0x20: {  	s6 =	sadd.s32 $0x100, s1;
	s20 =	sadd.s32 $0xA800, s12;
	[dreg:$0x1b] =	wrdreg s19  }
0x21: {  	s5 =	sshll.u32 s10, $0x9;
	s21 =	sadd.s32 $0xB000, s12;
	[dreg:$0x1c] =	wrdreg s20  }
0x22: {  	s8 =	sadd.s32 $0x300, s1;
	s22 =	sadd.s32 $0xB800, s12;
	[dreg:$0x1d] =	wrdreg s21  }
0x23: {  	p0 =	seq.s32 s10, $0x0;
	s23 =	sadd.s32 $0xC000, s12;
	[dreg:$0x1e] =	wrdreg s22  }
0x24: {  	s7 =	sadd.s32 $0x200, s1;
	s24 =	sadd.s32 $0xC800, s12;
	[dreg:$0x1f] =	wrdreg s23  }
0x25: {  	s0 =	sand.u32 $0x30, s30;
	s25 =	sadd.s32 $0xD000, s12;
	[smem:$0x7F7] =	sst s24  }
0x26: {  	s26 =	sadd.s32 $0xD800, s12;
	s28 =	sadd.s32 $0xE000, s12;
	[smem:$0x7F8] =	sst s25  }
0x27: {  	s29 =	sadd.s32 $0xE800, s12;
	s30 =	sadd.s32 $0xF000, s12;
	[smem:$0x7F9] =	sst s26  }
.Ltmp0:
0x28: {  	s11 =	simm.s32 $0x1;
	[smem:$0x7FA] =	sst s28;
	(pc) =	sbr.rel .LBB2_1-.Ltmp0, $4  }
0x29: {  	s18 =	simm.s32 $0x2;
	s16 =	simm.s32 $0x7;
	[smem:$0x7FB] =	sst s29  }
0x2a: {  	v3 =	vlaneseq.u32;
	s0 =	sor.u32 s31, s0;
	[smem:$0x7FC] =	sst s30;
	s31 =	sadd.s32 $0xF800, s12  }
0x2b: {  	vm0 =	vmmov $0xffff;
	v0 =	vimm.s32 $0x0;
	v2 =	vshrl.u32 v3, $0x3;
	s17 =	simm.s32 $0x3;
	s0 =	smax.u32 s0, $0x1;
	[smem:$0x7FD] =	sst s31  }
0x2c: {  	v1 =	vand.u32 $0x7, v3;
	v3 =	vor.u32 $0x8, v3;
	v2 =	vmul.u32 $0x8, v2;
	s25 =	simm.s32 $0x6;
	[dreg:$0x15] =	wrdreg s0;
	s0 =	simm.s32 $0x0  }
.LBB2_4:
0x2d: {  	v8 =	vsel vm1, $0x1, v0;
	vm1 =	vne.s32 v6, $0x1  }
0x2e: {  	v6 =	vadd.s32 v8, v7;
	v7 =	vsel vm1, $0x1, v0;
	vm1 =	vne.s32 v5, $0x1  }
0x2f: {  	v5 =	vadd.s32 v7, v6;
	v6 =	vsel vm1, $0x1, v0;
	vm1 =	vne.s32 v4, $0x1  }
0x30: {  	v4 =	vadd.s32 v6, v5;
	v5 =	vsel vm1, $0x1, v0  }
0x31: {  	v4 =	vadd.s32 v5, v4  }
.LBB2_5:
0x32: {  	v5 =	vld [tilespmem:s5+$0x0];
	_ =	sdelay $0x4  }
0x33: {  	(xrf0) =	vadd.scan.msk.s32 $0xffff, v4;
	vm1 =	vne.s32 v5, $0x1  }
0x34: {  	v4 =	vsel vm1, $0x1, v0  }
0x35: {  	(xrf0) =	vadd.scan.msk.s32 $0xffff, v4;
	_ =	sdelay $0x3  }
0x36: {  	v4, _, _ =	vpop (xrf0)  }
0x37: {  	v4 =	vbroadcast v4, $0xF  }
0x38: {  	v5, _, _ =	vpop (xrf0)  }
0x39: {  	v4 =	vadd.s32 v4, v5  }
0x3a: {  	v5 =	vadd.s32 $0x1, v4  }
0x3b: {  	v5 =	vnsel vm1, $0x1, v5  }
0x3c: {  	v6 =	vshll.u32 v5, $0x3  }
0x3d: {  	v7 =	vand.u32 $0x7, v5;
	v6 =	vand.u32 $0xFFFFFFC0, v6  }
0x3e: {  	v6 =	vor.u32 v7, v6  }
0x3f: {  	v7 =	vperm.xlane v6, v1;
	_ =	sdelay $0x1  }
0x40: {  	v7 =	vadd.s32 v2, v7;
	_ =	sdelay $0x3  }
0x41: {  	s31 =	simm.s32 $0x1200;
	[tilespmem:$0x1000] =	vst v5  }
0x42: {  	[tilespmem:s31], [sflag:$0x1] =	stream.indirect_vreg.gather [hbm4b:s1+s3], $0x80, v7, vm0, $0xb8;
	[tilespmem:$0x15200] =	vst v63  }
0x43: {  	s2 =	simm.s32 $0x1A00;
	v5 =	vperm.xlane v6, v3  }
0x44: {  	[tilespmem:s2], [sflag:$0x1] =	stream.indirect_vreg.gather [hbm4b:s6+s3], $0x80, v7, vm0, $0xb8;
	[tilespmem:$0x15200] =	vst v63  }
0x45: {  	s4 =	simm.s32 $0x2200;
	v5 =	vadd.s32 v2, v5  }
0x46: {  	[tilespmem:s4], [sflag:$0x1] =	stream.indirect_vreg.gather [hbm4b:s7+s3], $0x80, v7, vm0, $0xb8;
	[tilespmem:$0x15200] =	vst v63  }
0x47: {  	s10 =	simm.s32 $0x2A00  }
0x48: {  	[tilespmem:s10], [sflag:$0x1] =	stream.indirect_vreg.gather [hbm4b:s8+s3], $0x80, v7, vm0, $0xb8;
	[tilespmem:$0x15200] =	vst v63  }
0x49: {  	s12 =	simm.s32 $0x3200  }
0x4a: {  	[tilespmem:s12], [sflag:$0x1] =	stream.indirect_vreg.gather [hbm4b:s1+s3], $0x80, v5, vm0, $0xb8;
	[tilespmem:$0x15200] =	vst v63  }
0x4b: {  	s13 =	simm.s32 $0x3A00  }
0x4c: {  	[tilespmem:s13], [sflag:$0x1] =	stream.indirect_vreg.gather [hbm4b:s6+s3], $0x80, v5, vm0, $0xb8;
	[tilespmem:$0x15200] =	vst v63  }
0x4d: {  	s14 =	simm.s32 $0x4200  }
0x4e: {  	[tilespmem:s14], [sflag:$0x1] =	stream.indirect_vreg.gather [hbm4b:s7+s3], $0x80, v5, vm0, $0xb8;
	[tilespmem:$0x15200] =	vst v63  }
0x4f: {  	s15 =	simm.s32 $0x4A00  }
0x50: {  	[tilespmem:s15], [sflag:$0x1] =	stream.indirect_vreg.gather [hbm4b:s8+s3], $0x80, v5, vm0, $0xb8;
	[tilespmem:$0x15200] =	vst v63  }
0x51: {  	v5 =	vld [tilespmem:s5+$0x10];
	_ =	sdelay $0x4  }
0x52: {  	vm1 =	vne.s32 v5, $0x1  }
0x53: {  	v5 =	vsel vm1, $0x1, v0  }
0x54: {  	(xrf0) =	vadd.scan.msk.s32 $0xffff, v5;
	_ =	sdelay $0x4  }
0x55: {  	v4 =	vbroadcast v4, $0xF  }
0x56: {  	v5, _, _ =	vpop (xrf0)  }
0x57: {  	v4 =	vadd.s32 v4, v5  }
0x58: {  	v5 =	vadd.s32 $0x1, v4  }
0x59: {  	v5 =	vnsel vm1, $0x1, v5  }
0x5a: {  	v58 =	vshll.u32 v5, $0x3  }
0x5b: {  	v59 =	vand.u32 $0x7, v5;
	v6 =	vand.u32 $0xFFFFFFC0, v58  }
0x5c: {  	v6 =	vor.u32 v59, v6  }
0x5d: {  	v7 =	vperm.xlane v6, v1;
	_ =	sdelay $0x1  }
0x5e: {  	v7 =	vadd.s32 v2, v7;
	_ =	sdelay $0x3  }
0x5f: {  	s19 =	simm.s32 $0x5200;
	[tilespmem:$0x1010] =	vst v5  }
0x60: {  	[tilespmem:s19], [sflag:$0x2] =	stream.indirect_vreg.gather [hbm4b:s1+s3], $0x80, v7, vm0, $0xb8;
	[tilespmem:$0x15200] =	vst v63  }
0x61: {  	s20 =	simm.s32 $0x5A00;
	v5 =	vperm.xlane v6, v3  }
0x62: {  	[tilespmem:s20], [sflag:$0x2] =	stream.indirect_vreg.gather [hbm4b:s6+s3], $0x80, v7, vm0, $0xb8;
	[tilespmem:$0x15200] =	vst v63  }
0x63: {  	s21 =	simm.s32 $0x6200;
	v5 =	vadd.s32 v2, v5  }
0x64: {  	[tilespmem:s21], [sflag:$0x2] =	stream.indirect_vreg.gather [hbm4b:s7+s3], $0x80, v7, vm0, $0xb8;
	[tilespmem:$0x15200] =	vst v63  }
0x65: {  	s22 =	simm.s32 $0x6A00  }
0x66: {  	[tilespmem:s22], [sflag:$0x2] =	stream.indirect_vreg.gather [hbm4b:s8+s3], $0x80, v7, vm0, $0xb8;
	[tilespmem:$0x15200] =	vst v63  }
0x67: {  	s23 =	simm.s32 $0x7200  }
0x68: {  	[tilespmem:s23], [sflag:$0x2] =	stream.indirect_vreg.gather [hbm4b:s1+s3], $0x80, v5, vm0, $0xb8;
	[tilespmem:$0x15200] =	vst v63  }
0x69: {  	s24 =	simm.s32 $0x7A00  }
0x6a: {  	[tilespmem:s24], [sflag:$0x2] =	stream.indirect_vreg.gather [hbm4b:s6+s3], $0x80, v5, vm0, $0xb8;
	[tilespmem:$0x15200] =	vst v63  }
0x6b: {  	s26 =	simm.s32 $0x8200  }
0x6c: {  	[tilespmem:s26], [sflag:$0x2] =	stream.indirect_vreg.gather [hbm4b:s7+s3], $0x80, v5, vm0, $0xb8;
	[tilespmem:$0x15200] =	vst v63  }
0x6d: {  	s28 =	simm.s32 $0x8A00  }
0x6e: {  	[tilespmem:s28], [sflag:$0x2] =	stream.indirect_vreg.gather [hbm4b:s8+s3], $0x80, v5, vm0, $0xb8;
	[tilespmem:$0x15200] =	vst v63  }
0x6f: {  	v5 =	vld [tilespmem:s5+$0x20];
	_ =	sdelay $0x4  }
0x70: {  	vm1 =	vne.s32 v5, $0x1  }
0x71: {  	v5 =	vsel vm1, $0x1, v0  }
0x72: {  	(xrf0) =	vadd.scan.msk.s32 $0xffff, v5;
	_ =	sdelay $0x4  }
0x73: {  	v4 =	vbroadcast v4, $0xF  }
0x74: {  	v5, _, _ =	vpop (xrf0)  }
0x75: {  	v4 =	vadd.s32 v4, v5  }
0x76: {  	v5 =	vadd.s32 $0x1, v4  }
0x77: {  	v5 =	vnsel vm1, $0x1, v5  }
0x78: {  	v60 =	vshll.u32 v5, $0x3  }
0x79: {  	v61 =	vand.u32 $0x7, v5;
	v6 =	vand.u32 $0xFFFFFFC0, v60  }
0x7a: {  	v6 =	vor.u32 v61, v6  }
0x7b: {  	v7 =	vperm.xlane v6, v1;
	_ =	sdelay $0x1  }
0x7c: {  	v7 =	vadd.s32 v2, v7;
	_ =	sdelay $0x3  }
0x7d: {  	s29 =	simm.s32 $0x9200;
	[tilespmem:$0x1020] =	vst v5  }
0x7e: {  	[tilespmem:s29], [sflag:$0x3] =	stream.indirect_vreg.gather [hbm4b:s1+s3], $0x80, v7, vm0, $0xb8;
	[tilespmem:$0x15200] =	vst v63  }
0x7f: {  	s30 =	simm.s32 $0x9A00;
	v5 =	vperm.xlane v6, v3  }
0x80: {  	[tilespmem:s30], [sflag:$0x3] =	stream.indirect_vreg.gather [hbm4b:s6+s3], $0x80, v7, vm0, $0xb8;
	[tilespmem:$0x15200] =	vst v63  }
0x81: {  	s2 =	simm.s32 $0xA200;
	v5 =	vadd.s32 v2, v5  }
0x82: {  	[tilespmem:s2], [sflag:$0x3] =	stream.indirect_vreg.gather [hbm4b:s7+s3], $0x80, v7, vm0, $0xb8;
	[tilespmem:$0x15200] =	vst v63  }
0x83: {  	s10 =	simm.s32 $0xAA00  }
0x84: {  	[tilespmem:s10], [sflag:$0x3] =	stream.indirect_vreg.gather [hbm4b:s8+s3], $0x80, v7, vm0, $0xb8;
	[tilespmem:$0x15200] =	vst v63  }
0x85: {  	s13 =	simm.s32 $0xB200  }
0x86: {  	[tilespmem:s13], [sflag:$0x3] =	stream.indirect_vreg.gather [hbm4b:s1+s3], $0x80, v5, vm0, $0xb8;
	[tilespmem:$0x15200] =	vst v63  }
0x87: {  	s14 =	simm.s32 $0xBA00  }
0x88: {  	[tilespmem:s14], [sflag:$0x3] =	stream.indirect_vreg.gather [hbm4b:s6+s3], $0x80, v5, vm0, $0xb8;
	[tilespmem:$0x15200] =	vst v63  }
0x89: {  	s20 =	simm.s32 $0xC200  }
0x8a: {  	[tilespmem:s20], [sflag:$0x3] =	stream.indirect_vreg.gather [hbm4b:s7+s3], $0x80, v5, vm0, $0xb8;
	[tilespmem:$0x15200] =	vst v63  }
0x8b: {  	s21 =	simm.s32 $0xCA00  }
0x8c: {  	[tilespmem:s21], [sflag:$0x3] =	stream.indirect_vreg.gather [hbm4b:s8+s3], $0x80, v5, vm0, $0xb8;
	[tilespmem:$0x15200] =	vst v63  }
0x8d: {  	v5 =	vld [tilespmem:s5+$0x30];
	_ =	sdelay $0x4  }
0x8e: {  	vm1 =	vne.s32 v5, $0x1  }
0x8f: {  	v5 =	vsel vm1, $0x1, v0  }
0x90: {  	(xrf0) =	vadd.scan.msk.s32 $0xffff, v5;
	_ =	sdelay $0x4  }
0x91: {  	v4 =	vbroadcast v4, $0xF  }
0x92: {  	v5, _, _ =	vpop (xrf0)  }
0x93: {  	v4 =	vadd.s32 v4, v5  }
0x94: {  	v5 =	vadd.s32 $0x1, v4  }
0x95: {  	v5 =	vnsel vm1, $0x1, v5  }
0x96: {  	v62 =	vshll.u32 v5, $0x3  }
0x97: {  	v63 =	vand.u32 $0x7, v5;
	v6 =	vand.u32 $0xFFFFFFC0, v62  }
0x98: {  	v6 =	vor.u32 v63, v6  }
0x99: {  	v7 =	vperm.xlane v6, v1;
	_ =	sdelay $0x1  }
0x9a: {  	v7 =	vadd.s32 v2, v7;
	_ =	sdelay $0x3  }
0x9b: {  	s28 =	simm.s32 $0xD200;
	[tilespmem:$0x1030] =	vst v5  }
0x9c: {  	[tilespmem:s28], [sflag:$0x4] =	stream.indirect_vreg.gather [hbm4b:s1+s3], $0x80, v7, vm0, $0xb8;
	[tilespmem:$0x15200] =	vst v63  }
0x9d: {  	s2 =	simm.s32 $0xDA00;
	v5 =	vperm.xlane v6, v3  }
0x9e: {  	[tilespmem:s2], [sflag:$0x4] =	stream.indirect_vreg.gather [hbm4b:s6+s3], $0x80, v7, vm0, $0xb8;
	[tilespmem:$0x15200] =	vst v63  }
0x9f: {  	s10 =	simm.s32 $0xE200;
	v5 =	vadd.s32 v2, v5  }
0xa0: {  	[tilespmem:s10], [sflag:$0x4] =	stream.indirect_vreg.gather [hbm4b:s7+s3], $0x80, v7, vm0, $0xb8;
	[tilespmem:$0x15200] =	vst v63  }
0xa1: {  	s13 =	simm.s32 $0xEA00  }
0xa2: {  	[tilespmem:s13], [sflag:$0x4] =	stream.indirect_vreg.gather [hbm4b:s8+s3], $0x80, v7, vm0, $0xb8;
	[tilespmem:$0x15200] =	vst v63  }
0xa3: {  	s14 =	simm.s32 $0xF200  }
0xa4: {  	[tilespmem:s14], [sflag:$0x4] =	stream.indirect_vreg.gather [hbm4b:s1+s3], $0x80, v5, vm0, $0xb8;
	[tilespmem:$0x15200] =	vst v63  }
0xa5: {  	s20 =	simm.s32 $0xFA00  }
0xa6: {  	[tilespmem:s20], [sflag:$0x4] =	stream.indirect_vreg.gather [hbm4b:s6+s3], $0x80, v5, vm0, $0xb8;
	[tilespmem:$0x15200] =	vst v63  }
0xa7: {  	s28 =	simm.s32 $0x10200  }
0xa8: {  	[tilespmem:s28], [sflag:$0x4] =	stream.indirect_vreg.gather [hbm4b:s7+s3], $0x80, v5, vm0, $0xb8;
	[tilespmem:$0x15200] =	vst v63  }
0xa9: {  	[smem:$0x7F6] =	sst s0;
	s2 =	simm.s32 $0x10A00  }
0xaa: {  	[tilespmem:s2], [sflag:$0x4] =	stream.indirect_vreg.gather [hbm4b:s8+s3], $0x80, v5, vm0, $0xb8;
	[tilespmem:$0x15200] =	vst v63  }
0xab: {  	_ =	swait.ge [sflag:s11], $0x4000  }
0xac: {  	[sflag:s11] =	ssyncset.done $0x0  }
0xad: {  	s2 =	simm.s32 $0x1200;
	s28 =	rddreg [dreg:$0x5];
	[sflag:s11] =	ssyncadd.s32 $0xFFFFC000  }
0xae: {  	[hbm4b:s28+s3] =	stream.linear.scatter [tilespmem:s2], [sflag:$0x6], $0x4000, $0x38;
	[tilespmem:$0x15200] =	vst v63  }
0xaf: {  	v5 =	vld [tilespmem:s5+$0x40];
	_ =	sdelay $0x4  }
0xb0: {  	vm1 =	vne.s32 v5, $0x1  }
0xb1: {  	v5 =	vsel vm1, $0x1, v0  }
0xb2: {  	(xrf0) =	vadd.scan.msk.s32 $0xffff, v5;
	_ =	sdelay $0x4  }
0xb3: {  	v4 =	vbroadcast v4, $0xF  }
0xb4: {  	v5, _, _ =	vpop (xrf0)  }
0xb5: {  	v4 =	vadd.s32 v4, v5  }
0xb6: {  	v5 =	vadd.s32 $0x1, v4  }
0xb7: {  	v5 =	vnsel vm1, $0x1, v5  }
0xb8: {  	v9 =	vshll.u32 v5, $0x3  }
0xb9: {  	v10 =	vand.u32 $0x7, v5;
	v6 =	vand.u32 $0xFFFFFFC0, v9  }
0xba: {  	v6 =	vor.u32 v10, v6  }
0xbb: {  	v7 =	vperm.xlane v6, v1;
	_ =	sdelay $0x1  }
0xbc: {  	v7 =	vadd.s32 v2, v7;
	_ =	sdelay $0x3  }
0xbd: {  	s10 =	simm.s32 $0x11200;
	[tilespmem:$0x1040] =	vst v5  }
0xbe: {  	[tilespmem:s10], [sflag:$0x5] =	stream.indirect_vreg.gather [hbm4b:s1+s3], $0x80, v7, vm0, $0xb8;
	[tilespmem:$0x15200] =	vst v63  }
0xbf: {  	s13 =	simm.s32 $0x11A00;
	v5 =	vperm.xlane v6, v3  }
0xc0: {  	[tilespmem:s13], [sflag:$0x5] =	stream.indirect_vreg.gather [hbm4b:s6+s3], $0x80, v7, vm0, $0xb8;
	[tilespmem:$0x15200] =	vst v63  }
0xc1: {  	s14 =	simm.s32 $0x12200;
	v5 =	vadd.s32 v2, v5  }
0xc2: {  	[tilespmem:s14], [sflag:$0x5] =	stream.indirect_vreg.gather [hbm4b:s7+s3], $0x80, v7, vm0, $0xb8;
	[tilespmem:$0x15200] =	vst v63  }
0xc3: {  	s20 =	simm.s32 $0x12A00  }
0xc4: {  	[tilespmem:s20], [sflag:$0x5] =	stream.indirect_vreg.gather [hbm4b:s8+s3], $0x80, v7, vm0, $0xb8;
	[tilespmem:$0x15200] =	vst v63  }
0xc5: {  	s28 =	simm.s32 $0x13200  }
0xc6: {  	[tilespmem:s28], [sflag:$0x5] =	stream.indirect_vreg.gather [hbm4b:s1+s3], $0x80, v5, vm0, $0xb8;
	[tilespmem:$0x15200] =	vst v63  }
0xc7: {  	s10 =	simm.s32 $0x13A00  }
0xc8: {  	[tilespmem:s10], [sflag:$0x5] =	stream.indirect_vreg.gather [hbm4b:s6+s3], $0x80, v5, vm0, $0xb8;
	[tilespmem:$0x15200] =	vst v63  }
0xc9: {  	s13 =	simm.s32 $0x14200  }
0xca: {  	[tilespmem:s13], [sflag:$0x5] =	stream.indirect_vreg.gather [hbm4b:s7+s3], $0x80, v5, vm0, $0xb8;
	[tilespmem:$0x15200] =	vst v63  }
0xcb: {  	s14 =	simm.s32 $0x14A00  }
0xcc: {  	[tilespmem:s14], [sflag:$0x5] =	stream.indirect_vreg.gather [hbm4b:s8+s3], $0x80, v5, vm0, $0xb8;
	[tilespmem:$0x15200] =	vst v63  }
0xcd: {  	_ =	swait.ge [sflag:s18], $0x4000  }
0xce: {  	[sflag:s18] =	ssyncset.done $0x0  }
0xcf: {  	s0 =	simm.s32 $0x5200;
	s20 =	rddreg [dreg:$0x6];
	[sflag:s18] =	ssyncadd.s32 $0xFFFFC000  }
0xd0: {  	[hbm4b:s20+s3] =	stream.linear.scatter [tilespmem:s0], [sflag:$0x7], $0x4000, $0x38;
	[tilespmem:$0x15200] =	vst v63  }
0xd1: {  	_ =	swait.ge [sflag:s25], $0x4000  }
0xd2: {  	[sflag:s25] =	ssyncset.done $0x0  }
0xd3: {  	[sflag:s25] =	ssyncadd.s32 $0xFFFFC000  }
0xd4: {  	v5 =	vld [tilespmem:s5+$0x50];
	_ =	sdelay $0x4  }
0xd5: {  	vm1 =	vne.s32 v5, $0x1  }
0xd6: {  	v5 =	vsel vm1, $0x1, v0  }
0xd7: {  	(xrf0) =	vadd.scan.msk.s32 $0xffff, v5;
	_ =	sdelay $0x4  }
0xd8: {  	v4 =	vbroadcast v4, $0xF  }
0xd9: {  	v5, _, _ =	vpop (xrf0)  }
0xda: {  	v4 =	vadd.s32 v4, v5  }
0xdb: {  	v5 =	vadd.s32 $0x1, v4  }
0xdc: {  	v5 =	vnsel vm1, $0x1, v5  }
0xdd: {  	v11 =	vshll.u32 v5, $0x3  }
0xde: {  	v12 =	vand.u32 $0x7, v5;
	v6 =	vand.u32 $0xFFFFFFC0, v11  }
0xdf: {  	v6 =	vor.u32 v12, v6  }
0xe0: {  	v7 =	vperm.xlane v6, v1;
	_ =	sdelay $0x1  }
0xe1: {  	v7 =	vadd.s32 v2, v7;
	_ =	sdelay $0x3  }
0xe2: {  	[tilespmem:$0x1050] =	vst v5  }
0xe3: {  	[tilespmem:s2], [sflag:$0x1] =	stream.indirect_vreg.gather [hbm4b:s1+s3], $0x80, v7, vm0, $0xb8;
	[tilespmem:$0x15200] =	vst v63  }
0xe4: {  	s9 =	simm.s32 $0x1A00;
	v5 =	vperm.xlane v6, v3  }
0xe5: {  	[tilespmem:s9], [sflag:$0x1] =	stream.indirect_vreg.gather [hbm4b:s6+s3], $0x80, v7, vm0, $0xb8;
	[tilespmem:$0x15200] =	vst v63  }
0xe6: {  	s31 =	simm.s32 $0x2200;
	v5 =	vadd.s32 v2, v5  }
0xe7: {  	[tilespmem:s31], [sflag:$0x1] =	stream.indirect_vreg.gather [hbm4b:s7+s3], $0x80, v7, vm0, $0xb8;
	[tilespmem:$0x15200] =	vst v63  }
0xe8: {  	s31 =	simm.s32 $0x2A00  }
0xe9: {  	[tilespmem:s31], [sflag:$0x1] =	stream.indirect_vreg.gather [hbm4b:s8+s3], $0x80, v7, vm0, $0xb8;
	[tilespmem:$0x15200] =	vst v63  }
0xea: {  	s20 =	simm.s32 $0x3200  }
0xeb: {  	[tilespmem:s20], [sflag:$0x1] =	stream.indirect_vreg.gather [hbm4b:s1+s3], $0x80, v5, vm0, $0xb8;
	[tilespmem:$0x15200] =	vst v63  }
0xec: {  	s14 =	simm.s32 $0x3A00  }
0xed: {  	[tilespmem:s14], [sflag:$0x1] =	stream.indirect_vreg.gather [hbm4b:s6+s3], $0x80, v5, vm0, $0xb8;
	[tilespmem:$0x15200] =	vst v63  }
0xee: {  	s10 =	simm.s32 $0x4200  }
0xef: {  	[tilespmem:s10], [sflag:$0x1] =	stream.indirect_vreg.gather [hbm4b:s7+s3], $0x80, v5, vm0, $0xb8;
	[tilespmem:$0x15200] =	vst v63  }
0xf0: {  	s13 =	simm.s32 $0x4A00  }
0xf1: {  	[tilespmem:s13], [sflag:$0x1] =	stream.indirect_vreg.gather [hbm4b:s8+s3], $0x80, v5, vm0, $0xb8;
	[tilespmem:$0x15200] =	vst v63  }
0xf2: {  	_ =	swait.ge [sflag:s17], $0x4000  }
0xf3: {  	[sflag:s17] =	ssyncset.done $0x0  }
0xf4: {  	s9 =	simm.s32 $0x9200;
	s2 =	rddreg [dreg:$0x7];
	[sflag:s17] =	ssyncadd.s32 $0xFFFFC000  }
0xf5: {  	[hbm4b:s2+s3] =	stream.linear.scatter [tilespmem:s9], [sflag:$0x8], $0x4000, $0x38;
	[tilespmem:$0x15200] =	vst v63  }
0xf6: {  	_ =	swait.ge [sflag:s16], $0x4000  }
0xf7: {  	[sflag:s16] =	ssyncset.done $0x0  }
0xf8: {  	[sflag:s16] =	ssyncadd.s32 $0xFFFFC000  }
0xf9: {  	v5 =	vld [tilespmem:s5+$0x60];
	_ =	sdelay $0x4  }
0xfa: {  	vm1 =	vne.s32 v5, $0x1  }
0xfb: {  	v5 =	vsel vm1, $0x1, v0  }
0xfc: {  	(xrf0) =	vadd.scan.msk.s32 $0xffff, v5;
	_ =	sdelay $0x4  }
0xfd: {  	v4 =	vbroadcast v4, $0xF  }
0xfe: {  	v5, _, _ =	vpop (xrf0)  }
0xff: {  	v4 =	vadd.s32 v4, v5  }
0x100: {  	v5 =	vadd.s32 $0x1, v4  }
0x101: {  	v5 =	vnsel vm1, $0x1, v5  }
0x102: {  	v13 =	vshll.u32 v5, $0x3  }
0x103: {  	v14 =	vand.u32 $0x7, v5;
	v6 =	vand.u32 $0xFFFFFFC0, v13  }
0x104: {  	v6 =	vor.u32 v14, v6  }
0x105: {  	v7 =	vperm.xlane v6, v1;
	_ =	sdelay $0x1  }
0x106: {  	v7 =	vadd.s32 v2, v7;
	_ =	sdelay $0x3  }
0x107: {  	[tilespmem:$0x1060] =	vst v5  }
0x108: {  	[tilespmem:s0], [sflag:$0x2] =	stream.indirect_vreg.gather [hbm4b:s1+s3], $0x80, v7, vm0, $0xb8;
	[tilespmem:$0x15200] =	vst v63  }
0x109: {  	s4 =	simm.s32 $0x5A00;
	v5 =	vperm.xlane v6, v3  }
0x10a: {  	[tilespmem:s4], [sflag:$0x2] =	stream.indirect_vreg.gather [hbm4b:s6+s3], $0x80, v7, vm0, $0xb8;
	[tilespmem:$0x15200] =	vst v63  }
0x10b: {  	v5 =	vadd.s32 v2, v5;
	s4 =	simm.s32 $0x6200  }
0x10c: {  	[tilespmem:s4], [sflag:$0x2] =	stream.indirect_vreg.gather [hbm4b:s7+s3], $0x80, v7, vm0, $0xb8;
	[tilespmem:$0x15200] =	vst v63  }
0x10d: {  	s19 =	simm.s32 $0x6A00  }
0x10e: {  	[tilespmem:s19], [sflag:$0x2] =	stream.indirect_vreg.gather [hbm4b:s8+s3], $0x80, v7, vm0, $0xb8;
	[tilespmem:$0x15200] =	vst v63  }
0x10f: {  	s22 =	simm.s32 $0x7200  }
0x110: {  	[tilespmem:s22], [sflag:$0x2] =	stream.indirect_vreg.gather [hbm4b:s1+s3], $0x80, v5, vm0, $0xb8;
	[tilespmem:$0x15200] =	vst v63  }
0x111: {  	s28 =	simm.s32 $0x7A00  }
0x112: {  	[tilespmem:s28], [sflag:$0x2] =	stream.indirect_vreg.gather [hbm4b:s6+s3], $0x80, v5, vm0, $0xb8;
	[tilespmem:$0x15200] =	vst v63  }
0x113: {  	s2 =	simm.s32 $0x8200  }
0x114: {  	[tilespmem:s2], [sflag:$0x2] =	stream.indirect_vreg.gather [hbm4b:s7+s3], $0x80, v5, vm0, $0xb8;
	[tilespmem:$0x15200] =	vst v63  }
0x115: {  	s12 =	simm.s32 $0x8A00;
	s22 =	simm.s32 $0x4  }
0x116: {  	[tilespmem:s12], [sflag:$0x2] =	stream.indirect_vreg.gather [hbm4b:s8+s3], $0x80, v5, vm0, $0xb8;
	[tilespmem:$0x15200] =	vst v63  }
0x117: {  	_ =	swait.ge [sflag:s22], $0x4000  }
0x118: {  	s19 =	simm.s32 $0x8;
	[sflag:s22] =	ssyncset.done $0x0  }
0x119: {  	s12 =	simm.s32 $0xD200;
	s4 =	rddreg [dreg:$0x8];
	[sflag:s22] =	ssyncadd.s32 $0xFFFFC000  }
0x11a: {  	[hbm4b:s4+s3] =	stream.linear.scatter [tilespmem:s12], [sflag:$0x9], $0x4000, $0x38;
	[tilespmem:$0x15200] =	vst v63  }
0x11b: {  	_ =	swait.ge [sflag:s19], $0x4000  }
0x11c: {  	[sflag:s19] =	ssyncset.done $0x0  }
0x11d: {  	[sflag:s19] =	ssyncadd.s32 $0xFFFFC000  }
0x11e: {  	v5 =	vld [tilespmem:s5+$0x70];
	_ =	sdelay $0x4  }
0x11f: {  	vm1 =	vne.s32 v5, $0x1  }
0x120: {  	v5 =	vsel vm1, $0x1, v0  }
0x121: {  	(xrf0) =	vadd.scan.msk.s32 $0xffff, v5;
	_ =	sdelay $0x4  }
0x122: {  	v4 =	vbroadcast v4, $0xF  }
0x123: {  	v5, _, _ =	vpop (xrf0)  }
0x124: {  	v4 =	vadd.s32 v4, v5  }
0x125: {  	v5 =	vadd.s32 $0x1, v4  }
0x126: {  	v5 =	vnsel vm1, $0x1, v5  }
0x127: {  	v15 =	vshll.u32 v5, $0x3  }
0x128: {  	v16 =	vand.u32 $0x7, v5;
	v6 =	vand.u32 $0xFFFFFFC0, v15  }
0x129: {  	v6 =	vor.u32 v16, v6  }
0x12a: {  	v7 =	vperm.xlane v6, v1;
	_ =	sdelay $0x1  }
0x12b: {  	v7 =	vadd.s32 v2, v7;
	_ =	sdelay $0x3  }
0x12c: {  	[tilespmem:$0x1070] =	vst v5  }
0x12d: {  	[tilespmem:s9], [sflag:$0x3] =	stream.indirect_vreg.gather [hbm4b:s1+s3], $0x80, v7, vm0, $0xb8;
	[tilespmem:$0x15200] =	vst v63  }
0x12e: {  	s15 =	simm.s32 $0x9A00;
	v5 =	vperm.xlane v6, v3  }
0x12f: {  	[tilespmem:s15], [sflag:$0x3] =	stream.indirect_vreg.gather [hbm4b:s6+s3], $0x80, v7, vm0, $0xb8;
	[tilespmem:$0x15200] =	vst v63  }
0x130: {  	s23 =	simm.s32 $0xA200;
	v5 =	vadd.s32 v2, v5  }
0x131: {  	[tilespmem:s23], [sflag:$0x3] =	stream.indirect_vreg.gather [hbm4b:s7+s3], $0x80, v7, vm0, $0xb8;
	[tilespmem:$0x15200] =	vst v63  }
0x132: {  	s24 =	simm.s32 $0xAA00  }
0x133: {  	[tilespmem:s24], [sflag:$0x3] =	stream.indirect_vreg.gather [hbm4b:s8+s3], $0x80, v7, vm0, $0xb8;
	[tilespmem:$0x15200] =	vst v63  }
0x134: {  	s29 =	simm.s32 $0xB200  }
0x135: {  	[tilespmem:s29], [sflag:$0x3] =	stream.indirect_vreg.gather [hbm4b:s1+s3], $0x80, v5, vm0, $0xb8;
	[tilespmem:$0x15200] =	vst v63  }
0x136: {  	s30 =	simm.s32 $0xBA00  }
0x137: {  	[tilespmem:s30], [sflag:$0x3] =	stream.indirect_vreg.gather [hbm4b:s6+s3], $0x80, v5, vm0, $0xb8;
	[tilespmem:$0x15200] =	vst v63  }
0x138: {  	s26 =	simm.s32 $0xC200  }
0x139: {  	[tilespmem:s26], [sflag:$0x3] =	stream.indirect_vreg.gather [hbm4b:s7+s3], $0x80, v5, vm0, $0xb8;
	[tilespmem:$0x15200] =	vst v63  }
0x13a: {  	s21 =	simm.s32 $0xCA00;
	s23 =	simm.s32 $0x5  }
0x13b: {  	[tilespmem:s21], [sflag:$0x3] =	stream.indirect_vreg.gather [hbm4b:s8+s3], $0x80, v5, vm0, $0xb8;
	[tilespmem:$0x15200] =	vst v63  }
0x13c: {  	_ =	swait.ge [sflag:s23], $0x4000  }
0x13d: {  	s9 =	simm.s32 $0x11200;
	[sflag:s23] =	ssyncset.done $0x0  }
0x13e: {  	s24 =	simm.s32 $0x9;
	s26 =	rddreg [dreg:$0x9];
	[sflag:s23] =	ssyncadd.s32 $0xFFFFC000  }
0x13f: {  	[hbm4b:s26+s3] =	stream.linear.scatter [tilespmem:s9], [sflag:$0xA], $0x4000, $0x38;
	[tilespmem:$0x15200] =	vst v63  }
0x140: {  	_ =	swait.ge [sflag:s24], $0x4000  }
0x141: {  	[sflag:s24] =	ssyncset.done $0x0  }
0x142: {  	[sflag:s24] =	ssyncadd.s32 $0xFFFFC000  }
0x143: {  	v5 =	vld [tilespmem:s5+$0x80];
	_ =	sdelay $0x4  }
0x144: {  	vm1 =	vne.s32 v5, $0x1  }
0x145: {  	v5 =	vsel vm1, $0x1, v0  }
0x146: {  	(xrf0) =	vadd.scan.msk.s32 $0xffff, v5;
	_ =	sdelay $0x4  }
0x147: {  	v4 =	vbroadcast v4, $0xF  }
0x148: {  	v5, _, _ =	vpop (xrf0)  }
0x149: {  	v4 =	vadd.s32 v4, v5  }
0x14a: {  	v5 =	vadd.s32 $0x1, v4  }
0x14b: {  	v5 =	vnsel vm1, $0x1, v5  }
0x14c: {  	v17 =	vshll.u32 v5, $0x3  }
0x14d: {  	v18 =	vand.u32 $0x7, v5;
	v6 =	vand.u32 $0xFFFFFFC0, v17  }
0x14e: {  	v6 =	vor.u32 v18, v6  }
0x14f: {  	v7 =	vperm.xlane v6, v1;
	_ =	sdelay $0x1  }
0x150: {  	v7 =	vadd.s32 v2, v7;
	_ =	sdelay $0x3  }
0x151: {  	[tilespmem:$0x1080] =	vst v5  }
0x152: {  	[tilespmem:s12], [sflag:$0x4] =	stream.indirect_vreg.gather [hbm4b:s1+s3], $0x80, v7, vm0, $0xb8;
	[tilespmem:$0x15200] =	vst v63  }
0x153: {  	s29 =	simm.s32 $0xDA00;
	v5 =	vperm.xlane v6, v3  }
0x154: {  	[tilespmem:s29], [sflag:$0x4] =	stream.indirect_vreg.gather [hbm4b:s6+s3], $0x80, v7, vm0, $0xb8;
	[tilespmem:$0x15200] =	vst v63  }
0x155: {  	s30 =	simm.s32 $0xE200;
	v5 =	vadd.s32 v2, v5  }
0x156: {  	[tilespmem:s30], [sflag:$0x4] =	stream.indirect_vreg.gather [hbm4b:s7+s3], $0x80, v7, vm0, $0xb8;
	[tilespmem:$0x15200] =	vst v63  }
0x157: {  	s2 =	simm.s32 $0xEA00  }
0x158: {  	[tilespmem:s2], [sflag:$0x4] =	stream.indirect_vreg.gather [hbm4b:s8+s3], $0x80, v7, vm0, $0xb8;
	[tilespmem:$0x15200] =	vst v63  }
0x159: {  	s4 =	simm.s32 $0xF200  }
0x15a: {  	[tilespmem:s4], [sflag:$0x4] =	stream.indirect_vreg.gather [hbm4b:s1+s3], $0x80, v5, vm0, $0xb8;
	[tilespmem:$0x15200] =	vst v63  }
0x15b: {  	s12 =	simm.s32 $0xFA00  }
0x15c: {  	[tilespmem:s12], [sflag:$0x4] =	stream.indirect_vreg.gather [hbm4b:s6+s3], $0x80, v5, vm0, $0xb8;
	[tilespmem:$0x15200] =	vst v63  }
0x15d: {  	s15 =	simm.s32 $0x10200  }
0x15e: {  	[tilespmem:s15], [sflag:$0x4] =	stream.indirect_vreg.gather [hbm4b:s7+s3], $0x80, v5, vm0, $0xb8;
	[tilespmem:$0x15200] =	vst v63  }
0x15f: {  	s21 =	simm.s32 $0x10A00  }
0x160: {  	[tilespmem:s21], [sflag:$0x4] =	stream.indirect_vreg.gather [hbm4b:s8+s3], $0x80, v5, vm0, $0xb8;
	[tilespmem:$0x15200] =	vst v63  }
0x161: {  	_ =	swait.ge [sflag:s11], $0x4000  }
0x162: {  	s0 =	simm.s32 $0x1200;
	[sflag:s11] =	ssyncset.done $0x0  }
0x163: {  	s2 =	simm.s32 $0xA;
	s26 =	rddreg [dreg:$0xa];
	[sflag:s11] =	ssyncadd.s32 $0xFFFFC000  }
0x164: {  	[hbm4b:s26+s3] =	stream.linear.scatter [tilespmem:s0], [sflag:$0x6], $0x4000, $0x38;
	[tilespmem:$0x15200] =	vst v63  }
0x165: {  	_ =	swait.ge [sflag:s2], $0x4000  }
0x166: {  	[sflag:s2] =	ssyncset.done $0x0  }
0x167: {  	[sflag:s2] =	ssyncadd.s32 $0xFFFFC000  }
0x168: {  	v5 =	vld [tilespmem:s5+$0x90];
	_ =	sdelay $0x4  }
0x169: {  	vm1 =	vne.s32 v5, $0x1  }
0x16a: {  	v5 =	vsel vm1, $0x1, v0  }
0x16b: {  	(xrf0) =	vadd.scan.msk.s32 $0xffff, v5;
	_ =	sdelay $0x4  }
0x16c: {  	v4 =	vbroadcast v4, $0xF  }
0x16d: {  	v5, _, _ =	vpop (xrf0)  }
0x16e: {  	v4 =	vadd.s32 v4, v5  }
0x16f: {  	v5 =	vadd.s32 $0x1, v4  }
0x170: {  	v5 =	vnsel vm1, $0x1, v5  }
0x171: {  	v19 =	vshll.u32 v5, $0x3  }
0x172: {  	v20 =	vand.u32 $0x7, v5;
	v6 =	vand.u32 $0xFFFFFFC0, v19  }
0x173: {  	v6 =	vor.u32 v20, v6  }
0x174: {  	v7 =	vperm.xlane v6, v1;
	_ =	sdelay $0x1  }
0x175: {  	v7 =	vadd.s32 v2, v7;
	_ =	sdelay $0x3  }
0x176: {  	[tilespmem:$0x1090] =	vst v5  }
0x177: {  	[tilespmem:s9], [sflag:$0x5] =	stream.indirect_vreg.gather [hbm4b:s1+s3], $0x80, v7, vm0, $0xb8;
	[tilespmem:$0x15200] =	vst v63  }
0x178: {  	s29 =	simm.s32 $0x11A00;
	v5 =	vperm.xlane v6, v3  }
0x179: {  	[tilespmem:s29], [sflag:$0x5] =	stream.indirect_vreg.gather [hbm4b:s6+s3], $0x80, v7, vm0, $0xb8;
	[tilespmem:$0x15200] =	vst v63  }
0x17a: {  	s30 =	simm.s32 $0x12200;
	v5 =	vadd.s32 v2, v5  }
0x17b: {  	[tilespmem:s30], [sflag:$0x5] =	stream.indirect_vreg.gather [hbm4b:s7+s3], $0x80, v7, vm0, $0xb8;
	[tilespmem:$0x15200] =	vst v63  }
0x17c: {  	s9 =	simm.s32 $0x12A00  }
0x17d: {  	[tilespmem:s9], [sflag:$0x5] =	stream.indirect_vreg.gather [hbm4b:s8+s3], $0x80, v7, vm0, $0xb8;
	[tilespmem:$0x15200] =	vst v63  }
0x17e: {  	s21 =	simm.s32 $0x13200  }
0x17f: {  	[tilespmem:s21], [sflag:$0x5] =	stream.indirect_vreg.gather [hbm4b:s1+s3], $0x80, v5, vm0, $0xb8;
	[tilespmem:$0x15200] =	vst v63  }
0x180: {  	s29 =	simm.s32 $0x13A00  }
0x181: {  	[tilespmem:s29], [sflag:$0x5] =	stream.indirect_vreg.gather [hbm4b:s6+s3], $0x80, v5, vm0, $0xb8;
	[tilespmem:$0x15200] =	vst v63  }
0x182: {  	s12 =	simm.s32 $0x14200  }
0x183: {  	[tilespmem:s12], [sflag:$0x5] =	stream.indirect_vreg.gather [hbm4b:s7+s3], $0x80, v5, vm0, $0xb8;
	[tilespmem:$0x15200] =	vst v63  }
0x184: {  	s30 =	simm.s32 $0x14A00  }
0x185: {  	[tilespmem:s30], [sflag:$0x5] =	stream.indirect_vreg.gather [hbm4b:s8+s3], $0x80, v5, vm0, $0xb8;
	[tilespmem:$0x15200] =	vst v63  }
0x186: {  	_ =	swait.ge [sflag:s18], $0x4000  }
0x187: {  	[sflag:s18] =	ssyncset.done $0x0  }
0x188: {  	s26 =	simm.s32 $0x5200;
	s15 =	rddreg [dreg:$0xb];
	[sflag:s18] =	ssyncadd.s32 $0xFFFFC000  }
0x189: {  	[hbm4b:s15+s3] =	stream.linear.scatter [tilespmem:s26], [sflag:$0x7], $0x4000, $0x38;
	[tilespmem:$0x15200] =	vst v63  }
0x18a: {  	_ =	swait.ge [sflag:s25], $0x4000  }
0x18b: {  	[sflag:s25] =	ssyncset.done $0x0  }
0x18c: {  	[sflag:s25] =	ssyncadd.s32 $0xFFFFC000  }
0x18d: {  	v5 =	vld [tilespmem:s5+$0xA0];
	_ =	sdelay $0x4  }
0x18e: {  	vm1 =	vne.s32 v5, $0x1  }
0x18f: {  	v5 =	vsel vm1, $0x1, v0  }
0x190: {  	(xrf0) =	vadd.scan.msk.s32 $0xffff, v5;
	_ =	sdelay $0x4  }
0x191: {  	v4 =	vbroadcast v4, $0xF  }
0x192: {  	v5, _, _ =	vpop (xrf0)  }
0x193: {  	v4 =	vadd.s32 v4, v5  }
0x194: {  	v5 =	vadd.s32 $0x1, v4  }
0x195: {  	v5 =	vnsel vm1, $0x1, v5  }
0x196: {  	v21 =	vshll.u32 v5, $0x3  }
0x197: {  	v22 =	vand.u32 $0x7, v5;
	v6 =	vand.u32 $0xFFFFFFC0, v21  }
0x198: {  	v6 =	vor.u32 v22, v6  }
0x199: {  	v7 =	vperm.xlane v6, v1;
	_ =	sdelay $0x1  }
0x19a: {  	v7 =	vadd.s32 v2, v7;
	_ =	sdelay $0x3  }
0x19b: {  	[tilespmem:$0x10A0] =	vst v5  }
0x19c: {  	[tilespmem:s0], [sflag:$0x1] =	stream.indirect_vreg.gather [hbm4b:s1+s3], $0x80, v7, vm0, $0xb8;
	[tilespmem:$0x15200] =	vst v63  }
0x19d: {  	s12 =	simm.s32 $0x1A00;
	v5 =	vperm.xlane v6, v3  }
0x19e: {  	[tilespmem:s12], [sflag:$0x1] =	stream.indirect_vreg.gather [hbm4b:s6+s3], $0x80, v7, vm0, $0xb8;
	[tilespmem:$0x15200] =	vst v63  }
0x19f: {  	s15 =	simm.s32 $0x2200;
	v5 =	vadd.s32 v2, v5  }
0x1a0: {  	[tilespmem:s15], [sflag:$0x1] =	stream.indirect_vreg.gather [hbm4b:s7+s3], $0x80, v7, vm0, $0xb8;
	[tilespmem:$0x15200] =	vst v63  }
0x1a1: {  	_ = 	snop  }
0x1a2: {  	[tilespmem:s31], [sflag:$0x1] =	stream.indirect_vreg.gather [hbm4b:s8+s3], $0x80, v7, vm0, $0xb8;
	[tilespmem:$0x15200] =	vst v63  }
0x1a3: {  	_ = 	snop  }
0x1a4: {  	[tilespmem:s20], [sflag:$0x1] =	stream.indirect_vreg.gather [hbm4b:s1+s3], $0x80, v5, vm0, $0xb8;
	[tilespmem:$0x15200] =	vst v63  }
0x1a5: {  	_ = 	snop  }
0x1a6: {  	[tilespmem:s14], [sflag:$0x1] =	stream.indirect_vreg.gather [hbm4b:s6+s3], $0x80, v5, vm0, $0xb8;
	[tilespmem:$0x15200] =	vst v63  }
0x1a7: {  	_ = 	snop  }
0x1a8: {  	[tilespmem:s10], [sflag:$0x1] =	stream.indirect_vreg.gather [hbm4b:s7+s3], $0x80, v5, vm0, $0xb8;
	[tilespmem:$0x15200] =	vst v63  }
0x1a9: {  	_ = 	snop  }
0x1aa: {  	[tilespmem:s13], [sflag:$0x1] =	stream.indirect_vreg.gather [hbm4b:s8+s3], $0x80, v5, vm0, $0xb8;
	[tilespmem:$0x15200] =	vst v63  }
0x1ab: {  	_ =	swait.ge [sflag:s17], $0x4000  }
0x1ac: {  	[sflag:s17] =	ssyncset.done $0x0  }
0x1ad: {  	s9 =	simm.s32 $0x9200;
	s14 =	rddreg [dreg:$0xc];
	[sflag:s17] =	ssyncadd.s32 $0xFFFFC000  }
0x1ae: {  	[hbm4b:s14+s3] =	stream.linear.scatter [tilespmem:s9], [sflag:$0x8], $0x4000, $0x38;
	[tilespmem:$0x15200] =	vst v63  }
0x1af: {  	_ =	swait.ge [sflag:s16], $0x4000  }
0x1b0: {  	[sflag:s16] =	ssyncset.done $0x0  }
0x1b1: {  	[sflag:s16] =	ssyncadd.s32 $0xFFFFC000  }
0x1b2: {  	v5 =	vld [tilespmem:s5+$0xB0];
	_ =	sdelay $0x4  }
0x1b3: {  	vm1 =	vne.s32 v5, $0x1  }
0x1b4: {  	v5 =	vsel vm1, $0x1, v0  }
0x1b5: {  	(xrf0) =	vadd.scan.msk.s32 $0xffff, v5;
	_ =	sdelay $0x4  }
0x1b6: {  	v4 =	vbroadcast v4, $0xF  }
0x1b7: {  	v5, _, _ =	vpop (xrf0)  }
0x1b8: {  	v4 =	vadd.s32 v4, v5  }
0x1b9: {  	v5 =	vadd.s32 $0x1, v4  }
0x1ba: {  	v5 =	vnsel vm1, $0x1, v5  }
0x1bb: {  	v23 =	vshll.u32 v5, $0x3  }
0x1bc: {  	v24 =	vand.u32 $0x7, v5;
	v6 =	vand.u32 $0xFFFFFFC0, v23  }
0x1bd: {  	v6 =	vor.u32 v24, v6  }
0x1be: {  	v7 =	vperm.xlane v6, v1;
	_ =	sdelay $0x1  }
0x1bf: {  	v7 =	vadd.s32 v2, v7;
	_ =	sdelay $0x3  }
0x1c0: {  	[tilespmem:$0x10B0] =	vst v5  }
0x1c1: {  	[tilespmem:s26], [sflag:$0x2] =	stream.indirect_vreg.gather [hbm4b:s1+s3], $0x80, v7, vm0, $0xb8;
	[tilespmem:$0x15200] =	vst v63  }
0x1c2: {  	v5 =	vperm.xlane v6, v3;
	s26 =	simm.s32 $0x5A00  }
0x1c3: {  	[tilespmem:s26], [sflag:$0x2] =	stream.indirect_vreg.gather [hbm4b:s6+s3], $0x80, v7, vm0, $0xb8;
	[tilespmem:$0x15200] =	vst v63  }
0x1c4: {  	s20 =	simm.s32 $0x6200;
	v5 =	vadd.s32 v2, v5  }
0x1c5: {  	[tilespmem:s20], [sflag:$0x2] =	stream.indirect_vreg.gather [hbm4b:s7+s3], $0x80, v7, vm0, $0xb8;
	[tilespmem:$0x15200] =	vst v63  }
0x1c6: {  	s13 =	simm.s32 $0x6A00  }
0x1c7: {  	[tilespmem:s13], [sflag:$0x2] =	stream.indirect_vreg.gather [hbm4b:s8+s3], $0x80, v7, vm0, $0xb8;
	[tilespmem:$0x15200] =	vst v63  }
0x1c8: {  	s14 =	simm.s32 $0x7200  }
0x1c9: {  	[tilespmem:s14], [sflag:$0x2] =	stream.indirect_vreg.gather [hbm4b:s1+s3], $0x80, v5, vm0, $0xb8;
	[tilespmem:$0x15200] =	vst v63  }
0x1ca: {  	s28 =	simm.s32 $0x7A00  }
0x1cb: {  	[tilespmem:s28], [sflag:$0x2] =	stream.indirect_vreg.gather [hbm4b:s6+s3], $0x80, v5, vm0, $0xb8;
	[tilespmem:$0x15200] =	vst v63  }
0x1cc: {  	s31 =	simm.s32 $0x8200  }
0x1cd: {  	[tilespmem:s31], [sflag:$0x2] =	stream.indirect_vreg.gather [hbm4b:s7+s3], $0x80, v5, vm0, $0xb8;
	[tilespmem:$0x15200] =	vst v63  }
0x1ce: {  	s20 =	simm.s32 $0x8A00  }
0x1cf: {  	[tilespmem:s20], [sflag:$0x2] =	stream.indirect_vreg.gather [hbm4b:s8+s3], $0x80, v5, vm0, $0xb8;
	[tilespmem:$0x15200] =	vst v63  }
0x1d0: {  	_ =	swait.ge [sflag:s22], $0x4000  }
0x1d1: {  	[sflag:s22] =	ssyncset.done $0x0  }
0x1d2: {  	s10 =	simm.s32 $0xD200;
	s12 =	rddreg [dreg:$0xd];
	[sflag:s22] =	ssyncadd.s32 $0xFFFFC000  }
0x1d3: {  	[hbm4b:s12+s3] =	stream.linear.scatter [tilespmem:s10], [sflag:$0x9], $0x4000, $0x38;
	[tilespmem:$0x15200] =	vst v63  }
0x1d4: {  	_ =	swait.ge [sflag:s19], $0x4000  }
0x1d5: {  	[sflag:s19] =	ssyncset.done $0x0  }
0x1d6: {  	[sflag:s19] =	ssyncadd.s32 $0xFFFFC000  }
0x1d7: {  	v5 =	vld [tilespmem:s5+$0xC0];
	_ =	sdelay $0x4  }
0x1d8: {  	vm1 =	vne.s32 v5, $0x1  }
0x1d9: {  	v5 =	vsel vm1, $0x1, v0  }
0x1da: {  	(xrf0) =	vadd.scan.msk.s32 $0xffff, v5;
	_ =	sdelay $0x4  }
0x1db: {  	v4 =	vbroadcast v4, $0xF  }
0x1dc: {  	v5, _, _ =	vpop (xrf0)  }
0x1dd: {  	v4 =	vadd.s32 v4, v5  }
0x1de: {  	v5 =	vadd.s32 $0x1, v4  }
0x1df: {  	v5 =	vnsel vm1, $0x1, v5  }
0x1e0: {  	v25 =	vshll.u32 v5, $0x3  }
0x1e1: {  	v26 =	vand.u32 $0x7, v5;
	v6 =	vand.u32 $0xFFFFFFC0, v25  }
0x1e2: {  	v6 =	vor.u32 v26, v6  }
0x1e3: {  	v7 =	vperm.xlane v6, v1;
	_ =	sdelay $0x1  }
0x1e4: {  	v7 =	vadd.s32 v2, v7;
	_ =	sdelay $0x3  }
0x1e5: {  	[tilespmem:$0x10C0] =	vst v5  }
0x1e6: {  	[tilespmem:s9], [sflag:$0x3] =	stream.indirect_vreg.gather [hbm4b:s1+s3], $0x80, v7, vm0, $0xb8;
	[tilespmem:$0x15200] =	vst v63  }
0x1e7: {  	s28 =	simm.s32 $0x9A00;
	v5 =	vperm.xlane v6, v3  }
0x1e8: {  	[tilespmem:s28], [sflag:$0x3] =	stream.indirect_vreg.gather [hbm4b:s6+s3], $0x80, v7, vm0, $0xb8;
	[tilespmem:$0x15200] =	vst v63  }
0x1e9: {  	s31 =	simm.s32 $0xA200;
	v5 =	vadd.s32 v2, v5  }
0x1ea: {  	[tilespmem:s31], [sflag:$0x3] =	stream.indirect_vreg.gather [hbm4b:s7+s3], $0x80, v7, vm0, $0xb8;
	[tilespmem:$0x15200] =	vst v63  }
0x1eb: {  	s28 =	simm.s32 $0xAA00  }
0x1ec: {  	[tilespmem:s28], [sflag:$0x3] =	stream.indirect_vreg.gather [hbm4b:s8+s3], $0x80, v7, vm0, $0xb8;
	[tilespmem:$0x15200] =	vst v63  }
0x1ed: {  	s31 =	simm.s32 $0xB200  }
0x1ee: {  	[tilespmem:s31], [sflag:$0x3] =	stream.indirect_vreg.gather [hbm4b:s1+s3], $0x80, v5, vm0, $0xb8;
	[tilespmem:$0x15200] =	vst v63  }
0x1ef: {  	s28 =	simm.s32 $0xBA00  }
0x1f0: {  	[tilespmem:s28], [sflag:$0x3] =	stream.indirect_vreg.gather [hbm4b:s6+s3], $0x80, v5, vm0, $0xb8;
	[tilespmem:$0x15200] =	vst v63  }
0x1f1: {  	s31 =	simm.s32 $0xC200  }
0x1f2: {  	[tilespmem:s31], [sflag:$0x3] =	stream.indirect_vreg.gather [hbm4b:s7+s3], $0x80, v5, vm0, $0xb8;
	[tilespmem:$0x15200] =	vst v63  }
0x1f3: {  	s28 =	simm.s32 $0xCA00  }
0x1f4: {  	[tilespmem:s28], [sflag:$0x3] =	stream.indirect_vreg.gather [hbm4b:s8+s3], $0x80, v5, vm0, $0xb8;
	[tilespmem:$0x15200] =	vst v63  }
0x1f5: {  	_ =	swait.ge [sflag:s23], $0x4000  }
0x1f6: {  	[sflag:s23] =	ssyncset.done $0x0  }
0x1f7: {  	s12 =	simm.s32 $0x11200;
	s31 =	rddreg [dreg:$0xe];
	[sflag:s23] =	ssyncadd.s32 $0xFFFFC000  }
0x1f8: {  	[hbm4b:s31+s3] =	stream.linear.scatter [tilespmem:s12], [sflag:$0xA], $0x4000, $0x38;
	[tilespmem:$0x15200] =	vst v63  }
0x1f9: {  	_ =	swait.ge [sflag:s24], $0x4000  }
0x1fa: {  	[sflag:s24] =	ssyncset.done $0x0  }
0x1fb: {  	[sflag:s24] =	ssyncadd.s32 $0xFFFFC000  }
0x1fc: {  	v5 =	vld [tilespmem:s5+$0xD0];
	_ =	sdelay $0x4  }
0x1fd: {  	vm1 =	vne.s32 v5, $0x1  }
0x1fe: {  	v5 =	vsel vm1, $0x1, v0  }
0x1ff: {  	(xrf0) =	vadd.scan.msk.s32 $0xffff, v5;
	_ =	sdelay $0x4  }
0x200: {  	v4 =	vbroadcast v4, $0xF  }
0x201: {  	v5, _, _ =	vpop (xrf0)  }
0x202: {  	v4 =	vadd.s32 v4, v5  }
0x203: {  	v5 =	vadd.s32 $0x1, v4  }
0x204: {  	v5 =	vnsel vm1, $0x1, v5  }
0x205: {  	v27 =	vshll.u32 v5, $0x3  }
0x206: {  	v28 =	vand.u32 $0x7, v5;
	v6 =	vand.u32 $0xFFFFFFC0, v27  }
0x207: {  	v6 =	vor.u32 v28, v6  }
0x208: {  	v7 =	vperm.xlane v6, v1;
	_ =	sdelay $0x1  }
0x209: {  	v7 =	vadd.s32 v2, v7;
	_ =	sdelay $0x3  }
0x20a: {  	[tilespmem:$0x10D0] =	vst v5  }
0x20b: {  	[tilespmem:s10], [sflag:$0x4] =	stream.indirect_vreg.gather [hbm4b:s1+s3], $0x80, v7, vm0, $0xb8;
	[tilespmem:$0x15200] =	vst v63  }
0x20c: {  	s31 =	simm.s32 $0xDA00;
	v5 =	vperm.xlane v6, v3  }
0x20d: {  	[tilespmem:s31], [sflag:$0x4] =	stream.indirect_vreg.gather [hbm4b:s6+s3], $0x80, v7, vm0, $0xb8;
	[tilespmem:$0x15200] =	vst v63  }
0x20e: {  	v5 =	vadd.s32 v2, v5;
	s31 =	simm.s32 $0xE200  }
0x20f: {  	[tilespmem:s31], [sflag:$0x4] =	stream.indirect_vreg.gather [hbm4b:s7+s3], $0x80, v7, vm0, $0xb8;
	[tilespmem:$0x15200] =	vst v63  }
0x210: {  	s31 =	simm.s32 $0xEA00  }
0x211: {  	[tilespmem:s31], [sflag:$0x4] =	stream.indirect_vreg.gather [hbm4b:s8+s3], $0x80, v7, vm0, $0xb8;
	[tilespmem:$0x15200] =	vst v63  }
0x212: {  	s31 =	simm.s32 $0xF200  }
0x213: {  	[tilespmem:s31], [sflag:$0x4] =	stream.indirect_vreg.gather [hbm4b:s1+s3], $0x80, v5, vm0, $0xb8;
	[tilespmem:$0x15200] =	vst v63  }
0x214: {  	s31 =	simm.s32 $0xFA00  }
0x215: {  	[tilespmem:s31], [sflag:$0x4] =	stream.indirect_vreg.gather [hbm4b:s6+s3], $0x80, v5, vm0, $0xb8;
	[tilespmem:$0x15200] =	vst v63  }
0x216: {  	s28 =	simm.s32 $0x10200  }
0x217: {  	[tilespmem:s28], [sflag:$0x4] =	stream.indirect_vreg.gather [hbm4b:s7+s3], $0x80, v5, vm0, $0xb8;
	[tilespmem:$0x15200] =	vst v63  }
0x218: {  	s28 =	simm.s32 $0x10A00  }
0x219: {  	[tilespmem:s28], [sflag:$0x4] =	stream.indirect_vreg.gather [hbm4b:s8+s3], $0x80, v5, vm0, $0xb8;
	[tilespmem:$0x15200] =	vst v63  }
0x21a: {  	_ =	swait.ge [sflag:s11], $0x4000  }
0x21b: {  	[sflag:s11] =	ssyncset.done $0x0  }
0x21c: {  	s0 =	simm.s32 $0x1200;
	s28 =	rddreg [dreg:$0xf];
	[sflag:s11] =	ssyncadd.s32 $0xFFFFC000  }
0x21d: {  	[hbm4b:s28+s3] =	stream.linear.scatter [tilespmem:s0], [sflag:$0x6], $0x4000, $0x38;
	[tilespmem:$0x15200] =	vst v63  }
0x21e: {  	_ =	swait.ge [sflag:s2], $0x4000  }
0x21f: {  	[sflag:s2] =	ssyncset.done $0x0  }
0x220: {  	[sflag:s2] =	ssyncadd.s32 $0xFFFFC000  }
0x221: {  	v5 =	vld [tilespmem:s5+$0xE0];
	_ =	sdelay $0x4  }
0x222: {  	vm1 =	vne.s32 v5, $0x1  }
0x223: {  	v5 =	vsel vm1, $0x1, v0  }
0x224: {  	(xrf0) =	vadd.scan.msk.s32 $0xffff, v5;
	_ =	sdelay $0x4  }
0x225: {  	v4 =	vbroadcast v4, $0xF  }
0x226: {  	v5, _, _ =	vpop (xrf0)  }
0x227: {  	v4 =	vadd.s32 v4, v5  }
0x228: {  	v5 =	vadd.s32 $0x1, v4  }
0x229: {  	v5 =	vnsel vm1, $0x1, v5  }
0x22a: {  	v29 =	vshll.u32 v5, $0x3  }
0x22b: {  	v30 =	vand.u32 $0x7, v5;
	v6 =	vand.u32 $0xFFFFFFC0, v29  }
0x22c: {  	v6 =	vor.u32 v30, v6  }
0x22d: {  	v7 =	vperm.xlane v6, v1;
	_ =	sdelay $0x1  }
0x22e: {  	v7 =	vadd.s32 v2, v7;
	_ =	sdelay $0x3  }
0x22f: {  	[tilespmem:$0x10E0] =	vst v5  }
0x230: {  	[tilespmem:s12], [sflag:$0x5] =	stream.indirect_vreg.gather [hbm4b:s1+s3], $0x80, v7, vm0, $0xb8;
	[tilespmem:$0x15200] =	vst v63  }
0x231: {  	s28 =	simm.s32 $0x11A00;
	v5 =	vperm.xlane v6, v3  }
0x232: {  	[tilespmem:s28], [sflag:$0x5] =	stream.indirect_vreg.gather [hbm4b:s6+s3], $0x80, v7, vm0, $0xb8;
	[tilespmem:$0x15200] =	vst v63  }
0x233: {  	v5 =	vadd.s32 v2, v5;
	s28 =	simm.s32 $0x12200  }
0x234: {  	[tilespmem:s28], [sflag:$0x5] =	stream.indirect_vreg.gather [hbm4b:s7+s3], $0x80, v7, vm0, $0xb8;
	[tilespmem:$0x15200] =	vst v63  }
0x235: {  	s28 =	simm.s32 $0x12A00  }
0x236: {  	[tilespmem:s28], [sflag:$0x5] =	stream.indirect_vreg.gather [hbm4b:s8+s3], $0x80, v7, vm0, $0xb8;
	[tilespmem:$0x15200] =	vst v63  }
0x237: {  	_ = 	snop  }
0x238: {  	[tilespmem:s21], [sflag:$0x5] =	stream.indirect_vreg.gather [hbm4b:s1+s3], $0x80, v5, vm0, $0xb8;
	[tilespmem:$0x15200] =	vst v63  }
0x239: {  	_ = 	snop  }
0x23a: {  	[tilespmem:s29], [sflag:$0x5] =	stream.indirect_vreg.gather [hbm4b:s6+s3], $0x80, v5, vm0, $0xb8;
	[tilespmem:$0x15200] =	vst v63  }
0x23b: {  	s29 =	simm.s32 $0x14200  }
0x23c: {  	[tilespmem:s29], [sflag:$0x5] =	stream.indirect_vreg.gather [hbm4b:s7+s3], $0x80, v5, vm0, $0xb8;
	[tilespmem:$0x15200] =	vst v63  }
0x23d: {  	_ = 	snop  }
0x23e: {  	[tilespmem:s30], [sflag:$0x5] =	stream.indirect_vreg.gather [hbm4b:s8+s3], $0x80, v5, vm0, $0xb8;
	[tilespmem:$0x15200] =	vst v63  }
0x23f: {  	_ =	swait.ge [sflag:s18], $0x4000  }
0x240: {  	[sflag:s18] =	ssyncset.done $0x0  }
0x241: {  	s4 =	simm.s32 $0x5200;
	s21 =	rddreg [dreg:$0x10];
	[sflag:s18] =	ssyncadd.s32 $0xFFFFC000  }
0x242: {  	[hbm4b:s21+s3] =	stream.linear.scatter [tilespmem:s4], [sflag:$0x7], $0x4000, $0x38;
	[tilespmem:$0x15200] =	vst v63  }
0x243: {  	_ =	swait.ge [sflag:s25], $0x4000  }
0x244: {  	[sflag:s25] =	ssyncset.done $0x0  }
0x245: {  	[sflag:s25] =	ssyncadd.s32 $0xFFFFC000  }
0x246: {  	v5 =	vld [tilespmem:s5+$0xF0];
	_ =	sdelay $0x4  }
0x247: {  	vm1 =	vne.s32 v5, $0x1  }
0x248: {  	v5 =	vsel vm1, $0x1, v0  }
0x249: {  	(xrf0) =	vadd.scan.msk.s32 $0xffff, v5;
	_ =	sdelay $0x4  }
0x24a: {  	v4 =	vbroadcast v4, $0xF  }
0x24b: {  	v5, _, _ =	vpop (xrf0)  }
0x24c: {  	v4 =	vadd.s32 v4, v5  }
0x24d: {  	v5 =	vadd.s32 $0x1, v4  }
0x24e: {  	v5 =	vnsel vm1, $0x1, v5  }
0x24f: {  	v31 =	vshll.u32 v5, $0x3  }
0x250: {  	v32 =	vand.u32 $0x7, v5;
	v6 =	vand.u32 $0xFFFFFFC0, v31  }
0x251: {  	v6 =	vor.u32 v32, v6  }
0x252: {  	v7 =	vperm.xlane v6, v1;
	_ =	sdelay $0x1  }
0x253: {  	v7 =	vadd.s32 v2, v7;
	_ =	sdelay $0x3  }
0x254: {  	[tilespmem:$0x10F0] =	vst v5  }
0x255: {  	[tilespmem:s0], [sflag:$0x1] =	stream.indirect_vreg.gather [hbm4b:s1+s3], $0x80, v7, vm0, $0xb8;
	[tilespmem:$0x15200] =	vst v63  }
0x256: {  	s21 =	simm.s32 $0x1A00;
	v5 =	vperm.xlane v6, v3  }
0x257: {  	[tilespmem:s21], [sflag:$0x1] =	stream.indirect_vreg.gather [hbm4b:s6+s3], $0x80, v7, vm0, $0xb8;
	[tilespmem:$0x15200] =	vst v63  }
0x258: {  	v5 =	vadd.s32 v2, v5  }
0x259: {  	[tilespmem:s15], [sflag:$0x1] =	stream.indirect_vreg.gather [hbm4b:s7+s3], $0x80, v7, vm0, $0xb8;
	[tilespmem:$0x15200] =	vst v63  }
0x25a: {  	s29 =	simm.s32 $0x2A00  }
0x25b: {  	[tilespmem:s29], [sflag:$0x1] =	stream.indirect_vreg.gather [hbm4b:s8+s3], $0x80, v7, vm0, $0xb8;
	[tilespmem:$0x15200] =	vst v63  }
0x25c: {  	s30 =	simm.s32 $0x3200  }
0x25d: {  	[tilespmem:s30], [sflag:$0x1] =	stream.indirect_vreg.gather [hbm4b:s1+s3], $0x80, v5, vm0, $0xb8;
	[tilespmem:$0x15200] =	vst v63  }
0x25e: {  	s28 =	simm.s32 $0x3A00  }
0x25f: {  	[tilespmem:s28], [sflag:$0x1] =	stream.indirect_vreg.gather [hbm4b:s6+s3], $0x80, v5, vm0, $0xb8;
	[tilespmem:$0x15200] =	vst v63  }
0x260: {  	s15 =	simm.s32 $0x4200  }
0x261: {  	[tilespmem:s15], [sflag:$0x1] =	stream.indirect_vreg.gather [hbm4b:s7+s3], $0x80, v5, vm0, $0xb8;
	[tilespmem:$0x15200] =	vst v63  }
0x262: {  	s28 =	simm.s32 $0x4A00  }
0x263: {  	[tilespmem:s28], [sflag:$0x1] =	stream.indirect_vreg.gather [hbm4b:s8+s3], $0x80, v5, vm0, $0xb8;
	[tilespmem:$0x15200] =	vst v63  }
0x264: {  	_ =	swait.ge [sflag:s17], $0x4000  }
0x265: {  	[sflag:s17] =	ssyncset.done $0x0  }
0x266: {  	s9 =	simm.s32 $0x9200;
	s15 =	rddreg [dreg:$0x11];
	[sflag:s17] =	ssyncadd.s32 $0xFFFFC000  }
0x267: {  	[hbm4b:s15+s3] =	stream.linear.scatter [tilespmem:s9], [sflag:$0x8], $0x4000, $0x38;
	[tilespmem:$0x15200] =	vst v63  }
0x268: {  	_ =	swait.ge [sflag:s16], $0x4000  }
0x269: {  	[sflag:s16] =	ssyncset.done $0x0  }
0x26a: {  	[sflag:s16] =	ssyncadd.s32 $0xFFFFC000  }
0x26b: {  	v5 =	vld [tilespmem:s5+$0x100];
	_ =	sdelay $0x4  }
0x26c: {  	vm1 =	vne.s32 v5, $0x1  }
0x26d: {  	v5 =	vsel vm1, $0x1, v0  }
0x26e: {  	(xrf0) =	vadd.scan.msk.s32 $0xffff, v5;
	_ =	sdelay $0x4  }
0x26f: {  	v4 =	vbroadcast v4, $0xF  }
0x270: {  	v5, _, _ =	vpop (xrf0)  }
0x271: {  	v4 =	vadd.s32 v4, v5  }
0x272: {  	v5 =	vadd.s32 $0x1, v4  }
0x273: {  	v5 =	vnsel vm1, $0x1, v5  }
0x274: {  	v33 =	vshll.u32 v5, $0x3  }
0x275: {  	v34 =	vand.u32 $0x7, v5;
	v6 =	vand.u32 $0xFFFFFFC0, v33  }
0x276: {  	v6 =	vor.u32 v34, v6  }
0x277: {  	v7 =	vperm.xlane v6, v1;
	_ =	sdelay $0x1  }
0x278: {  	v7 =	vadd.s32 v2, v7;
	_ =	sdelay $0x3  }
0x279: {  	[tilespmem:$0x1100] =	vst v5  }
0x27a: {  	[tilespmem:s4], [sflag:$0x2] =	stream.indirect_vreg.gather [hbm4b:s1+s3], $0x80, v7, vm0, $0xb8;
	[tilespmem:$0x15200] =	vst v63  }
0x27b: {  	v5 =	vperm.xlane v6, v3  }
0x27c: {  	[tilespmem:s26], [sflag:$0x2] =	stream.indirect_vreg.gather [hbm4b:s6+s3], $0x80, v7, vm0, $0xb8;
	[tilespmem:$0x15200] =	vst v63  }
0x27d: {  	s15 =	simm.s32 $0x6200;
	v5 =	vadd.s32 v2, v5  }
0x27e: {  	[tilespmem:s15], [sflag:$0x2] =	stream.indirect_vreg.gather [hbm4b:s7+s3], $0x80, v7, vm0, $0xb8;
	[tilespmem:$0x15200] =	vst v63  }
0x27f: {  	_ = 	snop  }
0x280: {  	[tilespmem:s13], [sflag:$0x2] =	stream.indirect_vreg.gather [hbm4b:s8+s3], $0x80, v7, vm0, $0xb8;
	[tilespmem:$0x15200] =	vst v63  }
0x281: {  	_ = 	snop  }
0x282: {  	[tilespmem:s14], [sflag:$0x2] =	stream.indirect_vreg.gather [hbm4b:s1+s3], $0x80, v5, vm0, $0xb8;
	[tilespmem:$0x15200] =	vst v63  }
0x283: {  	s26 =	simm.s32 $0x7A00  }
0x284: {  	[tilespmem:s26], [sflag:$0x2] =	stream.indirect_vreg.gather [hbm4b:s6+s3], $0x80, v5, vm0, $0xb8;
	[tilespmem:$0x15200] =	vst v63  }
0x285: {  	s28 =	simm.s32 $0x8200  }
0x286: {  	[tilespmem:s28], [sflag:$0x2] =	stream.indirect_vreg.gather [hbm4b:s7+s3], $0x80, v5, vm0, $0xb8;
	[tilespmem:$0x15200] =	vst v63  }
0x287: {  	_ = 	snop  }
0x288: {  	[tilespmem:s20], [sflag:$0x2] =	stream.indirect_vreg.gather [hbm4b:s8+s3], $0x80, v5, vm0, $0xb8;
	[tilespmem:$0x15200] =	vst v63  }
0x289: {  	_ =	swait.ge [sflag:s22], $0x4000  }
0x28a: {  	[sflag:s22] =	ssyncset.done $0x0  }
0x28b: {  	s10 =	simm.s32 $0xD200;
	s4 =	rddreg [dreg:$0x12];
	[sflag:s22] =	ssyncadd.s32 $0xFFFFC000  }
0x28c: {  	[hbm4b:s4+s3] =	stream.linear.scatter [tilespmem:s10], [sflag:$0x9], $0x4000, $0x38;
	[tilespmem:$0x15200] =	vst v63  }
0x28d: {  	_ =	swait.ge [sflag:s19], $0x4000  }
0x28e: {  	[sflag:s19] =	ssyncset.done $0x0  }
0x28f: {  	[sflag:s19] =	ssyncadd.s32 $0xFFFFC000  }
0x290: {  	v5 =	vld [tilespmem:s5+$0x110];
	_ =	sdelay $0x4  }
0x291: {  	vm1 =	vne.s32 v5, $0x1  }
0x292: {  	v5 =	vsel vm1, $0x1, v0  }
0x293: {  	(xrf0) =	vadd.scan.msk.s32 $0xffff, v5;
	_ =	sdelay $0x4  }
0x294: {  	v4 =	vbroadcast v4, $0xF  }
0x295: {  	v5, _, _ =	vpop (xrf0)  }
0x296: {  	v4 =	vadd.s32 v4, v5  }
0x297: {  	v5 =	vadd.s32 $0x1, v4  }
0x298: {  	v5 =	vnsel vm1, $0x1, v5  }
0x299: {  	v35 =	vshll.u32 v5, $0x3  }
0x29a: {  	v36 =	vand.u32 $0x7, v5;
	v6 =	vand.u32 $0xFFFFFFC0, v35  }
0x29b: {  	v6 =	vor.u32 v36, v6  }
0x29c: {  	v7 =	vperm.xlane v6, v1;
	_ =	sdelay $0x1  }
0x29d: {  	v7 =	vadd.s32 v2, v7;
	_ =	sdelay $0x3  }
0x29e: {  	[tilespmem:$0x1110] =	vst v5  }
0x29f: {  	[tilespmem:s9], [sflag:$0x3] =	stream.indirect_vreg.gather [hbm4b:s1+s3], $0x80, v7, vm0, $0xb8;
	[tilespmem:$0x15200] =	vst v63  }
0x2a0: {  	v5 =	vperm.xlane v6, v3;
	s9 =	simm.s32 $0x9A00  }
0x2a1: {  	[tilespmem:s9], [sflag:$0x3] =	stream.indirect_vreg.gather [hbm4b:s6+s3], $0x80, v7, vm0, $0xb8;
	[tilespmem:$0x15200] =	vst v63  }
0x2a2: {  	s13 =	simm.s32 $0xA200;
	v5 =	vadd.s32 v2, v5  }
0x2a3: {  	[tilespmem:s13], [sflag:$0x3] =	stream.indirect_vreg.gather [hbm4b:s7+s3], $0x80, v7, vm0, $0xb8;
	[tilespmem:$0x15200] =	vst v63  }
0x2a4: {  	s14 =	simm.s32 $0xAA00  }
0x2a5: {  	[tilespmem:s14], [sflag:$0x3] =	stream.indirect_vreg.gather [hbm4b:s8+s3], $0x80, v7, vm0, $0xb8;
	[tilespmem:$0x15200] =	vst v63  }
0x2a6: {  	s20 =	simm.s32 $0xB200  }
0x2a7: {  	[tilespmem:s20], [sflag:$0x3] =	stream.indirect_vreg.gather [hbm4b:s1+s3], $0x80, v5, vm0, $0xb8;
	[tilespmem:$0x15200] =	vst v63  }
0x2a8: {  	s26 =	simm.s32 $0xBA00  }
0x2a9: {  	[tilespmem:s26], [sflag:$0x3] =	stream.indirect_vreg.gather [hbm4b:s6+s3], $0x80, v5, vm0, $0xb8;
	[tilespmem:$0x15200] =	vst v63  }
0x2aa: {  	s28 =	simm.s32 $0xC200  }
0x2ab: {  	[tilespmem:s28], [sflag:$0x3] =	stream.indirect_vreg.gather [hbm4b:s7+s3], $0x80, v5, vm0, $0xb8;
	[tilespmem:$0x15200] =	vst v63  }
0x2ac: {  	s4 =	simm.s32 $0xCA00  }
0x2ad: {  	[tilespmem:s4], [sflag:$0x3] =	stream.indirect_vreg.gather [hbm4b:s8+s3], $0x80, v5, vm0, $0xb8;
	[tilespmem:$0x15200] =	vst v63  }
0x2ae: {  	_ =	swait.ge [sflag:s23], $0x4000  }
0x2af: {  	[sflag:s23] =	ssyncset.done $0x0  }
0x2b0: {  	s12 =	simm.s32 $0x11200;
	s9 =	rddreg [dreg:$0x13];
	[sflag:s23] =	ssyncadd.s32 $0xFFFFC000  }
0x2b1: {  	[hbm4b:s9+s3] =	stream.linear.scatter [tilespmem:s12], [sflag:$0xA], $0x4000, $0x38;
	[tilespmem:$0x15200] =	vst v63  }
0x2b2: {  	_ =	swait.ge [sflag:s24], $0x4000  }
0x2b3: {  	[sflag:s24] =	ssyncset.done $0x0  }
0x2b4: {  	[sflag:s24] =	ssyncadd.s32 $0xFFFFC000  }
0x2b5: {  	v5 =	vld [tilespmem:s5+$0x120];
	_ =	sdelay $0x4  }
0x2b6: {  	vm1 =	vne.s32 v5, $0x1  }
0x2b7: {  	v5 =	vsel vm1, $0x1, v0  }
0x2b8: {  	(xrf0) =	vadd.scan.msk.s32 $0xffff, v5;
	_ =	sdelay $0x4  }
0x2b9: {  	v4 =	vbroadcast v4, $0xF  }
0x2ba: {  	v5, _, _ =	vpop (xrf0)  }
0x2bb: {  	v4 =	vadd.s32 v4, v5  }
0x2bc: {  	v5 =	vadd.s32 $0x1, v4  }
0x2bd: {  	v5 =	vnsel vm1, $0x1, v5  }
0x2be: {  	v37 =	vshll.u32 v5, $0x3  }
0x2bf: {  	v38 =	vand.u32 $0x7, v5;
	v6 =	vand.u32 $0xFFFFFFC0, v37  }
0x2c0: {  	v6 =	vor.u32 v38, v6  }
0x2c1: {  	v7 =	vperm.xlane v6, v1;
	_ =	sdelay $0x1  }
0x2c2: {  	v7 =	vadd.s32 v2, v7;
	_ =	sdelay $0x3  }
0x2c3: {  	[tilespmem:$0x1120] =	vst v5  }
0x2c4: {  	[tilespmem:s10], [sflag:$0x4] =	stream.indirect_vreg.gather [hbm4b:s1+s3], $0x80, v7, vm0, $0xb8;
	[tilespmem:$0x15200] =	vst v63  }
0x2c5: {  	s13 =	simm.s32 $0xDA00;
	v5 =	vperm.xlane v6, v3  }
0x2c6: {  	[tilespmem:s13], [sflag:$0x4] =	stream.indirect_vreg.gather [hbm4b:s6+s3], $0x80, v7, vm0, $0xb8;
	[tilespmem:$0x15200] =	vst v63  }
0x2c7: {  	s14 =	simm.s32 $0xE200;
	v5 =	vadd.s32 v2, v5  }
0x2c8: {  	[tilespmem:s14], [sflag:$0x4] =	stream.indirect_vreg.gather [hbm4b:s7+s3], $0x80, v7, vm0, $0xb8;
	[tilespmem:$0x15200] =	vst v63  }
0x2c9: {  	s20 =	simm.s32 $0xEA00  }
0x2ca: {  	[tilespmem:s20], [sflag:$0x4] =	stream.indirect_vreg.gather [hbm4b:s8+s3], $0x80, v7, vm0, $0xb8;
	[tilespmem:$0x15200] =	vst v63  }
0x2cb: {  	s26 =	simm.s32 $0xF200  }
0x2cc: {  	[tilespmem:s26], [sflag:$0x4] =	stream.indirect_vreg.gather [hbm4b:s1+s3], $0x80, v5, vm0, $0xb8;
	[tilespmem:$0x15200] =	vst v63  }
0x2cd: {  	_ = 	snop  }
0x2ce: {  	[tilespmem:s31], [sflag:$0x4] =	stream.indirect_vreg.gather [hbm4b:s6+s3], $0x80, v5, vm0, $0xb8;
	[tilespmem:$0x15200] =	vst v63  }
0x2cf: {  	s28 =	simm.s32 $0x10200  }
0x2d0: {  	[tilespmem:s28], [sflag:$0x4] =	stream.indirect_vreg.gather [hbm4b:s7+s3], $0x80, v5, vm0, $0xb8;
	[tilespmem:$0x15200] =	vst v63  }
0x2d1: {  	s31 =	simm.s32 $0x10A00  }
0x2d2: {  	[tilespmem:s31], [sflag:$0x4] =	stream.indirect_vreg.gather [hbm4b:s8+s3], $0x80, v5, vm0, $0xb8;
	[tilespmem:$0x15200] =	vst v63  }
0x2d3: {  	_ =	swait.ge [sflag:s11], $0x4000  }
0x2d4: {  	[sflag:s11] =	ssyncset.done $0x0  }
0x2d5: {  	s9 =	simm.s32 $0x1200;
	s4 =	rddreg [dreg:$0x16];
	[sflag:s11] =	ssyncadd.s32 $0xFFFFC000  }
0x2d6: {  	[hbm4b:s4+s3] =	stream.linear.scatter [tilespmem:s9], [sflag:$0x6], $0x4000, $0x38;
	[tilespmem:$0x15200] =	vst v63  }
0x2d7: {  	_ =	swait.ge [sflag:s2], $0x4000  }
0x2d8: {  	[sflag:s2] =	ssyncset.done $0x0  }
0x2d9: {  	[sflag:s2] =	ssyncadd.s32 $0xFFFFC000  }
0x2da: {  	v5 =	vld [tilespmem:s5+$0x130];
	_ =	sdelay $0x4  }
0x2db: {  	vm1 =	vne.s32 v5, $0x1  }
0x2dc: {  	v5 =	vsel vm1, $0x1, v0  }
0x2dd: {  	(xrf0) =	vadd.scan.msk.s32 $0xffff, v5;
	_ =	sdelay $0x4  }
0x2de: {  	v4 =	vbroadcast v4, $0xF  }
0x2df: {  	v5, _, _ =	vpop (xrf0)  }
0x2e0: {  	v4 =	vadd.s32 v4, v5  }
0x2e1: {  	v5 =	vadd.s32 $0x1, v4  }
0x2e2: {  	v5 =	vnsel vm1, $0x1, v5  }
0x2e3: {  	v39 =	vshll.u32 v5, $0x3  }
0x2e4: {  	v40 =	vand.u32 $0x7, v5;
	v6 =	vand.u32 $0xFFFFFFC0, v39  }
0x2e5: {  	v6 =	vor.u32 v40, v6  }
0x2e6: {  	v7 =	vperm.xlane v6, v1;
	_ =	sdelay $0x1  }
0x2e7: {  	v7 =	vadd.s32 v2, v7;
	_ =	sdelay $0x3  }
0x2e8: {  	[tilespmem:$0x1130] =	vst v5  }
0x2e9: {  	[tilespmem:s12], [sflag:$0x5] =	stream.indirect_vreg.gather [hbm4b:s1+s3], $0x80, v7, vm0, $0xb8;
	[tilespmem:$0x15200] =	vst v63  }
0x2ea: {  	s10 =	simm.s32 $0x11A00;
	v5 =	vperm.xlane v6, v3  }
0x2eb: {  	[tilespmem:s10], [sflag:$0x5] =	stream.indirect_vreg.gather [hbm4b:s6+s3], $0x80, v7, vm0, $0xb8;
	[tilespmem:$0x15200] =	vst v63  }
0x2ec: {  	s14 =	simm.s32 $0x12200;
	v5 =	vadd.s32 v2, v5  }
0x2ed: {  	[tilespmem:s14], [sflag:$0x5] =	stream.indirect_vreg.gather [hbm4b:s7+s3], $0x80, v7, vm0, $0xb8;
	[tilespmem:$0x15200] =	vst v63  }
0x2ee: {  	s10 =	simm.s32 $0x12A00  }
0x2ef: {  	[tilespmem:s10], [sflag:$0x5] =	stream.indirect_vreg.gather [hbm4b:s8+s3], $0x80, v7, vm0, $0xb8;
	[tilespmem:$0x15200] =	vst v63  }
0x2f0: {  	s20 =	simm.s32 $0x13200  }
0x2f1: {  	[tilespmem:s20], [sflag:$0x5] =	stream.indirect_vreg.gather [hbm4b:s1+s3], $0x80, v5, vm0, $0xb8;
	[tilespmem:$0x15200] =	vst v63  }
0x2f2: {  	s26 =	simm.s32 $0x13A00  }
0x2f3: {  	[tilespmem:s26], [sflag:$0x5] =	stream.indirect_vreg.gather [hbm4b:s6+s3], $0x80, v5, vm0, $0xb8;
	[tilespmem:$0x15200] =	vst v63  }
0x2f4: {  	s31 =	simm.s32 $0x14200  }
0x2f5: {  	[tilespmem:s31], [sflag:$0x5] =	stream.indirect_vreg.gather [hbm4b:s7+s3], $0x80, v5, vm0, $0xb8;
	[tilespmem:$0x15200] =	vst v63  }
0x2f6: {  	s12 =	simm.s32 $0x14A00  }
0x2f7: {  	[tilespmem:s12], [sflag:$0x5] =	stream.indirect_vreg.gather [hbm4b:s8+s3], $0x80, v5, vm0, $0xb8;
	[tilespmem:$0x15200] =	vst v63  }
0x2f8: {  	_ =	swait.ge [sflag:s18], $0x4000  }
0x2f9: {  	[sflag:s18] =	ssyncset.done $0x0  }
0x2fa: {  	s4 =	simm.s32 $0x5200;
	s13 =	rddreg [dreg:$0x17];
	[sflag:s18] =	ssyncadd.s32 $0xFFFFC000  }
0x2fb: {  	[hbm4b:s13+s3] =	stream.linear.scatter [tilespmem:s4], [sflag:$0x7], $0x4000, $0x38;
	[tilespmem:$0x15200] =	vst v63  }
0x2fc: {  	_ =	swait.ge [sflag:s25], $0x4000  }
0x2fd: {  	[sflag:s25] =	ssyncset.done $0x0  }
0x2fe: {  	[sflag:s25] =	ssyncadd.s32 $0xFFFFC000  }
0x2ff: {  	v5 =	vld [tilespmem:s5+$0x140];
	_ =	sdelay $0x4  }
0x300: {  	vm1 =	vne.s32 v5, $0x1  }
0x301: {  	v5 =	vsel vm1, $0x1, v0  }
0x302: {  	(xrf0) =	vadd.scan.msk.s32 $0xffff, v5;
	_ =	sdelay $0x4  }
0x303: {  	v4 =	vbroadcast v4, $0xF  }
0x304: {  	v5, _, _ =	vpop (xrf0)  }
0x305: {  	v4 =	vadd.s32 v4, v5  }
0x306: {  	v5 =	vadd.s32 $0x1, v4  }
0x307: {  	v5 =	vnsel vm1, $0x1, v5  }
0x308: {  	v41 =	vshll.u32 v5, $0x3  }
0x309: {  	v42 =	vand.u32 $0x7, v5;
	v6 =	vand.u32 $0xFFFFFFC0, v41  }
0x30a: {  	v6 =	vor.u32 v42, v6  }
0x30b: {  	v7 =	vperm.xlane v6, v1;
	_ =	sdelay $0x1  }
0x30c: {  	v7 =	vadd.s32 v2, v7;
	_ =	sdelay $0x3  }
0x30d: {  	[tilespmem:$0x1140] =	vst v5  }
0x30e: {  	[tilespmem:s9], [sflag:$0x1] =	stream.indirect_vreg.gather [hbm4b:s1+s3], $0x80, v7, vm0, $0xb8;
	[tilespmem:$0x15200] =	vst v63  }
0x30f: {  	v5 =	vperm.xlane v6, v3  }
0x310: {  	[tilespmem:s21], [sflag:$0x1] =	stream.indirect_vreg.gather [hbm4b:s6+s3], $0x80, v7, vm0, $0xb8;
	[tilespmem:$0x15200] =	vst v63  }
0x311: {  	v5 =	vadd.s32 v2, v5;
	s21 =	simm.s32 $0x2200  }
0x312: {  	[tilespmem:s21], [sflag:$0x1] =	stream.indirect_vreg.gather [hbm4b:s7+s3], $0x80, v7, vm0, $0xb8;
	[tilespmem:$0x15200] =	vst v63  }
0x313: {  	_ = 	snop  }
0x314: {  	[tilespmem:s29], [sflag:$0x1] =	stream.indirect_vreg.gather [hbm4b:s8+s3], $0x80, v7, vm0, $0xb8;
	[tilespmem:$0x15200] =	vst v63  }
0x315: {  	_ = 	snop  }
0x316: {  	[tilespmem:s30], [sflag:$0x1] =	stream.indirect_vreg.gather [hbm4b:s1+s3], $0x80, v5, vm0, $0xb8;
	[tilespmem:$0x15200] =	vst v63  }
0x317: {  	s29 =	simm.s32 $0x3A00  }
0x318: {  	[tilespmem:s29], [sflag:$0x1] =	stream.indirect_vreg.gather [hbm4b:s6+s3], $0x80, v5, vm0, $0xb8;
	[tilespmem:$0x15200] =	vst v63  }
0x319: {  	s30 =	simm.s32 $0x4200  }
0x31a: {  	[tilespmem:s30], [sflag:$0x1] =	stream.indirect_vreg.gather [hbm4b:s7+s3], $0x80, v5, vm0, $0xb8;
	[tilespmem:$0x15200] =	vst v63  }
0x31b: {  	s9 =	simm.s32 $0x4A00  }
0x31c: {  	[tilespmem:s9], [sflag:$0x1] =	stream.indirect_vreg.gather [hbm4b:s8+s3], $0x80, v5, vm0, $0xb8;
	[tilespmem:$0x15200] =	vst v63  }
0x31d: {  	_ =	swait.ge [sflag:s17], $0x4000  }
0x31e: {  	[sflag:s17] =	ssyncset.done $0x0  }
0x31f: {  	s0 =	simm.s32 $0x9200;
	s12 =	rddreg [dreg:$0x18];
	[sflag:s17] =	ssyncadd.s32 $0xFFFFC000  }
0x320: {  	[hbm4b:s12+s3] =	stream.linear.scatter [tilespmem:s0], [sflag:$0x8], $0x4000, $0x38;
	[tilespmem:$0x15200] =	vst v63  }
0x321: {  	_ =	swait.ge [sflag:s16], $0x4000  }
0x322: {  	[sflag:s16] =	ssyncset.done $0x0  }
0x323: {  	[sflag:s16] =	ssyncadd.s32 $0xFFFFC000  }
0x324: {  	v5 =	vld [tilespmem:s5+$0x150];
	_ =	sdelay $0x4  }
0x325: {  	vm1 =	vne.s32 v5, $0x1  }
0x326: {  	v5 =	vsel vm1, $0x1, v0  }
0x327: {  	(xrf0) =	vadd.scan.msk.s32 $0xffff, v5;
	_ =	sdelay $0x4  }
0x328: {  	v4 =	vbroadcast v4, $0xF  }
0x329: {  	v5, _, _ =	vpop (xrf0)  }
0x32a: {  	v4 =	vadd.s32 v4, v5  }
0x32b: {  	v5 =	vadd.s32 $0x1, v4  }
0x32c: {  	v5 =	vnsel vm1, $0x1, v5  }
0x32d: {  	v43 =	vshll.u32 v5, $0x3  }
0x32e: {  	v44 =	vand.u32 $0x7, v5;
	v6 =	vand.u32 $0xFFFFFFC0, v43  }
0x32f: {  	v6 =	vor.u32 v44, v6  }
0x330: {  	v7 =	vperm.xlane v6, v1;
	_ =	sdelay $0x1  }
0x331: {  	v7 =	vadd.s32 v2, v7;
	_ =	sdelay $0x3  }
0x332: {  	[tilespmem:$0x1150] =	vst v5  }
0x333: {  	[tilespmem:s4], [sflag:$0x2] =	stream.indirect_vreg.gather [hbm4b:s1+s3], $0x80, v7, vm0, $0xb8;
	[tilespmem:$0x15200] =	vst v63  }
0x334: {  	s30 =	simm.s32 $0x5A00;
	v5 =	vperm.xlane v6, v3  }
0x335: {  	[tilespmem:s30], [sflag:$0x2] =	stream.indirect_vreg.gather [hbm4b:s6+s3], $0x80, v7, vm0, $0xb8;
	[tilespmem:$0x15200] =	vst v63  }
0x336: {  	v5 =	vadd.s32 v2, v5  }
0x337: {  	[tilespmem:s15], [sflag:$0x2] =	stream.indirect_vreg.gather [hbm4b:s7+s3], $0x80, v7, vm0, $0xb8;
	[tilespmem:$0x15200] =	vst v63  }
0x338: {  	s9 =	simm.s32 $0x6A00  }
0x339: {  	[tilespmem:s9], [sflag:$0x2] =	stream.indirect_vreg.gather [hbm4b:s8+s3], $0x80, v7, vm0, $0xb8;
	[tilespmem:$0x15200] =	vst v63  }
0x33a: {  	s15 =	simm.s32 $0x7200  }
0x33b: {  	[tilespmem:s15], [sflag:$0x2] =	stream.indirect_vreg.gather [hbm4b:s1+s3], $0x80, v5, vm0, $0xb8;
	[tilespmem:$0x15200] =	vst v63  }
0x33c: {  	s12 =	simm.s32 $0x7A00  }
0x33d: {  	[tilespmem:s12], [sflag:$0x2] =	stream.indirect_vreg.gather [hbm4b:s6+s3], $0x80, v5, vm0, $0xb8;
	[tilespmem:$0x15200] =	vst v63  }
0x33e: {  	s29 =	simm.s32 $0x8200  }
0x33f: {  	[tilespmem:s29], [sflag:$0x2] =	stream.indirect_vreg.gather [hbm4b:s7+s3], $0x80, v5, vm0, $0xb8;
	[tilespmem:$0x15200] =	vst v63  }
0x340: {  	s28 =	simm.s32 $0x8A00  }
0x341: {  	[tilespmem:s28], [sflag:$0x2] =	stream.indirect_vreg.gather [hbm4b:s8+s3], $0x80, v5, vm0, $0xb8;
	[tilespmem:$0x15200] =	vst v63  }
0x342: {  	_ =	swait.ge [sflag:s22], $0x4000  }
0x343: {  	[sflag:s22] =	ssyncset.done $0x0  }
0x344: {  	s4 =	simm.s32 $0xD200;
	s28 =	rddreg [dreg:$0x19];
	[sflag:s22] =	ssyncadd.s32 $0xFFFFC000  }
0x345: {  	[hbm4b:s28+s3] =	stream.linear.scatter [tilespmem:s4], [sflag:$0x9], $0x4000, $0x38;
	[tilespmem:$0x15200] =	vst v63  }
0x346: {  	_ =	swait.ge [sflag:s19], $0x4000  }
0x347: {  	[sflag:s19] =	ssyncset.done $0x0  }
0x348: {  	[sflag:s19] =	ssyncadd.s32 $0xFFFFC000  }
0x349: {  	v5 =	vld [tilespmem:s5+$0x160];
	_ =	sdelay $0x4  }
0x34a: {  	vm1 =	vne.s32 v5, $0x1  }
0x34b: {  	v5 =	vsel vm1, $0x1, v0  }
0x34c: {  	(xrf0) =	vadd.scan.msk.s32 $0xffff, v5;
	_ =	sdelay $0x4  }
0x34d: {  	v4 =	vbroadcast v4, $0xF  }
0x34e: {  	v5, _, _ =	vpop (xrf0)  }
0x34f: {  	v4 =	vadd.s32 v4, v5  }
0x350: {  	v5 =	vadd.s32 $0x1, v4  }
0x351: {  	v5 =	vnsel vm1, $0x1, v5  }
0x352: {  	v45 =	vshll.u32 v5, $0x3  }
0x353: {  	v46 =	vand.u32 $0x7, v5;
	v6 =	vand.u32 $0xFFFFFFC0, v45  }
0x354: {  	v6 =	vor.u32 v46, v6  }
0x355: {  	v7 =	vperm.xlane v6, v1;
	_ =	sdelay $0x1  }
0x356: {  	v7 =	vadd.s32 v2, v7;
	_ =	sdelay $0x3  }
0x357: {  	[tilespmem:$0x1160] =	vst v5  }
0x358: {  	[tilespmem:s0], [sflag:$0x3] =	stream.indirect_vreg.gather [hbm4b:s1+s3], $0x80, v7, vm0, $0xb8;
	[tilespmem:$0x15200] =	vst v63  }
0x359: {  	s28 =	simm.s32 $0x9A00;
	v5 =	vperm.xlane v6, v3  }
0x35a: {  	[tilespmem:s28], [sflag:$0x3] =	stream.indirect_vreg.gather [hbm4b:s6+s3], $0x80, v7, vm0, $0xb8;
	[tilespmem:$0x15200] =	vst v63  }
0x35b: {  	v5 =	vadd.s32 v2, v5;
	s28 =	simm.s32 $0xA200  }
0x35c: {  	[tilespmem:s28], [sflag:$0x3] =	stream.indirect_vreg.gather [hbm4b:s7+s3], $0x80, v7, vm0, $0xb8;
	[tilespmem:$0x15200] =	vst v63  }
0x35d: {  	s28 =	simm.s32 $0xAA00  }
0x35e: {  	[tilespmem:s28], [sflag:$0x3] =	stream.indirect_vreg.gather [hbm4b:s8+s3], $0x80, v7, vm0, $0xb8;
	[tilespmem:$0x15200] =	vst v63  }
0x35f: {  	s28 =	simm.s32 $0xB200  }
0x360: {  	[tilespmem:s28], [sflag:$0x3] =	stream.indirect_vreg.gather [hbm4b:s1+s3], $0x80, v5, vm0, $0xb8;
	[tilespmem:$0x15200] =	vst v63  }
0x361: {  	s28 =	simm.s32 $0xBA00  }
0x362: {  	[tilespmem:s28], [sflag:$0x3] =	stream.indirect_vreg.gather [hbm4b:s6+s3], $0x80, v5, vm0, $0xb8;
	[tilespmem:$0x15200] =	vst v63  }
0x363: {  	s28 =	simm.s32 $0xC200  }
0x364: {  	[tilespmem:s28], [sflag:$0x3] =	stream.indirect_vreg.gather [hbm4b:s7+s3], $0x80, v5, vm0, $0xb8;
	[tilespmem:$0x15200] =	vst v63  }
0x365: {  	s28 =	simm.s32 $0xCA00  }
0x366: {  	[tilespmem:s28], [sflag:$0x3] =	stream.indirect_vreg.gather [hbm4b:s8+s3], $0x80, v5, vm0, $0xb8;
	[tilespmem:$0x15200] =	vst v63  }
0x367: {  	_ =	swait.ge [sflag:s23], $0x4000  }
0x368: {  	[sflag:s23] =	ssyncset.done $0x0  }
0x369: {  	s0 =	simm.s32 $0x11200;
	s28 =	rddreg [dreg:$0x1a];
	[sflag:s23] =	ssyncadd.s32 $0xFFFFC000  }
0x36a: {  	[hbm4b:s28+s3] =	stream.linear.scatter [tilespmem:s0], [sflag:$0xA], $0x4000, $0x38;
	[tilespmem:$0x15200] =	vst v63  }
0x36b: {  	_ =	swait.ge [sflag:s24], $0x4000  }
0x36c: {  	[sflag:s24] =	ssyncset.done $0x0  }
0x36d: {  	[sflag:s24] =	ssyncadd.s32 $0xFFFFC000  }
0x36e: {  	v5 =	vld [tilespmem:s5+$0x170];
	_ =	sdelay $0x4  }
0x36f: {  	vm1 =	vne.s32 v5, $0x1  }
0x370: {  	v5 =	vsel vm1, $0x1, v0  }
0x371: {  	(xrf0) =	vadd.scan.msk.s32 $0xffff, v5;
	_ =	sdelay $0x4  }
0x372: {  	v4 =	vbroadcast v4, $0xF  }
0x373: {  	v5, _, _ =	vpop (xrf0)  }
0x374: {  	v4 =	vadd.s32 v4, v5  }
0x375: {  	v5 =	vadd.s32 $0x1, v4  }
0x376: {  	v5 =	vnsel vm1, $0x1, v5  }
0x377: {  	v47 =	vshll.u32 v5, $0x3  }
0x378: {  	v48 =	vand.u32 $0x7, v5;
	v6 =	vand.u32 $0xFFFFFFC0, v47  }
0x379: {  	v6 =	vor.u32 v48, v6  }
0x37a: {  	v7 =	vperm.xlane v6, v1;
	_ =	sdelay $0x1  }
0x37b: {  	v7 =	vadd.s32 v2, v7;
	_ =	sdelay $0x3  }
0x37c: {  	[tilespmem:$0x1170] =	vst v5  }
0x37d: {  	[tilespmem:s4], [sflag:$0x4] =	stream.indirect_vreg.gather [hbm4b:s1+s3], $0x80, v7, vm0, $0xb8;
	[tilespmem:$0x15200] =	vst v63  }
0x37e: {  	s28 =	simm.s32 $0xDA00;
	v5 =	vperm.xlane v6, v3  }
0x37f: {  	[tilespmem:s28], [sflag:$0x4] =	stream.indirect_vreg.gather [hbm4b:s6+s3], $0x80, v7, vm0, $0xb8;
	[tilespmem:$0x15200] =	vst v63  }
0x380: {  	v5 =	vadd.s32 v2, v5;
	s28 =	simm.s32 $0xE200  }
0x381: {  	[tilespmem:s28], [sflag:$0x4] =	stream.indirect_vreg.gather [hbm4b:s7+s3], $0x80, v7, vm0, $0xb8;
	[tilespmem:$0x15200] =	vst v63  }
0x382: {  	s28 =	simm.s32 $0xEA00  }
0x383: {  	[tilespmem:s28], [sflag:$0x4] =	stream.indirect_vreg.gather [hbm4b:s8+s3], $0x80, v7, vm0, $0xb8;
	[tilespmem:$0x15200] =	vst v63  }
0x384: {  	s28 =	simm.s32 $0xF200  }
0x385: {  	[tilespmem:s28], [sflag:$0x4] =	stream.indirect_vreg.gather [hbm4b:s1+s3], $0x80, v5, vm0, $0xb8;
	[tilespmem:$0x15200] =	vst v63  }
0x386: {  	s4 =	simm.s32 $0xFA00  }
0x387: {  	[tilespmem:s4], [sflag:$0x4] =	stream.indirect_vreg.gather [hbm4b:s6+s3], $0x80, v5, vm0, $0xb8;
	[tilespmem:$0x15200] =	vst v63  }
0x388: {  	s28 =	simm.s32 $0x10200  }
0x389: {  	[tilespmem:s28], [sflag:$0x4] =	stream.indirect_vreg.gather [hbm4b:s7+s3], $0x80, v5, vm0, $0xb8;
	[tilespmem:$0x15200] =	vst v63  }
0x38a: {  	s28 =	simm.s32 $0x10A00  }
0x38b: {  	[tilespmem:s28], [sflag:$0x4] =	stream.indirect_vreg.gather [hbm4b:s8+s3], $0x80, v5, vm0, $0xb8;
	[tilespmem:$0x15200] =	vst v63  }
0x38c: {  	_ =	swait.ge [sflag:s11], $0x4000  }
0x38d: {  	[sflag:s11] =	ssyncset.done $0x0  }
0x38e: {  	s13 =	simm.s32 $0x1200;
	s28 =	rddreg [dreg:$0x1b];
	[sflag:s11] =	ssyncadd.s32 $0xFFFFC000  }
0x38f: {  	[hbm4b:s28+s3] =	stream.linear.scatter [tilespmem:s13], [sflag:$0x6], $0x4000, $0x38;
	[tilespmem:$0x15200] =	vst v63  }
0x390: {  	_ =	swait.ge [sflag:s2], $0x4000  }
0x391: {  	[sflag:s2] =	ssyncset.done $0x0  }
0x392: {  	[sflag:s2] =	ssyncadd.s32 $0xFFFFC000  }
0x393: {  	v5 =	vld [tilespmem:s5+$0x180];
	_ =	sdelay $0x4  }
0x394: {  	vm1 =	vne.s32 v5, $0x1  }
0x395: {  	v5 =	vsel vm1, $0x1, v0  }
0x396: {  	(xrf0) =	vadd.scan.msk.s32 $0xffff, v5;
	_ =	sdelay $0x4  }
0x397: {  	v4 =	vbroadcast v4, $0xF  }
0x398: {  	v5, _, _ =	vpop (xrf0)  }
0x399: {  	v4 =	vadd.s32 v4, v5  }
0x39a: {  	v5 =	vadd.s32 $0x1, v4  }
0x39b: {  	v5 =	vnsel vm1, $0x1, v5  }
0x39c: {  	v49 =	vshll.u32 v5, $0x3  }
0x39d: {  	v50 =	vand.u32 $0x7, v5;
	v6 =	vand.u32 $0xFFFFFFC0, v49  }
0x39e: {  	v6 =	vor.u32 v50, v6  }
0x39f: {  	v7 =	vperm.xlane v6, v1;
	_ =	sdelay $0x1  }
0x3a0: {  	v7 =	vadd.s32 v2, v7;
	_ =	sdelay $0x3  }
0x3a1: {  	[tilespmem:$0x1180] =	vst v5  }
0x3a2: {  	[tilespmem:s0], [sflag:$0x5] =	stream.indirect_vreg.gather [hbm4b:s1+s3], $0x80, v7, vm0, $0xb8;
	[tilespmem:$0x15200] =	vst v63  }
0x3a3: {  	s28 =	simm.s32 $0x11A00;
	v5 =	vperm.xlane v6, v3  }
0x3a4: {  	[tilespmem:s28], [sflag:$0x5] =	stream.indirect_vreg.gather [hbm4b:s6+s3], $0x80, v7, vm0, $0xb8;
	[tilespmem:$0x15200] =	vst v63  }
0x3a5: {  	v5 =	vadd.s32 v2, v5  }
0x3a6: {  	[tilespmem:s14], [sflag:$0x5] =	stream.indirect_vreg.gather [hbm4b:s7+s3], $0x80, v7, vm0, $0xb8;
	[tilespmem:$0x15200] =	vst v63  }
0x3a7: {  	_ = 	snop  }
0x3a8: {  	[tilespmem:s10], [sflag:$0x5] =	stream.indirect_vreg.gather [hbm4b:s8+s3], $0x80, v7, vm0, $0xb8;
	[tilespmem:$0x15200] =	vst v63  }
0x3a9: {  	_ = 	snop  }
0x3aa: {  	[tilespmem:s20], [sflag:$0x5] =	stream.indirect_vreg.gather [hbm4b:s1+s3], $0x80, v5, vm0, $0xb8;
	[tilespmem:$0x15200] =	vst v63  }
0x3ab: {  	_ = 	snop  }
0x3ac: {  	[tilespmem:s26], [sflag:$0x5] =	stream.indirect_vreg.gather [hbm4b:s6+s3], $0x80, v5, vm0, $0xb8;
	[tilespmem:$0x15200] =	vst v63  }
0x3ad: {  	_ = 	snop  }
0x3ae: {  	[tilespmem:s31], [sflag:$0x5] =	stream.indirect_vreg.gather [hbm4b:s7+s3], $0x80, v5, vm0, $0xb8;
	[tilespmem:$0x15200] =	vst v63  }
0x3af: {  	s20 =	simm.s32 $0x14A00  }
0x3b0: {  	[tilespmem:s20], [sflag:$0x5] =	stream.indirect_vreg.gather [hbm4b:s8+s3], $0x80, v5, vm0, $0xb8;
	[tilespmem:$0x15200] =	vst v63  }
0x3b1: {  	_ =	swait.ge [sflag:s18], $0x4000  }
0x3b2: {  	[sflag:s18] =	ssyncset.done $0x0  }
0x3b3: {  	s0 =	simm.s32 $0x5200;
	s26 =	rddreg [dreg:$0x1c];
	[sflag:s18] =	ssyncadd.s32 $0xFFFFC000  }
0x3b4: {  	[hbm4b:s26+s3] =	stream.linear.scatter [tilespmem:s0], [sflag:$0x7], $0x4000, $0x38;
	[tilespmem:$0x15200] =	vst v63  }
0x3b5: {  	_ =	swait.ge [sflag:s25], $0x4000  }
0x3b6: {  	[sflag:s25] =	ssyncset.done $0x0  }
0x3b7: {  	[sflag:s25] =	ssyncadd.s32 $0xFFFFC000  }
0x3b8: {  	v5 =	vld [tilespmem:s5+$0x190];
	_ =	sdelay $0x4  }
0x3b9: {  	vm1 =	vne.s32 v5, $0x1  }
0x3ba: {  	v5 =	vsel vm1, $0x1, v0  }
0x3bb: {  	(xrf0) =	vadd.scan.msk.s32 $0xffff, v5;
	_ =	sdelay $0x4  }
0x3bc: {  	v4 =	vbroadcast v4, $0xF  }
0x3bd: {  	v5, _, _ =	vpop (xrf0)  }
0x3be: {  	v4 =	vadd.s32 v4, v5  }
0x3bf: {  	v5 =	vadd.s32 $0x1, v4  }
0x3c0: {  	v5 =	vnsel vm1, $0x1, v5  }
0x3c1: {  	v51 =	vshll.u32 v5, $0x3  }
0x3c2: {  	v52 =	vand.u32 $0x7, v5;
	v6 =	vand.u32 $0xFFFFFFC0, v51  }
0x3c3: {  	v6 =	vor.u32 v52, v6  }
0x3c4: {  	v7 =	vperm.xlane v6, v1;
	_ =	sdelay $0x1  }
0x3c5: {  	v7 =	vadd.s32 v2, v7;
	_ =	sdelay $0x3  }
0x3c6: {  	[tilespmem:$0x1190] =	vst v5  }
0x3c7: {  	[tilespmem:s13], [sflag:$0x1] =	stream.indirect_vreg.gather [hbm4b:s1+s3], $0x80, v7, vm0, $0xb8;
	[tilespmem:$0x15200] =	vst v63  }
0x3c8: {  	s28 =	simm.s32 $0x1A00;
	v5 =	vperm.xlane v6, v3  }
0x3c9: {  	[tilespmem:s28], [sflag:$0x1] =	stream.indirect_vreg.gather [hbm4b:s6+s3], $0x80, v7, vm0, $0xb8;
	[tilespmem:$0x15200] =	vst v63  }
0x3ca: {  	v5 =	vadd.s32 v2, v5  }
0x3cb: {  	[tilespmem:s21], [sflag:$0x1] =	stream.indirect_vreg.gather [hbm4b:s7+s3], $0x80, v7, vm0, $0xb8;
	[tilespmem:$0x15200] =	vst v63  }
0x3cc: {  	s31 =	simm.s32 $0x2A00  }
0x3cd: {  	[tilespmem:s31], [sflag:$0x1] =	stream.indirect_vreg.gather [hbm4b:s8+s3], $0x80, v7, vm0, $0xb8;
	[tilespmem:$0x15200] =	vst v63  }
0x3ce: {  	s13 =	simm.s32 $0x3200  }
0x3cf: {  	[tilespmem:s13], [sflag:$0x1] =	stream.indirect_vreg.gather [hbm4b:s1+s3], $0x80, v5, vm0, $0xb8;
	[tilespmem:$0x15200] =	vst v63  }
0x3d0: {  	s14 =	simm.s32 $0x3A00  }
0x3d1: {  	[tilespmem:s14], [sflag:$0x1] =	stream.indirect_vreg.gather [hbm4b:s6+s3], $0x80, v5, vm0, $0xb8;
	[tilespmem:$0x15200] =	vst v63  }
0x3d2: {  	s20 =	simm.s32 $0x4200  }
0x3d3: {  	[tilespmem:s20], [sflag:$0x1] =	stream.indirect_vreg.gather [hbm4b:s7+s3], $0x80, v5, vm0, $0xb8;
	[tilespmem:$0x15200] =	vst v63  }
0x3d4: {  	s21 =	simm.s32 $0x4A00  }
0x3d5: {  	[tilespmem:s21], [sflag:$0x1] =	stream.indirect_vreg.gather [hbm4b:s8+s3], $0x80, v5, vm0, $0xb8;
	[tilespmem:$0x15200] =	vst v63  }
0x3d6: {  	_ =	swait.ge [sflag:s17], $0x4000  }
0x3d7: {  	[sflag:s17] =	ssyncset.done $0x0  }
0x3d8: {  	s14 =	simm.s32 $0x9200;
	s26 =	rddreg [dreg:$0x1d];
	[sflag:s17] =	ssyncadd.s32 $0xFFFFC000  }
0x3d9: {  	[hbm4b:s26+s3] =	stream.linear.scatter [tilespmem:s14], [sflag:$0x8], $0x4000, $0x38;
	[tilespmem:$0x15200] =	vst v63  }
0x3da: {  	_ =	swait.ge [sflag:s16], $0x4000  }
0x3db: {  	[sflag:s16] =	ssyncset.done $0x0  }
0x3dc: {  	[sflag:s16] =	ssyncadd.s32 $0xFFFFC000  }
0x3dd: {  	v5 =	vld [tilespmem:s5+$0x1A0];
	_ =	sdelay $0x4  }
0x3de: {  	vm1 =	vne.s32 v5, $0x1  }
0x3df: {  	v5 =	vsel vm1, $0x1, v0  }
0x3e0: {  	(xrf0) =	vadd.scan.msk.s32 $0xffff, v5;
	_ =	sdelay $0x4  }
0x3e1: {  	v4 =	vbroadcast v4, $0xF  }
0x3e2: {  	v5, _, _ =	vpop (xrf0)  }
0x3e3: {  	v4 =	vadd.s32 v4, v5  }
0x3e4: {  	v5 =	vadd.s32 $0x1, v4  }
0x3e5: {  	v5 =	vnsel vm1, $0x1, v5  }
0x3e6: {  	v53 =	vshll.u32 v5, $0x3  }
0x3e7: {  	v54 =	vand.u32 $0x7, v5;
	v6 =	vand.u32 $0xFFFFFFC0, v53  }
0x3e8: {  	v6 =	vor.u32 v54, v6  }
0x3e9: {  	v7 =	vperm.xlane v6, v1;
	_ =	sdelay $0x1  }
0x3ea: {  	v7 =	vadd.s32 v2, v7;
	_ =	sdelay $0x3  }
0x3eb: {  	[tilespmem:$0x11A0] =	vst v5  }
0x3ec: {  	[tilespmem:s0], [sflag:$0x2] =	stream.indirect_vreg.gather [hbm4b:s1+s3], $0x80, v7, vm0, $0xb8;
	[tilespmem:$0x15200] =	vst v63  }
0x3ed: {  	v5 =	vperm.xlane v6, v3  }
0x3ee: {  	[tilespmem:s30], [sflag:$0x2] =	stream.indirect_vreg.gather [hbm4b:s6+s3], $0x80, v7, vm0, $0xb8;
	[tilespmem:$0x15200] =	vst v63  }
0x3ef: {  	s31 =	simm.s32 $0x6200;
	v5 =	vadd.s32 v2, v5  }
0x3f0: {  	[tilespmem:s31], [sflag:$0x2] =	stream.indirect_vreg.gather [hbm4b:s7+s3], $0x80, v7, vm0, $0xb8;
	[tilespmem:$0x15200] =	vst v63  }
0x3f1: {  	_ = 	snop  }
0x3f2: {  	[tilespmem:s9], [sflag:$0x2] =	stream.indirect_vreg.gather [hbm4b:s8+s3], $0x80, v7, vm0, $0xb8;
	[tilespmem:$0x15200] =	vst v63  }
0x3f3: {  	_ = 	snop  }
0x3f4: {  	[tilespmem:s15], [sflag:$0x2] =	stream.indirect_vreg.gather [hbm4b:s1+s3], $0x80, v5, vm0, $0xb8;
	[tilespmem:$0x15200] =	vst v63  }
0x3f5: {  	_ = 	snop  }
0x3f6: {  	[tilespmem:s12], [sflag:$0x2] =	stream.indirect_vreg.gather [hbm4b:s6+s3], $0x80, v5, vm0, $0xb8;
	[tilespmem:$0x15200] =	vst v63  }
0x3f7: {  	_ = 	snop  }
0x3f8: {  	[tilespmem:s29], [sflag:$0x2] =	stream.indirect_vreg.gather [hbm4b:s7+s3], $0x80, v5, vm0, $0xb8;
	[tilespmem:$0x15200] =	vst v63  }
0x3f9: {  	s9 =	simm.s32 $0x8A00  }
0x3fa: {  	[tilespmem:s9], [sflag:$0x2] =	stream.indirect_vreg.gather [hbm4b:s8+s3], $0x80, v5, vm0, $0xb8;
	[tilespmem:$0x15200] =	vst v63  }
0x3fb: {  	_ =	swait.ge [sflag:s22], $0x4000  }
0x3fc: {  	[sflag:s22] =	ssyncset.done $0x0  }
0x3fd: {  	s0 =	simm.s32 $0xD200;
	s10 =	rddreg [dreg:$0x1e];
	[sflag:s22] =	ssyncadd.s32 $0xFFFFC000  }
0x3fe: {  	[hbm4b:s10+s3] =	stream.linear.scatter [tilespmem:s0], [sflag:$0x9], $0x4000, $0x38;
	[tilespmem:$0x15200] =	vst v63  }
0x3ff: {  	_ =	swait.ge [sflag:s19], $0x4000  }
0x400: {  	[sflag:s19] =	ssyncset.done $0x0  }
0x401: {  	[sflag:s19] =	ssyncadd.s32 $0xFFFFC000  }
0x402: {  	v5 =	vld [tilespmem:s5+$0x1B0];
	_ =	sdelay $0x4  }
0x403: {  	vm1 =	vne.s32 v5, $0x1  }
0x404: {  	v5 =	vsel vm1, $0x1, v0  }
0x405: {  	(xrf0) =	vadd.scan.msk.s32 $0xffff, v5;
	_ =	sdelay $0x4  }
0x406: {  	v4 =	vbroadcast v4, $0xF  }
0x407: {  	v5, _, _ =	vpop (xrf0)  }
0x408: {  	v4 =	vadd.s32 v4, v5  }
0x409: {  	v5 =	vadd.s32 $0x1, v4  }
0x40a: {  	v5 =	vnsel vm1, $0x1, v5  }
0x40b: {  	v55 =	vshll.u32 v5, $0x3  }
0x40c: {  	v56 =	vand.u32 $0x7, v5;
	v6 =	vand.u32 $0xFFFFFFC0, v55  }
0x40d: {  	v6 =	vor.u32 v56, v6  }
0x40e: {  	v7 =	vperm.xlane v6, v1;
	_ =	sdelay $0x1  }
0x40f: {  	v7 =	vadd.s32 v2, v7;
	_ =	sdelay $0x3  }
0x410: {  	[tilespmem:$0x11B0] =	vst v5  }
0x411: {  	[tilespmem:s14], [sflag:$0x3] =	stream.indirect_vreg.gather [hbm4b:s1+s3], $0x80, v7, vm0, $0xb8;
	[tilespmem:$0x15200] =	vst v63  }
0x412: {  	s15 =	simm.s32 $0x9A00;
	v5 =	vperm.xlane v6, v3  }
0x413: {  	[tilespmem:s15], [sflag:$0x3] =	stream.indirect_vreg.gather [hbm4b:s6+s3], $0x80, v7, vm0, $0xb8;
	[tilespmem:$0x15200] =	vst v63  }
0x414: {  	s28 =	simm.s32 $0xA200;
	v5 =	vadd.s32 v2, v5  }
0x415: {  	[tilespmem:s28], [sflag:$0x3] =	stream.indirect_vreg.gather [hbm4b:s7+s3], $0x80, v7, vm0, $0xb8;
	[tilespmem:$0x15200] =	vst v63  }
0x416: {  	s10 =	simm.s32 $0xAA00  }
0x417: {  	[tilespmem:s10], [sflag:$0x3] =	stream.indirect_vreg.gather [hbm4b:s8+s3], $0x80, v7, vm0, $0xb8;
	[tilespmem:$0x15200] =	vst v63  }
0x418: {  	s14 =	simm.s32 $0xB200  }
0x419: {  	[tilespmem:s14], [sflag:$0x3] =	stream.indirect_vreg.gather [hbm4b:s1+s3], $0x80, v5, vm0, $0xb8;
	[tilespmem:$0x15200] =	vst v63  }
0x41a: {  	s15 =	simm.s32 $0xBA00  }
0x41b: {  	[tilespmem:s15], [sflag:$0x3] =	stream.indirect_vreg.gather [hbm4b:s6+s3], $0x80, v5, vm0, $0xb8;
	[tilespmem:$0x15200] =	vst v63  }
0x41c: {  	s28 =	simm.s32 $0xC200  }
0x41d: {  	[tilespmem:s28], [sflag:$0x3] =	stream.indirect_vreg.gather [hbm4b:s7+s3], $0x80, v5, vm0, $0xb8;
	[tilespmem:$0x15200] =	vst v63  }
0x41e: {  	s10 =	simm.s32 $0xCA00  }
0x41f: {  	[tilespmem:s10], [sflag:$0x3] =	stream.indirect_vreg.gather [hbm4b:s8+s3], $0x80, v5, vm0, $0xb8;
	[tilespmem:$0x15200] =	vst v63  }
0x420: {  	_ =	swait.ge [sflag:s23], $0x4000  }
0x421: {  	[sflag:s23] =	ssyncset.done $0x0  }
0x422: {  	s10 =	simm.s32 $0x11200;
	s14 =	rddreg [dreg:$0x1f];
	[sflag:s23] =	ssyncadd.s32 $0xFFFFC000  }
0x423: {  	[hbm4b:s14+s3] =	stream.linear.scatter [tilespmem:s10], [sflag:$0xA], $0x4000, $0x38;
	[tilespmem:$0x15200] =	vst v63  }
0x424: {  	_ =	swait.ge [sflag:s24], $0x4000  }
0x425: {  	[sflag:s24] =	ssyncset.done $0x0  }
0x426: {  	[sflag:s24] =	ssyncadd.s32 $0xFFFFC000  }
0x427: {  	v5 =	vld [tilespmem:s5+$0x1C0];
	_ =	sdelay $0x4  }
0x428: {  	vm1 =	vne.s32 v5, $0x1  }
0x429: {  	v5 =	vsel vm1, $0x1, v0  }
0x42a: {  	(xrf0) =	vadd.scan.msk.s32 $0xffff, v5;
	_ =	sdelay $0x4  }
0x42b: {  	v4 =	vbroadcast v4, $0xF  }
0x42c: {  	v5, _, _ =	vpop (xrf0)  }
0x42d: {  	v4 =	vadd.s32 v4, v5  }
0x42e: {  	v5 =	vadd.s32 $0x1, v4  }
0x42f: {  	v5 =	vnsel vm1, $0x1, v5  }
0x430: {  	v57 =	vshll.u32 v5, $0x3  }
0x431: {  	v58 =	vand.u32 $0x7, v5;
	v6 =	vand.u32 $0xFFFFFFC0, v57  }
0x432: {  	v6 =	vor.u32 v58, v6  }
0x433: {  	v7 =	vperm.xlane v6, v1;
	_ =	sdelay $0x1  }
0x434: {  	v7 =	vadd.s32 v2, v7;
	_ =	sdelay $0x3  }
0x435: {  	[tilespmem:$0x11C0] =	vst v5  }
0x436: {  	[tilespmem:s0], [sflag:$0x4] =	stream.indirect_vreg.gather [hbm4b:s1+s3], $0x80, v7, vm0, $0xb8;
	[tilespmem:$0x15200] =	vst v63  }
0x437: {  	s15 =	simm.s32 $0xDA00;
	v5 =	vperm.xlane v6, v3  }
0x438: {  	[tilespmem:s15], [sflag:$0x4] =	stream.indirect_vreg.gather [hbm4b:s6+s3], $0x80, v7, vm0, $0xb8;
	[tilespmem:$0x15200] =	vst v63  }
0x439: {  	s28 =	simm.s32 $0xE200;
	v5 =	vadd.s32 v2, v5  }
0x43a: {  	[tilespmem:s28], [sflag:$0x4] =	stream.indirect_vreg.gather [hbm4b:s7+s3], $0x80, v7, vm0, $0xb8;
	[tilespmem:$0x15200] =	vst v63  }
0x43b: {  	s14 =	simm.s32 $0xEA00  }
0x43c: {  	[tilespmem:s14], [sflag:$0x4] =	stream.indirect_vreg.gather [hbm4b:s8+s3], $0x80, v7, vm0, $0xb8;
	[tilespmem:$0x15200] =	vst v63  }
0x43d: {  	s15 =	simm.s32 $0xF200  }
0x43e: {  	[tilespmem:s15], [sflag:$0x4] =	stream.indirect_vreg.gather [hbm4b:s1+s3], $0x80, v5, vm0, $0xb8;
	[tilespmem:$0x15200] =	vst v63  }
0x43f: {  	_ = 	snop  }
0x440: {  	[tilespmem:s4], [sflag:$0x4] =	stream.indirect_vreg.gather [hbm4b:s6+s3], $0x80, v5, vm0, $0xb8;
	[tilespmem:$0x15200] =	vst v63  }
0x441: {  	s28 =	simm.s32 $0x10200  }
0x442: {  	[tilespmem:s28], [sflag:$0x4] =	stream.indirect_vreg.gather [hbm4b:s7+s3], $0x80, v5, vm0, $0xb8;
	[tilespmem:$0x15200] =	vst v63  }
0x443: {  	s4 =	simm.s32 $0x10A00  }
0x444: {  	[tilespmem:s4], [sflag:$0x4] =	stream.indirect_vreg.gather [hbm4b:s8+s3], $0x80, v5, vm0, $0xb8;
	[tilespmem:$0x15200] =	vst v63  }
0x445: {  	_ =	swait.ge [sflag:s11], $0x4000  }
0x446: {  	s14 =	sld [smem:$0x7F7]  }
0x447: {  	[sflag:s11] =	ssyncset.done $0x0  }
0x448: {  	s15 =	simm.s32 $0x1200;
	[sflag:s11] =	ssyncadd.s32 $0xFFFFC000  }
0x449: {  	[hbm4b:s14+s3] =	stream.linear.scatter [tilespmem:s15], [sflag:$0x6], $0x4000, $0x38;
	[tilespmem:$0x15200] =	vst v63  }
0x44a: {  	_ =	swait.ge [sflag:s2], $0x4000  }
0x44b: {  	[sflag:s2] =	ssyncset.done $0x0  }
0x44c: {  	[sflag:s2] =	ssyncadd.s32 $0xFFFFC000  }
0x44d: {  	v5 =	vld [tilespmem:s5+$0x1D0];
	_ =	sdelay $0x4  }
0x44e: {  	vm1 =	vne.s32 v5, $0x1  }
0x44f: {  	v5 =	vsel vm1, $0x1, v0  }
0x450: {  	(xrf0) =	vadd.scan.msk.s32 $0xffff, v5;
	_ =	sdelay $0x4  }
0x451: {  	v4 =	vbroadcast v4, $0xF  }
0x452: {  	v5, _, _ =	vpop (xrf0)  }
0x453: {  	v4 =	vadd.s32 v4, v5  }
0x454: {  	v5 =	vadd.s32 $0x1, v4  }
0x455: {  	v5 =	vnsel vm1, $0x1, v5  }
0x456: {  	v59 =	vshll.u32 v5, $0x3  }
0x457: {  	v60 =	vand.u32 $0x7, v5;
	v6 =	vand.u32 $0xFFFFFFC0, v59  }
0x458: {  	v6 =	vor.u32 v60, v6  }
0x459: {  	v7 =	vperm.xlane v6, v1;
	_ =	sdelay $0x1  }
0x45a: {  	v7 =	vadd.s32 v2, v7;
	_ =	sdelay $0x3  }
0x45b: {  	[tilespmem:$0x11D0] =	vst v5  }
0x45c: {  	[tilespmem:s10], [sflag:$0x5] =	stream.indirect_vreg.gather [hbm4b:s1+s3], $0x80, v7, vm0, $0xb8;
	[tilespmem:$0x15200] =	vst v63  }
0x45d: {  	s28 =	simm.s32 $0x11A00;
	v5 =	vperm.xlane v6, v3  }
0x45e: {  	[tilespmem:s28], [sflag:$0x5] =	stream.indirect_vreg.gather [hbm4b:s6+s3], $0x80, v7, vm0, $0xb8;
	[tilespmem:$0x15200] =	vst v63  }
0x45f: {  	s4 =	simm.s32 $0x12200;
	v5 =	vadd.s32 v2, v5  }
0x460: {  	[tilespmem:s4], [sflag:$0x5] =	stream.indirect_vreg.gather [hbm4b:s7+s3], $0x80, v7, vm0, $0xb8;
	[tilespmem:$0x15200] =	vst v63  }
0x461: {  	s14 =	simm.s32 $0x12A00  }
0x462: {  	[tilespmem:s14], [sflag:$0x5] =	stream.indirect_vreg.gather [hbm4b:s8+s3], $0x80, v7, vm0, $0xb8;
	[tilespmem:$0x15200] =	vst v63  }
0x463: {  	s28 =	simm.s32 $0x13200  }
0x464: {  	[tilespmem:s28], [sflag:$0x5] =	stream.indirect_vreg.gather [hbm4b:s1+s3], $0x80, v5, vm0, $0xb8;
	[tilespmem:$0x15200] =	vst v63  }
0x465: {  	s4 =	simm.s32 $0x13A00  }
0x466: {  	[tilespmem:s4], [sflag:$0x5] =	stream.indirect_vreg.gather [hbm4b:s6+s3], $0x80, v5, vm0, $0xb8;
	[tilespmem:$0x15200] =	vst v63  }
0x467: {  	s14 =	simm.s32 $0x14200  }
0x468: {  	[tilespmem:s14], [sflag:$0x5] =	stream.indirect_vreg.gather [hbm4b:s7+s3], $0x80, v5, vm0, $0xb8;
	[tilespmem:$0x15200] =	vst v63  }
0x469: {  	s28 =	simm.s32 $0x14A00  }
0x46a: {  	[tilespmem:s28], [sflag:$0x5] =	stream.indirect_vreg.gather [hbm4b:s8+s3], $0x80, v5, vm0, $0xb8;
	[tilespmem:$0x15200] =	vst v63  }
0x46b: {  	_ =	swait.ge [sflag:s18], $0x4000  }
0x46c: {  	s4 =	sld [smem:$0x7F8]  }
0x46d: {  	[sflag:s18] =	ssyncset.done $0x0  }
0x46e: {  	s13 =	simm.s32 $0x5200;
	[sflag:s18] =	ssyncadd.s32 $0xFFFFC000  }
0x46f: {  	[hbm4b:s4+s3] =	stream.linear.scatter [tilespmem:s13], [sflag:$0x7], $0x4000, $0x38;
	[tilespmem:$0x15200] =	vst v63  }
0x470: {  	_ =	swait.ge [sflag:s25], $0x4000  }
0x471: {  	[sflag:s25] =	ssyncset.done $0x0  }
0x472: {  	[sflag:s25] =	ssyncadd.s32 $0xFFFFC000  }
0x473: {  	v5 =	vld [tilespmem:s5+$0x1E0];
	_ =	sdelay $0x4  }
0x474: {  	vm1 =	vne.s32 v5, $0x1  }
0x475: {  	v5 =	vsel vm1, $0x1, v0  }
0x476: {  	(xrf0) =	vadd.scan.msk.s32 $0xffff, v5;
	_ =	sdelay $0x4  }
0x477: {  	v4 =	vbroadcast v4, $0xF  }
0x478: {  	v5, _, _ =	vpop (xrf0)  }
0x479: {  	v4 =	vadd.s32 v4, v5  }
0x47a: {  	v4 =	vadd.s32 $0x1, v4  }
0x47b: {  	v5 =	vnsel vm1, $0x1, v4  }
0x47c: {  	v61 =	vshll.u32 v5, $0x3  }
0x47d: {  	v62 =	vand.u32 $0x7, v5;
	v6 =	vand.u32 $0xFFFFFFC0, v61  }
0x47e: {  	v6 =	vor.u32 v62, v6  }
0x47f: {  	v7 =	vperm.xlane v6, v1;
	_ =	sdelay $0x1  }
0x480: {  	v7 =	vadd.s32 v2, v7;
	_ =	sdelay $0x3  }
0x481: {  	[tilespmem:$0x11E0] =	vst v5  }
0x482: {  	[tilespmem:s15], [sflag:$0x1] =	stream.indirect_vreg.gather [hbm4b:s1+s3], $0x80, v7, vm0, $0xb8;
	[tilespmem:$0x15200] =	vst v63  }
0x483: {  	s14 =	simm.s32 $0x1A00;
	v5 =	vperm.xlane v6, v3  }
0x484: {  	[tilespmem:s14], [sflag:$0x1] =	stream.indirect_vreg.gather [hbm4b:s6+s3], $0x80, v7, vm0, $0xb8;
	[tilespmem:$0x15200] =	vst v63  }
0x485: {  	v5 =	vadd.s32 v2, v5;
	s15 =	simm.s32 $0x2200  }
0x486: {  	[tilespmem:s15], [sflag:$0x1] =	stream.indirect_vreg.gather [hbm4b:s7+s3], $0x80, v7, vm0, $0xb8;
	[tilespmem:$0x15200] =	vst v63  }
0x487: {  	s28 =	simm.s32 $0x2A00  }
0x488: {  	[tilespmem:s28], [sflag:$0x1] =	stream.indirect_vreg.gather [hbm4b:s8+s3], $0x80, v7, vm0, $0xb8;
	[tilespmem:$0x15200] =	vst v63  }
0x489: {  	s14 =	simm.s32 $0x3200  }
0x48a: {  	[tilespmem:s14], [sflag:$0x1] =	stream.indirect_vreg.gather [hbm4b:s1+s3], $0x80, v5, vm0, $0xb8;
	[tilespmem:$0x15200] =	vst v63  }
0x48b: {  	s15 =	simm.s32 $0x3A00  }
0x48c: {  	[tilespmem:s15], [sflag:$0x1] =	stream.indirect_vreg.gather [hbm4b:s6+s3], $0x80, v5, vm0, $0xb8;
	[tilespmem:$0x15200] =	vst v63  }
0x48d: {  	s28 =	simm.s32 $0x4200  }
0x48e: {  	[tilespmem:s28], [sflag:$0x1] =	stream.indirect_vreg.gather [hbm4b:s7+s3], $0x80, v5, vm0, $0xb8;
	[tilespmem:$0x15200] =	vst v63  }
0x48f: {  	s14 =	simm.s32 $0x4A00  }
0x490: {  	[tilespmem:s14], [sflag:$0x1] =	stream.indirect_vreg.gather [hbm4b:s8+s3], $0x80, v5, vm0, $0xb8;
	[tilespmem:$0x15200] =	vst v63  }
0x491: {  	_ =	swait.ge [sflag:s17], $0x4000  }
0x492: {  	s15 =	sld [smem:$0x7F9]  }
0x493: {  	[sflag:s17] =	ssyncset.done $0x0  }
0x494: {  	s19 =	simm.s32 $0x9200;
	[sflag:s17] =	ssyncadd.s32 $0xFFFFC000  }
0x495: {  	[hbm4b:s15+s3] =	stream.linear.scatter [tilespmem:s19], [sflag:$0x8], $0x4000, $0x38;
	[tilespmem:$0x15200] =	vst v63  }
0x496: {  	_ =	swait.ge [sflag:s16], $0x4000  }
0x497: {  	[sflag:s16] =	ssyncset.done $0x0  }
0x498: {  	[sflag:s16] =	ssyncadd.s32 $0xFFFFC000  }
0x499: {  	v5 =	vld [tilespmem:s5+$0x1F0];
	_ =	sdelay $0x4  }
0x49a: {  	vm1 =	vne.s32 v5, $0x1  }
0x49b: {  	v5 =	vsel vm1, $0x1, v0  }
0x49c: {  	(xrf0) =	vadd.scan.msk.s32 $0xffff, v5;
	_ =	sdelay $0x4  }
0x49d: {  	v4 =	vbroadcast v4, $0xF  }
0x49e: {  	v5, _, _ =	vpop (xrf0)  }
0x49f: {  	v4 =	vadd.s32 v5, v4  }
0x4a0: {  	v4 =	vnsel vm1, $0x1, v4  }
0x4a1: {  	v5 =	vshll.u32 v4, $0x3  }
0x4a2: {  	v63 =	vand.u32 $0x7, v4;
	v5 =	vand.u32 $0xFFFFFFC0, v5  }
0x4a3: {  	v5 =	vor.u32 v63, v5  }
0x4a4: {  	v6 =	vperm.xlane v5, v1;
	_ =	sdelay $0x1  }
0x4a5: {  	v6 =	vadd.s32 v2, v6;
	_ =	sdelay $0x3  }
0x4a6: {  	[tilespmem:$0x11F0] =	vst v4  }
0x4a7: {  	[tilespmem:s13], [sflag:$0x2] =	stream.indirect_vreg.gather [hbm4b:s1+s3], $0x80, v6, vm0, $0xb8;
	[tilespmem:$0x15200] =	vst v63  }
0x4a8: {  	s30 =	simm.s32 $0x5A00;
	v4 =	vperm.xlane v5, v3  }
0x4a9: {  	[tilespmem:s30], [sflag:$0x2] =	stream.indirect_vreg.gather [hbm4b:s6+s3], $0x80, v6, vm0, $0xb8;
	[tilespmem:$0x15200] =	vst v63  }
0x4aa: {  	s31 =	simm.s32 $0x6200;
	v4 =	vadd.s32 v2, v4  }
0x4ab: {  	[tilespmem:s31], [sflag:$0x2] =	stream.indirect_vreg.gather [hbm4b:s7+s3], $0x80, v6, vm0, $0xb8;
	[tilespmem:$0x15200] =	vst v63  }
0x4ac: {  	s26 =	simm.s32 $0x6A00  }
0x4ad: {  	[tilespmem:s26], [sflag:$0x2] =	stream.indirect_vreg.gather [hbm4b:s8+s3], $0x80, v6, vm0, $0xb8;
	[tilespmem:$0x15200] =	vst v63  }
0x4ae: {  	s20 =	simm.s32 $0x7200  }
0x4af: {  	[tilespmem:s20], [sflag:$0x2] =	stream.indirect_vreg.gather [hbm4b:s1+s3], $0x80, v4, vm0, $0xb8;
	[tilespmem:$0x15200] =	vst v63  }
0x4b0: {  	s12 =	simm.s32 $0x7A00  }
0x4b1: {  	[tilespmem:s12], [sflag:$0x2] =	stream.indirect_vreg.gather [hbm4b:s6+s3], $0x80, v4, vm0, $0xb8;
	[tilespmem:$0x15200] =	vst v63  }
0x4b2: {  	s29 =	simm.s32 $0x8200  }
0x4b3: {  	[tilespmem:s29], [sflag:$0x2] =	stream.indirect_vreg.gather [hbm4b:s7+s3], $0x80, v4, vm0, $0xb8;
	[tilespmem:$0x15200] =	vst v63  }
0x4b4: {  	s21 =	simm.s32 $0x8A00  }
0x4b5: {  	[tilespmem:s21], [sflag:$0x2] =	stream.indirect_vreg.gather [hbm4b:s8+s3], $0x80, v4, vm0, $0xb8;
	[tilespmem:$0x15200] =	vst v63  }
0x4b6: {  	_ =	swait.ge [sflag:s22], $0x4000  }
0x4b7: {  	[sflag:s22] =	ssyncset.done $0x0  }
0x4b8: {  	[sflag:s22] =	ssyncadd.s32 $0xFFFFC000;
	s22 =	sld [smem:$0x7FA];
	_ =	sdelay $0x1  }
0x4b9: {  	s9 =	simm.s32 $0xD200  }
0x4ba: {  	[hbm4b:s22+s3] =	stream.linear.scatter [tilespmem:s9], [sflag:$0x9], $0x4000, $0x38;
	[tilespmem:$0x15200] =	vst v63  }
0x4bb: {  	_ =	swait.ge [sflag:s23], $0x4000  }
0x4bc: {  	[sflag:s23] =	ssyncset.done $0x0  }
0x4bd: {  	[sflag:s23] =	ssyncadd.s32 $0xFFFFC000;
	s23 =	sld [smem:$0x7FB];
	_ =	sdelay $0x2  }
0x4be: {  	[hbm4b:s23+s3] =	stream.linear.scatter [tilespmem:s10], [sflag:$0xA], $0x4000, $0x38;
	[tilespmem:$0x15200] =	vst v63  }
0x4bf: {  	_ =	swait.ge [sflag:s11], $0x4000  }
0x4c0: {  	s26 =	sld [smem:$0x7FC]  }
0x4c1: {  	[sflag:s11] =	ssyncset.done $0x0  }
0x4c2: {  	s0 =	simm.s32 $0x1200;
	[sflag:s11] =	ssyncadd.s32 $0xFFFFC000  }
0x4c3: {  	[hbm4b:s26+s3] =	stream.linear.scatter [tilespmem:s0], [sflag:$0x6], $0x4000, $0x38;
	[tilespmem:$0x15200] =	vst v63  }
0x4c4: {  	_ =	swait.ge [sflag:s18], $0x4000  }
0x4c5: {  	s29 =	sld [smem:$0x7FD]  }
0x4c6: {  	[sflag:s18] =	ssyncset.done $0x0  }
0x4c7: {  	[sflag:s18] =	ssyncadd.s32 $0xFFFFC000  }
0x4c8: {  	[hbm4b:s29+s3] =	stream.linear.scatter [tilespmem:s13], [sflag:$0x7], $0x4000, $0x38;
	[tilespmem:$0x15200] =	vst v63  }
0x4c9: {  	_ =	swait.ge [sflag:s24], $0x4000  }
0x4ca: {  	[sflag:s24] =	ssyncset.done $0x0  }
0x4cb: {  	[sflag:s24] =	ssyncadd.s32 $0xFFFFC000  }
0x4cc: {  	_ =	swait.ge [sflag:s2], $0x4000  }
0x4cd: {  	[sflag:s2] =	ssyncset.done $0x0  }
0x4ce: {  	[sflag:s2] =	ssyncadd.s32 $0xFFFFC000  }
0x4cf: {  	_ =	swait.ge [sflag:s25], $0x4000  }
0x4d0: {  	[sflag:s25] =	ssyncset.done $0x0  }
0x4d1: {  	[sflag:s25] =	ssyncadd.s32 $0xFFFFC000  }
0x4d2: {  	_ =	swait.ge [sflag:s16], $0x4000  }
0x4d3: {  	s30 =	sld [smem:$0x7F6];
	_ =	sdelay $0x2  }
0x4d4: {  	s31 =	rddreg [dreg:$0x14];
	s0 =	sadd.s32 $0x1, s30  }
0x4d5: {  	p1 =	sne.s32 s0, s31  }
.Ltmp1:
0x4d6: {  	_ = 	snop;
	(pc) =	sbr.rel @!p1 .LBB2_6-.Ltmp1, $3  }
0x4d7: {  	_ =	sdelay $0x1  }
0x4d8: {  	[sflag:s16] =	ssyncset.done $0x0  }
0x4d9: {  	[sflag:s16] =	ssyncadd.s32 $0xFFFFC000  }
.LBB2_1:
.Ltmp2:
0x4da: {  	s28 =	rddreg [dreg:$0x4];
	s31 =	simm.s32 $0xB;
	(pc) =	sbr.rel @p0 .LBB2_5-.Ltmp2, $4  }
0x4db: {  	[tilespmem:s3], [sflag:$0xB] =	stream.linear.gather [hbm4b:s28+s3], $0x1000, $0x38;
	[tilespmem:$0x15200] =	vst v63  }
0x4dc: {  	_ =	swait.ge [sflag:s31], $0x1000  }
0x4dd: {  	[sflag:s31] =	ssyncset.done $0x0  }
0x4de: {  	s29 =	simm.s32 $0x20;
	v4 =	vimm.s32 $0x0;
	[sflag:s31] =	ssyncadd.s32 $0xFFFFF000  }
0x4df: {  	s28 =	rddreg [dreg:$0x15]  }
0x4e0: {  	v7 =	vld [tilespmem:s29+$0xFFFFFFE0];
	p1 =	sne.s32 s28, $0x1  }
.Ltmp3:
0x4e1: {  	v6 =	vld [tilespmem:s29+$0xFFFFFFF0];
	(pc) =	sbr.rel @!p1 .LBB2_4-.Ltmp3, $3  }
0x4e2: {  	v5 =	vld [tilespmem:s29+$0x0]  }
0x4e3: {  	v4 =	vld [tilespmem:s29+$0x10];
	_ =	sdelay $0x1  }
0x4e4: {  	s29 =	sadd.s32 $0x40, s29;
	s28 =	sadd.s32 $0xFFFFFFFF, s28;
	vm1 =	vne.s32 v7, $0x1;
	v7 =	vimm.s32 $0x0  }
.LBB2_3:
0x4e5: {  	v8 =	vld [tilespmem:s29+$0xFFFFFFE0];
	p1 =	sne.s32 s28, $0x1;
	s28 =	sadd.s32 $0xFFFFFFFF, s28;
	v9 =	vsel vm1, $0x1, v0;
	vm1 =	vne.s32 v6, $0x1  }
.Ltmp4:
0x4e6: {  	v6 =	vld [tilespmem:s29+$0xFFFFFFF0];
	v7 =	vadd.s32 v9, v7;
	v9 =	vsel vm1, $0x1, v0;
	vm1 =	vne.s32 v5, $0x1;
	(pc) =	sbr.rel @p1 .LBB2_3-.Ltmp4, $4  }
0x4e7: {  	v5 =	vld [tilespmem:s29+$0x0];
	v7 =	vadd.s32 v9, v7;
	v9 =	vsel vm1, $0x1, v0;
	vm1 =	vne.s32 v4, $0x1  }
0x4e8: {  	v4 =	vld [tilespmem:s29+$0x10];
	v7 =	vadd.s32 v9, v7;
	v9 =	vsel vm1, $0x1, v0  }
0x4e9: {  	v7 =	vadd.s32 v9, v7  }
0x4ea: {  	s29 =	sadd.s32 $0x40, s29;
	vm1 =	vne.s32 v8, $0x1  }
.Ltmp5:
0x4eb: {  	_ = 	snop;
	(pc) =	sbr.rel .LBB2_4-.Ltmp5, $1  }
0x4ec: {  	_ =	sdelay $0x3  }
.LBB2_6:
0x4ed: {  	_ =	sfence.sel $0x180000  }
0x4ee: {  	[bflag:$0x0] =	sbarrier.arrive $0xFFFF  }
0x4ef: {  	_ =	strace $0x90000047  }
0x4f0: {  	s0 =	stileid.u32;
	[bflag:$0x2] =	sbarrier.arrive $0xFFFF  }
0x4f1: {  	p0 =	sne.s32 s0, $0x0;
	s0 =	rddreg [dreg:$0x3]  }
0x4f2: {  	s0 =	sadd.s32 @!p0 $0x100000, s0  }
0x4f3: {  	[sflag:s0] =	ssyncadd.tile.s32 @!p0 $0x1;
	_ =	shalt  }
.Lfunc_end2:
_tile_overlayer_lowered:
.L_overlay_start_2:
0x4f4: {  	(tag) =	ssettag $0x2  }
0x4f5: {  	s0 =	rddreg [dreg:$0x0];
	s2 =	stileid.u32  }
0x4f6: {  	s1 =	rddreg [dreg:$0x1];
	p0 =	sne.s32 s2, $0x0  }
0x4f7: {  	s3 =	rddreg [dreg:$0x2];
	[bflag:$0x3] =	sbarrier.arrive $0xFFFF;
	s2 =	simm.s32 @!p0 $0x1C0B  }
0x4f8: {  	[timem:s3], [sflag:s2] =	dma.local @!p0 [hbm:s0], s1  }
0x4f9: {  	s0 =	simm.s32 @!p0 $0xB  }
0x4fa: {  	_ =	swait.ge @!p0 [sflag:s0], s1  }
0x4fb: {  	s1 =	ssub.s32 @!p0 $0x0, s1;
	[sflag:s0] =	ssyncset.done @!p0 $0x0  }
0x4fc: {  	[sflag:s0] =	ssyncadd.s32 @!p0 s1  }
0x4fd: {  	[bflag:$0x3] =	sbarrier.arrive $0xFFFF  }
0x4fe: {  	_ =	shalt  }

</sc_bundles>
